<compile_context>
chip_gen: v7x
topology: tpu7x:2x2x1
jax: 0.10.2.dev20260603
libtpu: 0.0.44.dev20260713+nightly
codegen_flags: <defaults>
</compile_context>

<pallas_src>
import functools
import math

import jax
import jax.numpy as jnp
from jax import lax
from jax.experimental import pallas as pl
from jax.experimental.pallas import tpu as pltpu
from jax.experimental.pallas import tpu_sc as plsc

D_MODEL = 128
SCALE = math.sqrt(D_MODEL)

_NC = 2
_NS = 16
_NW = _NC * _NS
_LANES = 16

_CH = 128
_NBUF = 4
_A = 2


@functools.lru_cache(maxsize=None)
def _make_kernel(B: int):
    assert B % (_NW * _CH * _NBUF) == 0
    n_per_w = B // _NW
    n_chunks = n_per_w // _CH
    n_trips = n_chunks // _NBUF
    assert n_chunks >= _NBUF + _A
    mesh = plsc.VectorSubcoreMesh(core_axis_name="c", subcore_axis_name="s")

    @functools.partial(
        pl.kernel,
        mesh=mesh,
        out_type=jax.ShapeDtypeStruct((B, D_MODEL), jnp.float32),
        scratch_types=[
            pltpu.VMEM((n_per_w,), jnp.int32),
            pltpu.VMEM((_NBUF, _CH, D_MODEL), jnp.float32),
            pltpu.SemaphoreType.DMA((_NBUF,)),
            pltpu.SemaphoreType.DMA((_NBUF,)),
        ],
    )
    def gather_scale(x_hbm, table_hbm, out_hbm, idx_all, rows, gsem, osem):
        wid = lax.axis_index("s") * _NC + lax.axis_index("c")
        base = wid * n_per_w

        pltpu.sync_copy(x_hbm.at[pl.ds(base, n_per_w)], idx_all)

        def fire_gather(g, b):
            pltpu.async_copy(
                table_hbm.at[idx_all.at[pl.ds(g * _CH, _CH)]],
                rows.at[b], gsem.at[b])

        def wait_gather(g, b):
            pltpu.make_async_copy(
                table_hbm.at[idx_all.at[pl.ds(g * _CH, _CH)]],
                rows.at[b], gsem.at[b]).wait()

        def wait_out(b):
            pltpu.make_async_copy(
                rows.at[b], out_hbm.at[pl.ds(base, _CH)], osem.at[b]).wait()

        for b in range(_A):
            fire_gather(b, b)

        def trip_body(t, carry):
            for b in range(_NBUF):
                g = t * _NBUF + b
                off = base + g * _CH
                wait_gather(g, b)
                buf = rows.at[b]

                def row_body(i, c):
                    for j in range(D_MODEL // _LANES):
                        sl = pl.ds(j * _LANES, _LANES)
                        buf[i, sl] = buf[i, sl] * SCALE
                    return c

                half = _CH // 2
                lax.fori_loop(0, half, row_body, 0, unroll=False)
                pltpu.async_copy(buf.at[pl.ds(0, half)],
                                 out_hbm.at[pl.ds(off, half)], osem.at[b])
                lax.fori_loop(half, _CH, row_body, 0, unroll=False)
                pltpu.async_copy(buf.at[pl.ds(half, half)],
                                 out_hbm.at[pl.ds(off + half, half)],
                                 osem.at[b])

                bq = (b + _A) % _NBUF
                if b + _A < _NBUF:
                    @pl.when(t > 0)
                    def _wait_prev_out():
                        wait_out(bq)
                    fire_gather(g + _A, bq)
                else:
                    @pl.when(t < n_trips - 1)
                    def _prefetch_next_trip():
                        wait_out(bq)
                        fire_gather(g + _A, bq)
            return carry

        lax.fori_loop(0, n_trips, trip_body, 0, unroll=False)

        for k in range(_A):
            wait_out((n_chunks - _A + k) % _NBUF)

    return gather_scale


def kernel(x, table):
    S, T = x.shape
    B = S * T
    x_flat = x.reshape(B).astype(jnp.int32)
    out = _make_kernel(B)(x_flat, table)
    return out.reshape(S, T, D_MODEL)

# --- scband reference (transcript-rebuilt; emitter-appended) ---
"""Pipeline reference for scband-input-embedding-60833916780690 (READ-ONLY COPY).

The authoritative reference and input builder live on the scoring server;
editing this copy changes nothing except your own understanding.
"""

import jax, jax.numpy as jnp
import numpy as np
import math

D_MODEL = 128
VOCAB_SIZE = 100000

def setup_inputs(seed: int = 0) -> dict:
    key = jax.random.key(seed)
    k_idx, k_tab = jax.random.split(key)
    x = jax.random.randint(k_idx, (4096, 200), 0, VOCAB_SIZE, dtype=jnp.int64 if jax.config.jax_enable_x64 else jnp.int32)
    table = jax.random.normal(k_tab, (VOCAB_SIZE, D_MODEL), dtype=jnp.float32)
    return {"x": x, "table": table}

def reference(x, table):
    # InputEmbedding.forward: embedding lookup scaled by sqrt(d_model)
    emb = jnp.take(table, x, axis=0)
    return emb * math.sqrt(D_MODEL)

if __name__ == "__main__":
    import jax
    _d = setup_inputs()
    print(jax.jit(kernel)(*tuple(_d.values())))

</pallas_src>

<mosaic_0001>
#map = affine_map<(d0, d1) -> (0)>
#map1 = affine_map<(d0, d1) -> (0, 0)>
module attributes {stable_mosaic.version = 14 : i64} {
  func.func @gather_scale(%arg0: i32, %arg1: i32, %arg2: memref<819200xi32, #tpu.memory_space<hbm>>, %arg3: memref<100000x128xf32, #tpu.memory_space<hbm>>, %arg4: memref<819200x128xf32, #tpu.memory_space<hbm>>, %arg5: memref<25600xi32, #tpu.memory_space<vmem>>, %arg6: memref<4x128x128xf32, #tpu.memory_space<vmem>>, %arg7: memref<4x!tpu.dma_semaphore, #tpu.memory_space<semaphore_mem>>, %arg8: memref<4x!tpu.dma_semaphore, #tpu.memory_space<semaphore_mem>>) attributes {dimension_semantics = [#tpu.dimension_semantics<core_parallel>, #tpu.dimension_semantics<subcore_parallel>], iteration_bounds = array<i64: 2, 16>, scalar_prefetch = 0 : i64, scratch_operands = 4 : i64, tpu.core_type = #tpu.core_type<sc_vector_subcore>, window_params = [{transform_indices = #map}, {transform_indices = #map1}, {transform_indices = #map1}]} {
    %mul3A = arith.constant 2 : i32
    %mul3A_0 = arith.muli %arg1, %mul3A : i32
    %add3A = arith.addi %mul3A_0, %arg0 : i32
    %mul3A_1 = arith.constant 25600 : i32
    %mul3A_2 = arith.muli %add3A, %mul3A_1 : i32
    "tpu.region"() ({
      %run_scoped3A = tpu.sem_alloc : memref<!tpu.dma_semaphore, #tpu.memory_space<semaphore_mem>>
      %dma_start3A_64 = tpu.memref_slice %arg2[%mul3A_2] : memref<819200xi32, #tpu.memory_space<hbm>> -> memref<25600xi32, #tpu.memory_space<hbm>>
      %dma_start3A_65 = tpu.memref_slice %arg2[%mul3A_2] : memref<819200xi32, #tpu.memory_space<hbm>> -> memref<25600xi32, #tpu.memory_space<hbm>>
      tpu.enqueue_dma source(%dma_start3A_65 : memref<25600xi32, #tpu.memory_space<hbm>>) target(%arg5 : memref<25600xi32, #tpu.memory_space<vmem>>) target_semaphore(%run_scoped3A : memref<!tpu.dma_semaphore, #tpu.memory_space<semaphore_mem>>)
      %dma_wait3A_66 = tpu.memref_slice %arg2[%mul3A_2] : memref<819200xi32, #tpu.memory_space<hbm>> -> memref<25600xi32, #tpu.memory_space<hbm>>
      %dma_wait3A_67 = tpu.memref_slice %arg2[%mul3A_2] : memref<819200xi32, #tpu.memory_space<hbm>> -> memref<25600xi32, #tpu.memory_space<hbm>>
      tpu.wait_dma2 semaphore(%run_scoped3A : memref<!tpu.dma_semaphore, #tpu.memory_space<semaphore_mem>>) src(%dma_wait3A_67 : memref<25600xi32, #tpu.memory_space<hbm>>) dst(%arg5 : memref<25600xi32, #tpu.memory_space<vmem>>)
      tpu.yield
    }) : () -> ()
    %dma_start3A = arith.constant 0 : i32
    %dma_start3A_3 = arith.constant 0 : i32
    %dma_start3A_4 = arith.constant 0 : i32
    %dma_start3A_5 = arith.constant 0 : i32
    %dma_start3A_6 = tpu.memref_slice %arg6[%dma_start3A, %dma_start3A_4, %dma_start3A_5] : memref<4x128x128xf32, #tpu.memory_space<vmem>> -> memref<1x128x128xf32, #tpu.memory_space<vmem>>
    %dma_start3A_7 = tpu.memref_squeeze %dma_start3A_6 : memref<1x128x128xf32, #tpu.memory_space<vmem>> -> memref<128x128xf32, #tpu.memory_space<vmem>>
    %dma_start3A_8 = arith.constant 0 : i32
    %dma_start3A_9 = tpu.memref_slice %arg5[%dma_start3A_8] : memref<25600xi32, #tpu.memory_space<vmem>> -> memref<128xi32, #tpu.memory_space<vmem>>
    %dma_start3A_10 = arith.constant 0 : i32
    %dma_start3A_11 = arith.constant 0 : i32
    %dma_start3A_12 = tpu.memref_slice %arg3[%dma_start3A_10, %dma_start3A_11] : memref<100000x128xf32, #tpu.memory_space<hbm>> -> memref<100000x128xf32, #tpu.memory_space<hbm>>
    %dma_start3A_13 = tpu.memref_slice %arg7[%dma_start3A_3] : memref<4x!tpu.dma_semaphore, #tpu.memory_space<semaphore_mem>> -> memref<1x!tpu.dma_semaphore, #tpu.memory_space<semaphore_mem>>
    %dma_start3A_14 = tpu.memref_squeeze %dma_start3A_13 : memref<1x!tpu.dma_semaphore, #tpu.memory_space<semaphore_mem>> -> memref<!tpu.dma_semaphore, #tpu.memory_space<semaphore_mem>>
    tpu.enqueue_indirect_dma source(%dma_start3A_12 : memref<100000x128xf32, #tpu.memory_space<hbm>>) target(%dma_start3A_7 : memref<128x128xf32, #tpu.memory_space<vmem>>) offsets(%dma_start3A_9 : memref<128xi32, #tpu.memory_space<vmem>>) semaphore(%dma_start3A_14 : memref<!tpu.dma_semaphore, #tpu.memory_space<semaphore_mem>>)
    %dma_start3A_15 = arith.constant 1 : i32
    %dma_start3A_16 = arith.constant 1 : i32
    %dma_start3A_17 = arith.constant 0 : i32
    %dma_start3A_18 = arith.constant 0 : i32
    %dma_start3A_19 = tpu.memref_slice %arg6[%dma_start3A_15, %dma_start3A_17, %dma_start3A_18] : memref<4x128x128xf32, #tpu.memory_space<vmem>> -> memref<1x128x128xf32, #tpu.memory_space<vmem>>
    %dma_start3A_20 = tpu.memref_squeeze %dma_start3A_19 : memref<1x128x128xf32, #tpu.memory_space<vmem>> -> memref<128x128xf32, #tpu.memory_space<vmem>>
    %dma_start3A_21 = arith.constant 128 : i32
    %dma_start3A_22 = tpu.memref_slice %arg5[%dma_start3A_21] : memref<25600xi32, #tpu.memory_space<vmem>> -> memref<128xi32, #tpu.memory_space<vmem>>
    %dma_start3A_23 = arith.constant 0 : i32
    %dma_start3A_24 = arith.constant 0 : i32
    %dma_start3A_25 = tpu.memref_slice %arg3[%dma_start3A_23, %dma_start3A_24] : memref<100000x128xf32, #tpu.memory_space<hbm>> -> memref<100000x128xf32, #tpu.memory_space<hbm>>
    %dma_start3A_26 = tpu.memref_slice %arg7[%dma_start3A_16] : memref<4x!tpu.dma_semaphore, #tpu.memory_space<semaphore_mem>> -> memref<1x!tpu.dma_semaphore, #tpu.memory_space<semaphore_mem>>
    %dma_start3A_27 = tpu.memref_squeeze %dma_start3A_26 : memref<1x!tpu.dma_semaphore, #tpu.memory_space<semaphore_mem>> -> memref<!tpu.dma_semaphore, #tpu.memory_space<semaphore_mem>>
    tpu.enqueue_indirect_dma source(%dma_start3A_25 : memref<100000x128xf32, #tpu.memory_space<hbm>>) target(%dma_start3A_20 : memref<128x128xf32, #tpu.memory_space<vmem>>) offsets(%dma_start3A_22 : memref<128xi32, #tpu.memory_space<vmem>>) semaphore(%dma_start3A_27 : memref<!tpu.dma_semaphore, #tpu.memory_space<semaphore_mem>>)
    %scan3A = arith.constant 0 : i32
    %scan3A_28 = arith.constant 0 : i32
    %scan3A_29 = arith.constant 50 : i32
    %scan3A_30 = arith.addi %scan3A_28, %scan3A_29 : i32
    %scan3A_31 = arith.constant 1 : i32
    scf.for %scan3A_64 = %scan3A_28 to %scan3A_30 step %scan3A_31  : i32 {
      %mul3A_65 = arith.constant 4 : i32
      %mul3A_66 = arith.muli %scan3A_64, %mul3A_65 : i32
      %add3A_67 = arith.constant 0 : i32
      %add3A_68 = arith.addi %mul3A_66, %add3A_67 : i32
      %mul3A_69 = arith.constant 128 : i32
      %mul3A_70 = arith.muli %add3A_68, %mul3A_69 : i32
      %add3A_71 = arith.addi %mul3A_2, %mul3A_70 : i32
      %mul3A_72 = arith.constant 128 : i32
      %mul3A_73 = arith.muli %add3A_68, %mul3A_72 : i32
      %dma_wait3A_74 = arith.constant 0 : i32
      %dma_wait3A_75 = arith.constant 0 : i32
      %dma_wait3A_76 = arith.constant 0 : i32
      %dma_wait3A_77 = arith.constant 0 : i32
      %dma_wait3A_78 = tpu.memref_slice %arg6[%dma_wait3A_74, %dma_wait3A_76, %dma_wait3A_77] : memref<4x128x128xf32, #tpu.memory_space<vmem>> -> memref<1x128x128xf32, #tpu.memory_space<vmem>>
      %dma_wait3A_79 = tpu.memref_squeeze %dma_wait3A_78 : memref<1x128x128xf32, #tpu.memory_space<vmem>> -> memref<128x128xf32, #tpu.memory_space<vmem>>
      %dma_wait3A_80 = tpu.memref_slice %arg5[%mul3A_73] : memref<25600xi32, #tpu.memory_space<vmem>> -> memref<128xi32, #tpu.memory_space<vmem>>
      %dma_wait3A_81 = arith.constant 0 : i32
      %dma_wait3A_82 = arith.constant 0 : i32
      %dma_wait3A_83 = tpu.memref_slice %arg3[%dma_wait3A_81, %dma_wait3A_82] : memref<100000x128xf32, #tpu.memory_space<hbm>> -> memref<100000x128xf32, #tpu.memory_space<hbm>>
      %dma_wait3A_84 = tpu.memref_slice %arg7[%dma_wait3A_75] : memref<4x!tpu.dma_semaphore, #tpu.memory_space<semaphore_mem>> -> memref<1x!tpu.dma_semaphore, #tpu.memory_space<semaphore_mem>>
      %dma_wait3A_85 = tpu.memref_squeeze %dma_wait3A_84 : memref<1x!tpu.dma_semaphore, #tpu.memory_space<semaphore_mem>> -> memref<!tpu.dma_semaphore, #tpu.memory_space<semaphore_mem>>
      tpu.wait_indirect_dma semaphore(%dma_wait3A_85 : memref<!tpu.dma_semaphore, #tpu.memory_space<semaphore_mem>>) src(%dma_wait3A_83 : memref<100000x128xf32, #tpu.memory_space<hbm>>) dst(%dma_wait3A_79 : memref<128x128xf32, #tpu.memory_space<vmem>>)
      %scan3A_86 = arith.constant 0 : i32
      %scan3A_87 = arith.constant 0 : i32
      %scan3A_88 = arith.constant 0 : i32
      %scan3A_89 = arith.constant 64 : i32
      %scan3A_90 = arith.addi %scan3A_88, %scan3A_89 : i32
      %scan3A_91 = arith.constant 1 : i32
      scf.for %scan3A_437 = %scan3A_88 to %scan3A_90 step %scan3A_91  : i32 {
        %get3A = arith.constant 0 : i32
        %get3A_438 = arith.constant 0 : i32
        %get3A_439 = tpu.memref_slice %arg6[%scan3A_87, %get3A, %get3A_438] : memref<4x128x128xf32, #tpu.memory_space<vmem>> -> memref<1x128x128xf32, #tpu.memory_space<vmem>>
        %get3A_440 = tpu.memref_squeeze %get3A_439 : memref<1x128x128xf32, #tpu.memory_space<vmem>> -> memref<128x128xf32, #tpu.memory_space<vmem>>
        %get3A_441 = arith.index_cast %scan3A_437 : i32 to index
        %get3A_442 = arith.constant 0 : index
        %get3A_443 = tpu.vector_load %get3A_440[%get3A_441, %get3A_442] {strides = array<i32>} : memref<128x128xf32, #tpu.memory_space<vmem>>, vector<1x16xf32>,
        %get3A_444 = vector.shape_cast %get3A_443 : vector<1x16xf32> to vector<16xf32>
        %mul3A_445 = arith.constant 11.3137083 : f32
        %mul3A_446 = vector.broadcast %mul3A_445 : f32 to vector<16xf32>
        %mul3A_447 = arith.mulf %get3A_444, %mul3A_446 : vector<16xf32>
        %swap3A = arith.constant 0 : i32
        %swap3A_448 = arith.constant 0 : i32
        %swap3A_449 = tpu.memref_slice %arg6[%scan3A_87, %swap3A, %swap3A_448] : memref<4x128x128xf32, #tpu.memory_space<vmem>> -> memref<1x128x128xf32, #tpu.memory_space<vmem>>
        %swap3A_450 = tpu.memref_squeeze %swap3A_449 : memref<1x128x128xf32, #tpu.memory_space<vmem>> -> memref<128x128xf32, #tpu.memory_space<vmem>>
        %swap3A_451 = arith.index_cast %scan3A_437 : i32 to index
        %swap3A_452 = arith.constant 0 : index
        %swap3A_453 = tpu.vector_load %swap3A_450[%swap3A_451, %swap3A_452] {strides = array<i32>} : memref<128x128xf32, #tpu.memory_space<vmem>>, vector<1x16xf32>,
        %swap3A_454 = vector.shape_cast %swap3A_453 : vector<1x16xf32> to vector<16xf32>
        %swap3A_455 = vector.shape_cast %mul3A_447 : vector<16xf32> to vector<1x16xf32>
        tpu.vector_store %swap3A_450[%swap3A_451, %swap3A_452], %swap3A_455 {strides = array<i32>} : memref<128x128xf32, #tpu.memory_space<vmem>>, vector<1x16xf32>,
        %get3A_456 = arith.constant 0 : i32
        %get3A_457 = arith.constant 0 : i32
        %get3A_458 = tpu.memref_slice %arg6[%scan3A_87, %get3A_456, %get3A_457] : memref<4x128x128xf32, #tpu.memory_space<vmem>> -> memref<1x128x128xf32, #tpu.memory_space<vmem>>
        %get3A_459 = tpu.memref_squeeze %get3A_458 : memref<1x128x128xf32, #tpu.memory_space<vmem>> -> memref<128x128xf32, #tpu.memory_space<vmem>>
        %get3A_460 = arith.index_cast %scan3A_437 : i32 to index
        %get3A_461 = arith.constant 16 : index
        %get3A_462 = tpu.vector_load %get3A_459[%get3A_460, %get3A_461] {strides = array<i32>} : memref<128x128xf32, #tpu.memory_space<vmem>>, vector<1x16xf32>,
        %get3A_463 = vector.shape_cast %get3A_462 : vector<1x16xf32> to vector<16xf32>
        %mul3A_464 = arith.constant 11.3137083 : f32
        %mul3A_465 = vector.broadcast %mul3A_464 : f32 to vector<16xf32>
        %mul3A_466 = arith.mulf %get3A_463, %mul3A_465 : vector<16xf32>
        %swap3A_467 = arith.constant 0 : i32
        %swap3A_468 = arith.constant 0 : i32
        %swap3A_469 = tpu.memref_slice %arg6[%scan3A_87, %swap3A_467, %swap3A_468] : memref<4x128x128xf32, #tpu.memory_space<vmem>> -> memref<1x128x128xf32, #tpu.memory_space<vmem>>
        %swap3A_470 = tpu.memref_squeeze %swap3A_469 : memref<1x128x128xf32, #tpu.memory_space<vmem>> -> memref<128x128xf32, #tpu.memory_space<vmem>>
        %swap3A_471 = arith.index_cast %scan3A_437 : i32 to index
        %swap3A_472 = arith.constant 16 : index
        %swap3A_473 = tpu.vector_load %swap3A_470[%swap3A_471, %swap3A_472] {strides = array<i32>} : memref<128x128xf32, #tpu.memory_space<vmem>>, vector<1x16xf32>,
        %swap3A_474 = vector.shape_cast %swap3A_473 : vector<1x16xf32> to vector<16xf32>
        %swap3A_475 = vector.shape_cast %mul3A_466 : vector<16xf32> to vector<1x16xf32>
        tpu.vector_store %swap3A_470[%swap3A_471, %swap3A_472], %swap3A_475 {strides = array<i32>} : memref<128x128xf32, #tpu.memory_space<vmem>>, vector<1x16xf32>,
        %get3A_476 = arith.constant 0 : i32
        %get3A_477 = arith.constant 0 : i32
        %get3A_478 = tpu.memref_slice %arg6[%scan3A_87, %get3A_476, %get3A_477] : memref<4x128x128xf32, #tpu.memory_space<vmem>> -> memref<1x128x128xf32, #tpu.memory_space<vmem>>
        %get3A_479 = tpu.memref_squeeze %get3A_478 : memref<1x128x128xf32, #tpu.memory_space<vmem>> -> memref<128x128xf32, #tpu.memory_space<vmem>>
        %get3A_480 = arith.index_cast %scan3A_437 : i32 to index
        %get3A_481 = arith.constant 32 : index
        %get3A_482 = tpu.vector_load %get3A_479[%get3A_480, %get3A_481] {strides = array<i32>} : memref<128x128xf32, #tpu.memory_space<vmem>>, vector<1x16xf32>,
        %get3A_483 = vector.shape_cast %get3A_482 : vector<1x16xf32> to vector<16xf32>
        %mul3A_484 = arith.constant 11.3137083 : f32
        %mul3A_485 = vector.broadcast %mul3A_484 : f32 to vector<16xf32>
        %mul3A_486 = arith.mulf %get3A_483, %mul3A_485 : vector<16xf32>
        %swap3A_487 = arith.constant 0 : i32
        %swap3A_488 = arith.constant 0 : i32
        %swap3A_489 = tpu.memref_slice %arg6[%scan3A_87, %swap3A_487, %swap3A_488] : memref<4x128x128xf32, #tpu.memory_space<vmem>> -> memref<1x128x128xf32, #tpu.memory_space<vmem>>
        %swap3A_490 = tpu.memref_squeeze %swap3A_489 : memref<1x128x128xf32, #tpu.memory_space<vmem>> -> memref<128x128xf32, #tpu.memory_space<vmem>>
        %swap3A_491 = arith.index_cast %scan3A_437 : i32 to index
        %swap3A_492 = arith.constant 32 : index
        %swap3A_493 = tpu.vector_load %swap3A_490[%swap3A_491, %swap3A_492] {strides = array<i32>} : memref<128x128xf32, #tpu.memory_space<vmem>>, vector<1x16xf32>,
        %swap3A_494 = vector.shape_cast %swap3A_493 : vector<1x16xf32> to vector<16xf32>
        %swap3A_495 = vector.shape_cast %mul3A_486 : vector<16xf32> to vector<1x16xf32>
        tpu.vector_store %swap3A_490[%swap3A_491, %swap3A_492], %swap3A_495 {strides = array<i32>} : memref<128x128xf32, #tpu.memory_space<vmem>>, vector<1x16xf32>,
        %get3A_496 = arith.constant 0 : i32
        %get3A_497 = arith.constant 0 : i32
        %get3A_498 = tpu.memref_slice %arg6[%scan3A_87, %get3A_496, %get3A_497] : memref<4x128x128xf32, #tpu.memory_space<vmem>> -> memref<1x128x128xf32, #tpu.memory_space<vmem>>
        %get3A_499 = tpu.memref_squeeze %get3A_498 : memref<1x128x128xf32, #tpu.memory_space<vmem>> -> memref<128x128xf32, #tpu.memory_space<vmem>>
        %get3A_500 = arith.index_cast %scan3A_437 : i32 to index
        %get3A_501 = arith.constant 48 : index
        %get3A_502 = tpu.vector_load %get3A_499[%get3A_500, %get3A_501] {strides = array<i32>} : memref<128x128xf32, #tpu.memory_space<vmem>>, vector<1x16xf32>,
        %get3A_503 = vector.shape_cast %get3A_502 : vector<1x16xf32> to vector<16xf32>
        %mul3A_504 = arith.constant 11.3137083 : f32
        %mul3A_505 = vector.broadcast %mul3A_504 : f32 to vector<16xf32>
        %mul3A_506 = arith.mulf %get3A_503, %mul3A_505 : vector<16xf32>
        %swap3A_507 = arith.constant 0 : i32
        %swap3A_508 = arith.constant 0 : i32
        %swap3A_509 = tpu.memref_slice %arg6[%scan3A_87, %swap3A_507, %swap3A_508] : memref<4x128x128xf32, #tpu.memory_space<vmem>> -> memref<1x128x128xf32, #tpu.memory_space<vmem>>
        %swap3A_510 = tpu.memref_squeeze %swap3A_509 : memref<1x128x128xf32, #tpu.memory_space<vmem>> -> memref<128x128xf32, #tpu.memory_space<vmem>>
        %swap3A_511 = arith.index_cast %scan3A_437 : i32 to index
        %swap3A_512 = arith.constant 48 : index
        %swap3A_513 = tpu.vector_load %swap3A_510[%swap3A_511, %swap3A_512] {strides = array<i32>} : memref<128x128xf32, #tpu.memory_space<vmem>>, vector<1x16xf32>,
        %swap3A_514 = vector.shape_cast %swap3A_513 : vector<1x16xf32> to vector<16xf32>
        %swap3A_515 = vector.shape_cast %mul3A_506 : vector<16xf32> to vector<1x16xf32>
        tpu.vector_store %swap3A_510[%swap3A_511, %swap3A_512], %swap3A_515 {strides = array<i32>} : memref<128x128xf32, #tpu.memory_space<vmem>>, vector<1x16xf32>,
        %get3A_516 = arith.constant 0 : i32
        %get3A_517 = arith.constant 0 : i32
        %get3A_518 = tpu.memref_slice %arg6[%scan3A_87, %get3A_516, %get3A_517] : memref<4x128x128xf32, #tpu.memory_space<vmem>> -> memref<1x128x128xf32, #tpu.memory_space<vmem>>
        %get3A_519 = tpu.memref_squeeze %get3A_518 : memref<1x128x128xf32, #tpu.memory_space<vmem>> -> memref<128x128xf32, #tpu.memory_space<vmem>>
        %get3A_520 = arith.index_cast %scan3A_437 : i32 to index
        %get3A_521 = arith.constant 64 : index
        %get3A_522 = tpu.vector_load %get3A_519[%get3A_520, %get3A_521] {strides = array<i32>} : memref<128x128xf32, #tpu.memory_space<vmem>>, vector<1x16xf32>,
        %get3A_523 = vector.shape_cast %get3A_522 : vector<1x16xf32> to vector<16xf32>
        %mul3A_524 = arith.constant 11.3137083 : f32
        %mul3A_525 = vector.broadcast %mul3A_524 : f32 to vector<16xf32>
        %mul3A_526 = arith.mulf %get3A_523, %mul3A_525 : vector<16xf32>
        %swap3A_527 = arith.constant 0 : i32
        %swap3A_528 = arith.constant 0 : i32
        %swap3A_529 = tpu.memref_slice %arg6[%scan3A_87, %swap3A_527, %swap3A_528] : memref<4x128x128xf32, #tpu.memory_space<vmem>> -> memref<1x128x128xf32, #tpu.memory_space<vmem>>
        %swap3A_530 = tpu.memref_squeeze %swap3A_529 : memref<1x128x128xf32, #tpu.memory_space<vmem>> -> memref<128x128xf32, #tpu.memory_space<vmem>>
        %swap3A_531 = arith.index_cast %scan3A_437 : i32 to index
        %swap3A_532 = arith.constant 64 : index
        %swap3A_533 = tpu.vector_load %swap3A_530[%swap3A_531, %swap3A_532] {strides = array<i32>} : memref<128x128xf32, #tpu.memory_space<vmem>>, vector<1x16xf32>,
        %swap3A_534 = vector.shape_cast %swap3A_533 : vector<1x16xf32> to vector<16xf32>
        %swap3A_535 = vector.shape_cast %mul3A_526 : vector<16xf32> to vector<1x16xf32>
        tpu.vector_store %swap3A_530[%swap3A_531, %swap3A_532], %swap3A_535 {strides = array<i32>} : memref<128x128xf32, #tpu.memory_space<vmem>>, vector<1x16xf32>,
        %get3A_536 = arith.constant 0 : i32
        %get3A_537 = arith.constant 0 : i32
        %get3A_538 = tpu.memref_slice %arg6[%scan3A_87, %get3A_536, %get3A_537] : memref<4x128x128xf32, #tpu.memory_space<vmem>> -> memref<1x128x128xf32, #tpu.memory_space<vmem>>
        %get3A_539 = tpu.memref_squeeze %get3A_538 : memref<1x128x128xf32, #tpu.memory_space<vmem>> -> memref<128x128xf32, #tpu.memory_space<vmem>>
        %get3A_540 = arith.index_cast %scan3A_437 : i32 to index
        %get3A_541 = arith.constant 80 : index
        %get3A_542 = tpu.vector_load %get3A_539[%get3A_540, %get3A_541] {strides = array<i32>} : memref<128x128xf32, #tpu.memory_space<vmem>>, vector<1x16xf32>,
        %get3A_543 = vector.shape_cast %get3A_542 : vector<1x16xf32> to vector<16xf32>
        %mul3A_544 = arith.constant 11.3137083 : f32
        %mul3A_545 = vector.broadcast %mul3A_544 : f32 to vector<16xf32>
        %mul3A_546 = arith.mulf %get3A_543, %mul3A_545 : vector<16xf32>
        %swap3A_547 = arith.constant 0 : i32
        %swap3A_548 = arith.constant 0 : i32
        %swap3A_549 = tpu.memref_slice %arg6[%scan3A_87, %swap3A_547, %swap3A_548] : memref<4x128x128xf32, #tpu.memory_space<vmem>> -> memref<1x128x128xf32, #tpu.memory_space<vmem>>
        %swap3A_550 = tpu.memref_squeeze %swap3A_549 : memref<1x128x128xf32, #tpu.memory_space<vmem>> -> memref<128x128xf32, #tpu.memory_space<vmem>>
        %swap3A_551 = arith.index_cast %scan3A_437 : i32 to index
        %swap3A_552 = arith.constant 80 : index
        %swap3A_553 = tpu.vector_load %swap3A_550[%swap3A_551, %swap3A_552] {strides = array<i32>} : memref<128x128xf32, #tpu.memory_space<vmem>>, vector<1x16xf32>,
        %swap3A_554 = vector.shape_cast %swap3A_553 : vector<1x16xf32> to vector<16xf32>
        %swap3A_555 = vector.shape_cast %mul3A_546 : vector<16xf32> to vector<1x16xf32>
        tpu.vector_store %swap3A_550[%swap3A_551, %swap3A_552], %swap3A_555 {strides = array<i32>} : memref<128x128xf32, #tpu.memory_space<vmem>>, vector<1x16xf32>,
        %get3A_556 = arith.constant 0 : i32
        %get3A_557 = arith.constant 0 : i32
        %get3A_558 = tpu.memref_slice %arg6[%scan3A_87, %get3A_556, %get3A_557] : memref<4x128x128xf32, #tpu.memory_space<vmem>> -> memref<1x128x128xf32, #tpu.memory_space<vmem>>
        %get3A_559 = tpu.memref_squeeze %get3A_558 : memref<1x128x128xf32, #tpu.memory_space<vmem>> -> memref<128x128xf32, #tpu.memory_space<vmem>>
        %get3A_560 = arith.index_cast %scan3A_437 : i32 to index
        %get3A_561 = arith.constant 96 : index
        %get3A_562 = tpu.vector_load %get3A_559[%get3A_560, %get3A_561] {strides = array<i32>} : memref<128x128xf32, #tpu.memory_space<vmem>>, vector<1x16xf32>,
        %get3A_563 = vector.shape_cast %get3A_562 : vector<1x16xf32> to vector<16xf32>
        %mul3A_564 = arith.constant 11.3137083 : f32
        %mul3A_565 = vector.broadcast %mul3A_564 : f32 to vector<16xf32>
        %mul3A_566 = arith.mulf %get3A_563, %mul3A_565 : vector<16xf32>
        %swap3A_567 = arith.constant 0 : i32
        %swap3A_568 = arith.constant 0 : i32
        %swap3A_569 = tpu.memref_slice %arg6[%scan3A_87, %swap3A_567, %swap3A_568] : memref<4x128x128xf32, #tpu.memory_space<vmem>> -> memref<1x128x128xf32, #tpu.memory_space<vmem>>
        %swap3A_570 = tpu.memref_squeeze %swap3A_569 : memref<1x128x128xf32, #tpu.memory_space<vmem>> -> memref<128x128xf32, #tpu.memory_space<vmem>>
        %swap3A_571 = arith.index_cast %scan3A_437 : i32 to index
        %swap3A_572 = arith.constant 96 : index
        %swap3A_573 = tpu.vector_load %swap3A_570[%swap3A_571, %swap3A_572] {strides = array<i32>} : memref<128x128xf32, #tpu.memory_space<vmem>>, vector<1x16xf32>,
        %swap3A_574 = vector.shape_cast %swap3A_573 : vector<1x16xf32> to vector<16xf32>
        %swap3A_575 = vector.shape_cast %mul3A_566 : vector<16xf32> to vector<1x16xf32>
        tpu.vector_store %swap3A_570[%swap3A_571, %swap3A_572], %swap3A_575 {strides = array<i32>} : memref<128x128xf32, #tpu.memory_space<vmem>>, vector<1x16xf32>,
        %get3A_576 = arith.constant 0 : i32
        %get3A_577 = arith.constant 0 : i32
        %get3A_578 = tpu.memref_slice %arg6[%scan3A_87, %get3A_576, %get3A_577] : memref<4x128x128xf32, #tpu.memory_space<vmem>> -> memref<1x128x128xf32, #tpu.memory_space<vmem>>
        %get3A_579 = tpu.memref_squeeze %get3A_578 : memref<1x128x128xf32, #tpu.memory_space<vmem>> -> memref<128x128xf32, #tpu.memory_space<vmem>>
        %get3A_580 = arith.index_cast %scan3A_437 : i32 to index
        %get3A_581 = arith.constant 112 : index
        %get3A_582 = tpu.vector_load %get3A_579[%get3A_580, %get3A_581] {strides = array<i32>} : memref<128x128xf32, #tpu.memory_space<vmem>>, vector<1x16xf32>,
        %get3A_583 = vector.shape_cast %get3A_582 : vector<1x16xf32> to vector<16xf32>
        %mul3A_584 = arith.constant 11.3137083 : f32
        %mul3A_585 = vector.broadcast %mul3A_584 : f32 to vector<16xf32>
        %mul3A_586 = arith.mulf %get3A_583, %mul3A_585 : vector<16xf32>
        %swap3A_587 = arith.constant 0 : i32
        %swap3A_588 = arith.constant 0 : i32
        %swap3A_589 = tpu.memref_slice %arg6[%scan3A_87, %swap3A_587, %swap3A_588] : memref<4x128x128xf32, #tpu.memory_space<vmem>> -> memref<1x128x128xf32, #tpu.memory_space<vmem>>
        %swap3A_590 = tpu.memref_squeeze %swap3A_589 : memref<1x128x128xf32, #tpu.memory_space<vmem>> -> memref<128x128xf32, #tpu.memory_space<vmem>>
        %swap3A_591 = arith.index_cast %scan3A_437 : i32 to index
        %swap3A_592 = arith.constant 112 : index
        %swap3A_593 = tpu.vector_load %swap3A_590[%swap3A_591, %swap3A_592] {strides = array<i32>} : memref<128x128xf32, #tpu.memory_space<vmem>>, vector<1x16xf32>,
        %swap3A_594 = vector.shape_cast %swap3A_593 : vector<1x16xf32> to vector<16xf32>
        %swap3A_595 = vector.shape_cast %mul3A_586 : vector<16xf32> to vector<1x16xf32>
        tpu.vector_store %swap3A_590[%swap3A_591, %swap3A_592], %swap3A_595 {strides = array<i32>} : memref<128x128xf32, #tpu.memory_space<vmem>>, vector<1x16xf32>,
      }
      %scan3A_92 = arith.constant 64 : i32
      %dma_start3A_93 = arith.constant 0 : i32
      %dma_start3A_94 = arith.constant 0 : i32
      %dma_start3A_95 = arith.constant 0 : i32
      %dma_start3A_96 = arith.constant 0 : i32
      %dma_start3A_97 = tpu.memref_slice %arg6[%dma_start3A_93, %dma_start3A_95, %dma_start3A_96] : memref<4x128x128xf32, #tpu.memory_space<vmem>> -> memref<1x128x128xf32, #tpu.memory_space<vmem>>
      %dma_start3A_98 = tpu.memref_squeeze %dma_start3A_97 : memref<1x128x128xf32, #tpu.memory_space<vmem>> -> memref<128x128xf32, #tpu.memory_space<vmem>>
      %dma_start3A_99 = arith.constant 0 : i32
      %dma_start3A_100 = arith.constant 0 : i32
      %dma_start3A_101 = tpu.memref_slice %dma_start3A_98[%dma_start3A_99, %dma_start3A_100] : memref<128x128xf32, #tpu.memory_space<vmem>> -> memref<64x128xf32, #tpu.memory_space<vmem>>
      %dma_start3A_102 = arith.constant 0 : i32
      %dma_start3A_103 = tpu.memref_slice %arg4[%add3A_71, %dma_start3A_102] : memref<819200x128xf32, #tpu.memory_space<hbm>> -> memref<64x128xf32, #tpu.memory_space<hbm>>
      %dma_start3A_104 = tpu.memref_slice %arg8[%dma_start3A_94] : memref<4x!tpu.dma_semaphore, #tpu.memory_space<semaphore_mem>> -> memref<1x!tpu.dma_semaphore, #tpu.memory_space<semaphore_mem>>
      %dma_start3A_105 = tpu.memref_squeeze %dma_start3A_104 : memref<1x!tpu.dma_semaphore, #tpu.memory_space<semaphore_mem>> -> memref<!tpu.dma_semaphore, #tpu.memory_space<semaphore_mem>>
      %dma_start3A_106 = arith.constant 0 : i32
      %dma_start3A_107 = tpu.memref_slice %arg4[%add3A_71, %dma_start3A_106] : memref<819200x128xf32, #tpu.memory_space<hbm>> -> memref<64x128xf32, #tpu.memory_space<hbm>>
      %dma_start3A_108 = arith.constant 0 : i32
      %dma_start3A_109 = arith.constant 0 : i32
      %dma_start3A_110 = tpu.memref_slice %arg6[%dma_start3A_93, %dma_start3A_108, %dma_start3A_109] : memref<4x128x128xf32, #tpu.memory_space<vmem>> -> memref<1x128x128xf32, #tpu.memory_space<vmem>>
      %dma_start3A_111 = tpu.memref_squeeze %dma_start3A_110 : memref<1x128x128xf32, #tpu.memory_space<vmem>> -> memref<128x128xf32, #tpu.memory_space<vmem>>
      %dma_start3A_112 = arith.constant 0 : i32
      %dma_start3A_113 = arith.constant 0 : i32
      %dma_start3A_114 = tpu.memref_slice %dma_start3A_111[%dma_start3A_112, %dma_start3A_113] : memref<128x128xf32, #tpu.memory_space<vmem>> -> memref<64x128xf32, #tpu.memory_space<vmem>>
      tpu.enqueue_dma source(%dma_start3A_114 : memref<64x128xf32, #tpu.memory_space<vmem>>) target(%dma_start3A_107 : memref<64x128xf32, #tpu.memory_space<hbm>>) target_semaphore(%dma_start3A_105 : memref<!tpu.dma_semaphore, #tpu.memory_space<semaphore_mem>>)
      %scan3A_115 = arith.constant 0 : i32
      %scan3A_116 = arith.constant 0 : i32
      %scan3A_117 = arith.constant 64 : i32
      %scan3A_118 = arith.constant 64 : i32
      %scan3A_119 = arith.addi %scan3A_117, %scan3A_118 : i32
      %scan3A_120 = arith.constant 1 : i32
      scf.for %scan3A_437 = %scan3A_117 to %scan3A_119 step %scan3A_120  : i32 {
        %get3A = arith.constant 0 : i32
        %get3A_438 = arith.constant 0 : i32
        %get3A_439 = tpu.memref_slice %arg6[%scan3A_116, %get3A, %get3A_438] : memref<4x128x128xf32, #tpu.memory_space<vmem>> -> memref<1x128x128xf32, #tpu.memory_space<vmem>>
        %get3A_440 = tpu.memref_squeeze %get3A_439 : memref<1x128x128xf32, #tpu.memory_space<vmem>> -> memref<128x128xf32, #tpu.memory_space<vmem>>
        %get3A_441 = arith.index_cast %scan3A_437 : i32 to index
        %get3A_442 = arith.constant 0 : index
        %get3A_443 = tpu.vector_load %get3A_440[%get3A_441, %get3A_442] {strides = array<i32>} : memref<128x128xf32, #tpu.memory_space<vmem>>, vector<1x16xf32>,
        %get3A_444 = vector.shape_cast %get3A_443 : vector<1x16xf32> to vector<16xf32>
        %mul3A_445 = arith.constant 11.3137083 : f32
        %mul3A_446 = vector.broadcast %mul3A_445 : f32 to vector<16xf32>
        %mul3A_447 = arith.mulf %get3A_444, %mul3A_446 : vector<16xf32>
        %swap3A = arith.constant 0 : i32
        %swap3A_448 = arith.constant 0 : i32
        %swap3A_449 = tpu.memref_slice %arg6[%scan3A_116, %swap3A, %swap3A_448] : memref<4x128x128xf32, #tpu.memory_space<vmem>> -> memref<1x128x128xf32, #tpu.memory_space<vmem>>
        %swap3A_450 = tpu.memref_squeeze %swap3A_449 : memref<1x128x128xf32, #tpu.memory_space<vmem>> -> memref<128x128xf32, #tpu.memory_space<vmem>>
        %swap3A_451 = arith.index_cast %scan3A_437 : i32 to index
        %swap3A_452 = arith.constant 0 : index
        %swap3A_453 = tpu.vector_load %swap3A_450[%swap3A_451, %swap3A_452] {strides = array<i32>} : memref<128x128xf32, #tpu.memory_space<vmem>>, vector<1x16xf32>,
        %swap3A_454 = vector.shape_cast %swap3A_453 : vector<1x16xf32> to vector<16xf32>
        %swap3A_455 = vector.shape_cast %mul3A_447 : vector<16xf32> to vector<1x16xf32>
        tpu.vector_store %swap3A_450[%swap3A_451, %swap3A_452], %swap3A_455 {strides = array<i32>} : memref<128x128xf32, #tpu.memory_space<vmem>>, vector<1x16xf32>,
        %get3A_456 = arith.constant 0 : i32
        %get3A_457 = arith.constant 0 : i32
        %get3A_458 = tpu.memref_slice %arg6[%scan3A_116, %get3A_456, %get3A_457] : memref<4x128x128xf32, #tpu.memory_space<vmem>> -> memref<1x128x128xf32, #tpu.memory_space<vmem>>
        %get3A_459 = tpu.memref_squeeze %get3A_458 : memref<1x128x128xf32, #tpu.memory_space<vmem>> -> memref<128x128xf32, #tpu.memory_space<vmem>>
        %get3A_460 = arith.index_cast %scan3A_437 : i32 to index
        %get3A_461 = arith.constant 16 : index
        %get3A_462 = tpu.vector_load %get3A_459[%get3A_460, %get3A_461] {strides = array<i32>} : memref<128x128xf32, #tpu.memory_space<vmem>>, vector<1x16xf32>,
        %get3A_463 = vector.shape_cast %get3A_462 : vector<1x16xf32> to vector<16xf32>
        %mul3A_464 = arith.constant 11.3137083 : f32
        %mul3A_465 = vector.broadcast %mul3A_464 : f32 to vector<16xf32>
        %mul3A_466 = arith.mulf %get3A_463, %mul3A_465 : vector<16xf32>
        %swap3A_467 = arith.constant 0 : i32
        %swap3A_468 = arith.constant 0 : i32
        %swap3A_469 = tpu.memref_slice %arg6[%scan3A_116, %swap3A_467, %swap3A_468] : memref<4x128x128xf32, #tpu.memory_space<vmem>> -> memref<1x128x128xf32, #tpu.memory_space<vmem>>
        %swap3A_470 = tpu.memref_squeeze %swap3A_469 : memref<1x128x128xf32, #tpu.memory_space<vmem>> -> memref<128x128xf32, #tpu.memory_space<vmem>>
        %swap3A_471 = arith.index_cast %scan3A_437 : i32 to index
        %swap3A_472 = arith.constant 16 : index
        %swap3A_473 = tpu.vector_load %swap3A_470[%swap3A_471, %swap3A_472] {strides = array<i32>} : memref<128x128xf32, #tpu.memory_space<vmem>>, vector<1x16xf32>,
        %swap3A_474 = vector.shape_cast %swap3A_473 : vector<1x16xf32> to vector<16xf32>
        %swap3A_475 = vector.shape_cast %mul3A_466 : vector<16xf32> to vector<1x16xf32>
        tpu.vector_store %swap3A_470[%swap3A_471, %swap3A_472], %swap3A_475 {strides = array<i32>} : memref<128x128xf32, #tpu.memory_space<vmem>>, vector<1x16xf32>,
        %get3A_476 = arith.constant 0 : i32
        %get3A_477 = arith.constant 0 : i32
        %get3A_478 = tpu.memref_slice %arg6[%scan3A_116, %get3A_476, %get3A_477] : memref<4x128x128xf32, #tpu.memory_space<vmem>> -> memref<1x128x128xf32, #tpu.memory_space<vmem>>
        %get3A_479 = tpu.memref_squeeze %get3A_478 : memref<1x128x128xf32, #tpu.memory_space<vmem>> -> memref<128x128xf32, #tpu.memory_space<vmem>>
        %get3A_480 = arith.index_cast %scan3A_437 : i32 to index
        %get3A_481 = arith.constant 32 : index
        %get3A_482 = tpu.vector_load %get3A_479[%get3A_480, %get3A_481] {strides = array<i32>} : memref<128x128xf32, #tpu.memory_space<vmem>>, vector<1x16xf32>,
        %get3A_483 = vector.shape_cast %get3A_482 : vector<1x16xf32> to vector<16xf32>
        %mul3A_484 = arith.constant 11.3137083 : f32
        %mul3A_485 = vector.broadcast %mul3A_484 : f32 to vector<16xf32>
        %mul3A_486 = arith.mulf %get3A_483, %mul3A_485 : vector<16xf32>
        %swap3A_487 = arith.constant 0 : i32
        %swap3A_488 = arith.constant 0 : i32
        %swap3A_489 = tpu.memref_slice %arg6[%scan3A_116, %swap3A_487, %swap3A_488] : memref<4x128x128xf32, #tpu.memory_space<vmem>> -> memref<1x128x128xf32, #tpu.memory_space<vmem>>
        %swap3A_490 = tpu.memref_squeeze %swap3A_489 : memref<1x128x128xf32, #tpu.memory_space<vmem>> -> memref<128x128xf32, #tpu.memory_space<vmem>>
        %swap3A_491 = arith.index_cast %scan3A_437 : i32 to index
        %swap3A_492 = arith.constant 32 : index
        %swap3A_493 = tpu.vector_load %swap3A_490[%swap3A_491, %swap3A_492] {strides = array<i32>} : memref<128x128xf32, #tpu.memory_space<vmem>>, vector<1x16xf32>,
        %swap3A_494 = vector.shape_cast %swap3A_493 : vector<1x16xf32> to vector<16xf32>
        %swap3A_495 = vector.shape_cast %mul3A_486 : vector<16xf32> to vector<1x16xf32>
        tpu.vector_store %swap3A_490[%swap3A_491, %swap3A_492], %swap3A_495 {strides = array<i32>} : memref<128x128xf32, #tpu.memory_space<vmem>>, vector<1x16xf32>,
        %get3A_496 = arith.constant 0 : i32
        %get3A_497 = arith.constant 0 : i32
        %get3A_498 = tpu.memref_slice %arg6[%scan3A_116, %get3A_496, %get3A_497] : memref<4x128x128xf32, #tpu.memory_space<vmem>> -> memref<1x128x128xf32, #tpu.memory_space<vmem>>
        %get3A_499 = tpu.memref_squeeze %get3A_498 : memref<1x128x128xf32, #tpu.memory_space<vmem>> -> memref<128x128xf32, #tpu.memory_space<vmem>>
        %get3A_500 = arith.index_cast %scan3A_437 : i32 to index
        %get3A_501 = arith.constant 48 : index
        %get3A_502 = tpu.vector_load %get3A_499[%get3A_500, %get3A_501] {strides = array<i32>} : memref<128x128xf32, #tpu.memory_space<vmem>>, vector<1x16xf32>,
        %get3A_503 = vector.shape_cast %get3A_502 : vector<1x16xf32> to vector<16xf32>
        %mul3A_504 = arith.constant 11.3137083 : f32
        %mul3A_505 = vector.broadcast %mul3A_504 : f32 to vector<16xf32>
        %mul3A_506 = arith.mulf %get3A_503, %mul3A_505 : vector<16xf32>
        %swap3A_507 = arith.constant 0 : i32
        %swap3A_508 = arith.constant 0 : i32
        %swap3A_509 = tpu.memref_slice %arg6[%scan3A_116, %swap3A_507, %swap3A_508] : memref<4x128x128xf32, #tpu.memory_space<vmem>> -> memref<1x128x128xf32, #tpu.memory_space<vmem>>
        %swap3A_510 = tpu.memref_squeeze %swap3A_509 : memref<1x128x128xf32, #tpu.memory_space<vmem>> -> memref<128x128xf32, #tpu.memory_space<vmem>>
        %swap3A_511 = arith.index_cast %scan3A_437 : i32 to index
        %swap3A_512 = arith.constant 48 : index
        %swap3A_513 = tpu.vector_load %swap3A_510[%swap3A_511, %swap3A_512] {strides = array<i32>} : memref<128x128xf32, #tpu.memory_space<vmem>>, vector<1x16xf32>,
        %swap3A_514 = vector.shape_cast %swap3A_513 : vector<1x16xf32> to vector<16xf32>
        %swap3A_515 = vector.shape_cast %mul3A_506 : vector<16xf32> to vector<1x16xf32>
        tpu.vector_store %swap3A_510[%swap3A_511, %swap3A_512], %swap3A_515 {strides = array<i32>} : memref<128x128xf32, #tpu.memory_space<vmem>>, vector<1x16xf32>,
        %get3A_516 = arith.constant 0 : i32
        %get3A_517 = arith.constant 0 : i32
        %get3A_518 = tpu.memref_slice %arg6[%scan3A_116, %get3A_516, %get3A_517] : memref<4x128x128xf32, #tpu.memory_space<vmem>> -> memref<1x128x128xf32, #tpu.memory_space<vmem>>
        %get3A_519 = tpu.memref_squeeze %get3A_518 : memref<1x128x128xf32, #tpu.memory_space<vmem>> -> memref<128x128xf32, #tpu.memory_space<vmem>>
        %get3A_520 = arith.index_cast %scan3A_437 : i32 to index
        %get3A_521 = arith.constant 64 : index
        %get3A_522 = tpu.vector_load %get3A_519[%get3A_520, %get3A_521] {strides = array<i32>} : memref<128x128xf32, #tpu.memory_space<vmem>>, vector<1x16xf32>,
        %get3A_523 = vector.shape_cast %get3A_522 : vector<1x16xf32> to vector<16xf32>
        %mul3A_524 = arith.constant 11.3137083 : f32
        %mul3A_525 = vector.broadcast %mul3A_524 : f32 to vector<16xf32>
        %mul3A_526 = arith.mulf %get3A_523, %mul3A_525 : vector<16xf32>
        %swap3A_527 = arith.constant 0 : i32
        %swap3A_528 = arith.constant 0 : i32
        %swap3A_529 = tpu.memref_slice %arg6[%scan3A_116, %swap3A_527, %swap3A_528] : memref<4x128x128xf32, #tpu.memory_space<vmem>> -> memref<1x128x128xf32, #tpu.memory_space<vmem>>
        %swap3A_530 = tpu.memref_squeeze %swap3A_529 : memref<1x128x128xf32, #tpu.memory_space<vmem>> -> memref<128x128xf32, #tpu.memory_space<vmem>>
        %swap3A_531 = arith.index_cast %scan3A_437 : i32 to index
        %swap3A_532 = arith.constant 64 : index
        %swap3A_533 = tpu.vector_load %swap3A_530[%swap3A_531, %swap3A_532] {strides = array<i32>} : memref<128x128xf32, #tpu.memory_space<vmem>>, vector<1x16xf32>,
        %swap3A_534 = vector.shape_cast %swap3A_533 : vector<1x16xf32> to vector<16xf32>
        %swap3A_535 = vector.shape_cast %mul3A_526 : vector<16xf32> to vector<1x16xf32>
        tpu.vector_store %swap3A_530[%swap3A_531, %swap3A_532], %swap3A_535 {strides = array<i32>} : memref<128x128xf32, #tpu.memory_space<vmem>>, vector<1x16xf32>,
        %get3A_536 = arith.constant 0 : i32
        %get3A_537 = arith.constant 0 : i32
        %get3A_538 = tpu.memref_slice %arg6[%scan3A_116, %get3A_536, %get3A_537] : memref<4x128x128xf32, #tpu.memory_space<vmem>> -> memref<1x128x128xf32, #tpu.memory_space<vmem>>
        %get3A_539 = tpu.memref_squeeze %get3A_538 : memref<1x128x128xf32, #tpu.memory_space<vmem>> -> memref<128x128xf32, #tpu.memory_space<vmem>>
        %get3A_540 = arith.index_cast %scan3A_437 : i32 to index
        %get3A_541 = arith.constant 80 : index
        %get3A_542 = tpu.vector_load %get3A_539[%get3A_540, %get3A_541] {strides = array<i32>} : memref<128x128xf32, #tpu.memory_space<vmem>>, vector<1x16xf32>,
        %get3A_543 = vector.shape_cast %get3A_542 : vector<1x16xf32> to vector<16xf32>
        %mul3A_544 = arith.constant 11.3137083 : f32
        %mul3A_545 = vector.broadcast %mul3A_544 : f32 to vector<16xf32>
        %mul3A_546 = arith.mulf %get3A_543, %mul3A_545 : vector<16xf32>
        %swap3A_547 = arith.constant 0 : i32
        %swap3A_548 = arith.constant 0 : i32
        %swap3A_549 = tpu.memref_slice %arg6[%scan3A_116, %swap3A_547, %swap3A_548] : memref<4x128x128xf32, #tpu.memory_space<vmem>> -> memref<1x128x128xf32, #tpu.memory_space<vmem>>
        %swap3A_550 = tpu.memref_squeeze %swap3A_549 : memref<1x128x128xf32, #tpu.memory_space<vmem>> -> memref<128x128xf32, #tpu.memory_space<vmem>>
        %swap3A_551 = arith.index_cast %scan3A_437 : i32 to index
        %swap3A_552 = arith.constant 80 : index
        %swap3A_553 = tpu.vector_load %swap3A_550[%swap3A_551, %swap3A_552] {strides = array<i32>} : memref<128x128xf32, #tpu.memory_space<vmem>>, vector<1x16xf32>,
        %swap3A_554 = vector.shape_cast %swap3A_553 : vector<1x16xf32> to vector<16xf32>
        %swap3A_555 = vector.shape_cast %mul3A_546 : vector<16xf32> to vector<1x16xf32>
        tpu.vector_store %swap3A_550[%swap3A_551, %swap3A_552], %swap3A_555 {strides = array<i32>} : memref<128x128xf32, #tpu.memory_space<vmem>>, vector<1x16xf32>,
        %get3A_556 = arith.constant 0 : i32
        %get3A_557 = arith.constant 0 : i32
        %get3A_558 = tpu.memref_slice %arg6[%scan3A_116, %get3A_556, %get3A_557] : memref<4x128x128xf32, #tpu.memory_space<vmem>> -> memref<1x128x128xf32, #tpu.memory_space<vmem>>
        %get3A_559 = tpu.memref_squeeze %get3A_558 : memref<1x128x128xf32, #tpu.memory_space<vmem>> -> memref<128x128xf32, #tpu.memory_space<vmem>>
        %get3A_560 = arith.index_cast %scan3A_437 : i32 to index
        %get3A_561 = arith.constant 96 : index
        %get3A_562 = tpu.vector_load %get3A_559[%get3A_560, %get3A_561] {strides = array<i32>} : memref<128x128xf32, #tpu.memory_space<vmem>>, vector<1x16xf32>,
        %get3A_563 = vector.shape_cast %get3A_562 : vector<1x16xf32> to vector<16xf32>
        %mul3A_564 = arith.constant 11.3137083 : f32
        %mul3A_565 = vector.broadcast %mul3A_564 : f32 to vector<16xf32>
        %mul3A_566 = arith.mulf %get3A_563, %mul3A_565 : vector<16xf32>
        %swap3A_567 = arith.constant 0 : i32
        %swap3A_568 = arith.constant 0 : i32
        %swap3A_569 = tpu.memref_slice %arg6[%scan3A_116, %swap3A_567, %swap3A_568] : memref<4x128x128xf32, #tpu.memory_space<vmem>> -> memref<1x128x128xf32, #tpu.memory_space<vmem>>
        %swap3A_570 = tpu.memref_squeeze %swap3A_569 : memref<1x128x128xf32, #tpu.memory_space<vmem>> -> memref<128x128xf32, #tpu.memory_space<vmem>>
        %swap3A_571 = arith.index_cast %scan3A_437 : i32 to index
        %swap3A_572 = arith.constant 96 : index
        %swap3A_573 = tpu.vector_load %swap3A_570[%swap3A_571, %swap3A_572] {strides = array<i32>} : memref<128x128xf32, #tpu.memory_space<vmem>>, vector<1x16xf32>,
        %swap3A_574 = vector.shape_cast %swap3A_573 : vector<1x16xf32> to vector<16xf32>
        %swap3A_575 = vector.shape_cast %mul3A_566 : vector<16xf32> to vector<1x16xf32>
        tpu.vector_store %swap3A_570[%swap3A_571, %swap3A_572], %swap3A_575 {strides = array<i32>} : memref<128x128xf32, #tpu.memory_space<vmem>>, vector<1x16xf32>,
        %get3A_576 = arith.constant 0 : i32
        %get3A_577 = arith.constant 0 : i32
        %get3A_578 = tpu.memref_slice %arg6[%scan3A_116, %get3A_576, %get3A_577] : memref<4x128x128xf32, #tpu.memory_space<vmem>> -> memref<1x128x128xf32, #tpu.memory_space<vmem>>
        %get3A_579 = tpu.memref_squeeze %get3A_578 : memref<1x128x128xf32, #tpu.memory_space<vmem>> -> memref<128x128xf32, #tpu.memory_space<vmem>>
        %get3A_580 = arith.index_cast %scan3A_437 : i32 to index
        %get3A_581 = arith.constant 112 : index
        %get3A_582 = tpu.vector_load %get3A_579[%get3A_580, %get3A_581] {strides = array<i32>} : memref<128x128xf32, #tpu.memory_space<vmem>>, vector<1x16xf32>,
        %get3A_583 = vector.shape_cast %get3A_582 : vector<1x16xf32> to vector<16xf32>
        %mul3A_584 = arith.constant 11.3137083 : f32
        %mul3A_585 = vector.broadcast %mul3A_584 : f32 to vector<16xf32>
        %mul3A_586 = arith.mulf %get3A_583, %mul3A_585 : vector<16xf32>
        %swap3A_587 = arith.constant 0 : i32
        %swap3A_588 = arith.constant 0 : i32
        %swap3A_589 = tpu.memref_slice %arg6[%scan3A_116, %swap3A_587, %swap3A_588] : memref<4x128x128xf32, #tpu.memory_space<vmem>> -> memref<1x128x128xf32, #tpu.memory_space<vmem>>
        %swap3A_590 = tpu.memref_squeeze %swap3A_589 : memref<1x128x128xf32, #tpu.memory_space<vmem>> -> memref<128x128xf32, #tpu.memory_space<vmem>>
        %swap3A_591 = arith.index_cast %scan3A_437 : i32 to index
        %swap3A_592 = arith.constant 112 : index
        %swap3A_593 = tpu.vector_load %swap3A_590[%swap3A_591, %swap3A_592] {strides = array<i32>} : memref<128x128xf32, #tpu.memory_space<vmem>>, vector<1x16xf32>,
        %swap3A_594 = vector.shape_cast %swap3A_593 : vector<1x16xf32> to vector<16xf32>
        %swap3A_595 = vector.shape_cast %mul3A_586 : vector<16xf32> to vector<1x16xf32>
        tpu.vector_store %swap3A_590[%swap3A_591, %swap3A_592], %swap3A_595 {strides = array<i32>} : memref<128x128xf32, #tpu.memory_space<vmem>>, vector<1x16xf32>,
      }
      %scan3A_121 = arith.constant 64 : i32
      %add3A_122 = arith.constant 64 : i32
      %add3A_123 = arith.addi %add3A_71, %add3A_122 : i32
      %dma_start3A_124 = arith.constant 0 : i32
      %dma_start3A_125 = arith.constant 0 : i32
      %dma_start3A_126 = arith.constant 0 : i32
      %dma_start3A_127 = arith.constant 0 : i32
      %dma_start3A_128 = tpu.memref_slice %arg6[%dma_start3A_124, %dma_start3A_126, %dma_start3A_127] : memref<4x128x128xf32, #tpu.memory_space<vmem>> -> memref<1x128x128xf32, #tpu.memory_space<vmem>>
      %dma_start3A_129 = tpu.memref_squeeze %dma_start3A_128 : memref<1x128x128xf32, #tpu.memory_space<vmem>> -> memref<128x128xf32, #tpu.memory_space<vmem>>
      %dma_start3A_130 = arith.constant 64 : i32
      %dma_start3A_131 = arith.constant 0 : i32
      %dma_start3A_132 = tpu.memref_slice %dma_start3A_129[%dma_start3A_130, %dma_start3A_131] : memref<128x128xf32, #tpu.memory_space<vmem>> -> memref<64x128xf32, #tpu.memory_space<vmem>>
      %dma_start3A_133 = arith.constant 0 : i32
      %dma_start3A_134 = tpu.memref_slice %arg4[%add3A_123, %dma_start3A_133] : memref<819200x128xf32, #tpu.memory_space<hbm>> -> memref<64x128xf32, #tpu.memory_space<hbm>>
      %dma_start3A_135 = tpu.memref_slice %arg8[%dma_start3A_125] : memref<4x!tpu.dma_semaphore, #tpu.memory_space<semaphore_mem>> -> memref<1x!tpu.dma_semaphore, #tpu.memory_space<semaphore_mem>>
      %dma_start3A_136 = tpu.memref_squeeze %dma_start3A_135 : memref<1x!tpu.dma_semaphore, #tpu.memory_space<semaphore_mem>> -> memref<!tpu.dma_semaphore, #tpu.memory_space<semaphore_mem>>
      %dma_start3A_137 = arith.constant 0 : i32
      %dma_start3A_138 = tpu.memref_slice %arg4[%add3A_123, %dma_start3A_137] : memref<819200x128xf32, #tpu.memory_space<hbm>> -> memref<64x128xf32, #tpu.memory_space<hbm>>
      %dma_start3A_139 = arith.constant 0 : i32
      %dma_start3A_140 = arith.constant 0 : i32
      %dma_start3A_141 = tpu.memref_slice %arg6[%dma_start3A_124, %dma_start3A_139, %dma_start3A_140] : memref<4x128x128xf32, #tpu.memory_space<vmem>> -> memref<1x128x128xf32, #tpu.memory_space<vmem>>
      %dma_start3A_142 = tpu.memref_squeeze %dma_start3A_141 : memref<1x128x128xf32, #tpu.memory_space<vmem>> -> memref<128x128xf32, #tpu.memory_space<vmem>>
      %dma_start3A_143 = arith.constant 64 : i32
      %dma_start3A_144 = arith.constant 0 : i32
      %dma_start3A_145 = tpu.memref_slice %dma_start3A_142[%dma_start3A_143, %dma_start3A_144] : memref<128x128xf32, #tpu.memory_space<vmem>> -> memref<64x128xf32, #tpu.memory_space<vmem>>
      tpu.enqueue_dma source(%dma_start3A_145 : memref<64x128xf32, #tpu.memory_space<vmem>>) target(%dma_start3A_138 : memref<64x128xf32, #tpu.memory_space<hbm>>) target_semaphore(%dma_start3A_136 : memref<!tpu.dma_semaphore, #tpu.memory_space<semaphore_mem>>)
      %gt3A = arith.constant 0 : i32
      %gt3A_146 = arith.cmpi sgt, %scan3A_64, %gt3A : i32
      %convert_element_type3A = arith.extui %gt3A_146 : i1 to i32
      %cond3A = arith.constant 0 : i32
      %cond3A_147 = arith.cmpi ne, %convert_element_type3A, %cond3A : i32
      scf.if %cond3A_147 {
        %dma_wait3A_437 = arith.constant 2 : i32
        %dma_wait3A_438 = arith.constant 2 : i32
        %dma_wait3A_439 = arith.constant 0 : i32
        %dma_wait3A_440 = arith.constant 0 : i32
        %dma_wait3A_441 = tpu.memref_slice %arg6[%dma_wait3A_437, %dma_wait3A_439, %dma_wait3A_440] : memref<4x128x128xf32, #tpu.memory_space<vmem>> -> memref<1x128x128xf32, #tpu.memory_space<vmem>>
        %dma_wait3A_442 = tpu.memref_squeeze %dma_wait3A_441 : memref<1x128x128xf32, #tpu.memory_space<vmem>> -> memref<128x128xf32, #tpu.memory_space<vmem>>
        %dma_wait3A_443 = arith.constant 0 : i32
        %dma_wait3A_444 = tpu.memref_slice %arg4[%mul3A_2, %dma_wait3A_443] : memref<819200x128xf32, #tpu.memory_space<hbm>> -> memref<128x128xf32, #tpu.memory_space<hbm>>
        %dma_wait3A_445 = tpu.memref_slice %arg8[%dma_wait3A_438] : memref<4x!tpu.dma_semaphore, #tpu.memory_space<semaphore_mem>> -> memref<1x!tpu.dma_semaphore, #tpu.memory_space<semaphore_mem>>
        %dma_wait3A_446 = tpu.memref_squeeze %dma_wait3A_445 : memref<1x!tpu.dma_semaphore, #tpu.memory_space<semaphore_mem>> -> memref<!tpu.dma_semaphore, #tpu.memory_space<semaphore_mem>>
        %dma_wait3A_447 = arith.constant 0 : i32
        %dma_wait3A_448 = tpu.memref_slice %arg4[%mul3A_2, %dma_wait3A_447] : memref<819200x128xf32, #tpu.memory_space<hbm>> -> memref<128x128xf32, #tpu.memory_space<hbm>>
        %dma_wait3A_449 = arith.constant 0 : i32
        %dma_wait3A_450 = arith.constant 0 : i32
        %dma_wait3A_451 = tpu.memref_slice %arg6[%dma_wait3A_437, %dma_wait3A_449, %dma_wait3A_450] : memref<4x128x128xf32, #tpu.memory_space<vmem>> -> memref<1x128x128xf32, #tpu.memory_space<vmem>>
        %dma_wait3A_452 = tpu.memref_squeeze %dma_wait3A_451 : memref<1x128x128xf32, #tpu.memory_space<vmem>> -> memref<128x128xf32, #tpu.memory_space<vmem>>
        tpu.wait_dma2 semaphore(%dma_wait3A_446 : memref<!tpu.dma_semaphore, #tpu.memory_space<semaphore_mem>>) src(%dma_wait3A_452 : memref<128x128xf32, #tpu.memory_space<vmem>>) dst(%dma_wait3A_448 : memref<128x128xf32, #tpu.memory_space<hbm>>)
      } else {
      }
      %add3A_148 = arith.constant 2 : i32
      %add3A_149 = arith.addi %add3A_68, %add3A_148 : i32
      %mul3A_150 = arith.constant 128 : i32
      %mul3A_151 = arith.muli %add3A_149, %mul3A_150 : i32
      %dma_start3A_152 = arith.constant 2 : i32
      %dma_start3A_153 = arith.constant 2 : i32
      %dma_start3A_154 = arith.constant 0 : i32
      %dma_start3A_155 = arith.constant 0 : i32
      %dma_start3A_156 = tpu.memref_slice %arg6[%dma_start3A_152, %dma_start3A_154, %dma_start3A_155] : memref<4x128x128xf32, #tpu.memory_space<vmem>> -> memref<1x128x128xf32, #tpu.memory_space<vmem>>
      %dma_start3A_157 = tpu.memref_squeeze %dma_start3A_156 : memref<1x128x128xf32, #tpu.memory_space<vmem>> -> memref<128x128xf32, #tpu.memory_space<vmem>>
      %dma_start3A_158 = tpu.memref_slice %arg5[%mul3A_151] : memref<25600xi32, #tpu.memory_space<vmem>> -> memref<128xi32, #tpu.memory_space<vmem>>
      %dma_start3A_159 = arith.constant 0 : i32
      %dma_start3A_160 = arith.constant 0 : i32
      %dma_start3A_161 = tpu.memref_slice %arg3[%dma_start3A_159, %dma_start3A_160] : memref<100000x128xf32, #tpu.memory_space<hbm>> -> memref<100000x128xf32, #tpu.memory_space<hbm>>
      %dma_start3A_162 = tpu.memref_slice %arg7[%dma_start3A_153] : memref<4x!tpu.dma_semaphore, #tpu.memory_space<semaphore_mem>> -> memref<1x!tpu.dma_semaphore, #tpu.memory_space<semaphore_mem>>
      %dma_start3A_163 = tpu.memref_squeeze %dma_start3A_162 : memref<1x!tpu.dma_semaphore, #tpu.memory_space<semaphore_mem>> -> memref<!tpu.dma_semaphore, #tpu.memory_space<semaphore_mem>>
      tpu.enqueue_indirect_dma source(%dma_start3A_161 : memref<100000x128xf32, #tpu.memory_space<hbm>>) target(%dma_start3A_157 : memref<128x128xf32, #tpu.memory_space<vmem>>) offsets(%dma_start3A_158 : memref<128xi32, #tpu.memory_space<vmem>>) semaphore(%dma_start3A_163 : memref<!tpu.dma_semaphore, #tpu.memory_space<semaphore_mem>>)
      %mul3A_164 = arith.constant 4 : i32
      %mul3A_165 = arith.muli %scan3A_64, %mul3A_164 : i32
      %add3A_166 = arith.constant 1 : i32
      %add3A_167 = arith.addi %mul3A_165, %add3A_166 : i32
      %mul3A_168 = arith.constant 128 : i32
      %mul3A_169 = arith.muli %add3A_167, %mul3A_168 : i32
      %add3A_170 = arith.addi %mul3A_2, %mul3A_169 : i32
      %mul3A_171 = arith.constant 128 : i32
      %mul3A_172 = arith.muli %add3A_167, %mul3A_171 : i32
      %dma_wait3A_173 = arith.constant 1 : i32
      %dma_wait3A_174 = arith.constant 1 : i32
      %dma_wait3A_175 = arith.constant 0 : i32
      %dma_wait3A_176 = arith.constant 0 : i32
      %dma_wait3A_177 = tpu.memref_slice %arg6[%dma_wait3A_173, %dma_wait3A_175, %dma_wait3A_176] : memref<4x128x128xf32, #tpu.memory_space<vmem>> -> memref<1x128x128xf32, #tpu.memory_space<vmem>>
      %dma_wait3A_178 = tpu.memref_squeeze %dma_wait3A_177 : memref<1x128x128xf32, #tpu.memory_space<vmem>> -> memref<128x128xf32, #tpu.memory_space<vmem>>
      %dma_wait3A_179 = tpu.memref_slice %arg5[%mul3A_172] : memref<25600xi32, #tpu.memory_space<vmem>> -> memref<128xi32, #tpu.memory_space<vmem>>
      %dma_wait3A_180 = arith.constant 0 : i32
      %dma_wait3A_181 = arith.constant 0 : i32
      %dma_wait3A_182 = tpu.memref_slice %arg3[%dma_wait3A_180, %dma_wait3A_181] : memref<100000x128xf32, #tpu.memory_space<hbm>> -> memref<100000x128xf32, #tpu.memory_space<hbm>>
      %dma_wait3A_183 = tpu.memref_slice %arg7[%dma_wait3A_174] : memref<4x!tpu.dma_semaphore, #tpu.memory_space<semaphore_mem>> -> memref<1x!tpu.dma_semaphore, #tpu.memory_space<semaphore_mem>>
      %dma_wait3A_184 = tpu.memref_squeeze %dma_wait3A_183 : memref<1x!tpu.dma_semaphore, #tpu.memory_space<semaphore_mem>> -> memref<!tpu.dma_semaphore, #tpu.memory_space<semaphore_mem>>
      tpu.wait_indirect_dma semaphore(%dma_wait3A_184 : memref<!tpu.dma_semaphore, #tpu.memory_space<semaphore_mem>>) src(%dma_wait3A_182 : memref<100000x128xf32, #tpu.memory_space<hbm>>) dst(%dma_wait3A_178 : memref<128x128xf32, #tpu.memory_space<vmem>>)
      %scan3A_185 = arith.constant 0 : i32
      %scan3A_186 = arith.constant 1 : i32
      %scan3A_187 = arith.constant 0 : i32
      %scan3A_188 = arith.constant 64 : i32
      %scan3A_189 = arith.addi %scan3A_187, %scan3A_188 : i32
      %scan3A_190 = arith.constant 1 : i32
      scf.for %scan3A_437 = %scan3A_187 to %scan3A_189 step %scan3A_190  : i32 {
        %get3A = arith.constant 0 : i32
        %get3A_438 = arith.constant 0 : i32
        %get3A_439 = tpu.memref_slice %arg6[%scan3A_186, %get3A, %get3A_438] : memref<4x128x128xf32, #tpu.memory_space<vmem>> -> memref<1x128x128xf32, #tpu.memory_space<vmem>>
        %get3A_440 = tpu.memref_squeeze %get3A_439 : memref<1x128x128xf32, #tpu.memory_space<vmem>> -> memref<128x128xf32, #tpu.memory_space<vmem>>
        %get3A_441 = arith.index_cast %scan3A_437 : i32 to index
        %get3A_442 = arith.constant 0 : index
        %get3A_443 = tpu.vector_load %get3A_440[%get3A_441, %get3A_442] {strides = array<i32>} : memref<128x128xf32, #tpu.memory_space<vmem>>, vector<1x16xf32>,
        %get3A_444 = vector.shape_cast %get3A_443 : vector<1x16xf32> to vector<16xf32>
        %mul3A_445 = arith.constant 11.3137083 : f32
        %mul3A_446 = vector.broadcast %mul3A_445 : f32 to vector<16xf32>
        %mul3A_447 = arith.mulf %get3A_444, %mul3A_446 : vector<16xf32>
        %swap3A = arith.constant 0 : i32
        %swap3A_448 = arith.constant 0 : i32
        %swap3A_449 = tpu.memref_slice %arg6[%scan3A_186, %swap3A, %swap3A_448] : memref<4x128x128xf32, #tpu.memory_space<vmem>> -> memref<1x128x128xf32, #tpu.memory_space<vmem>>
        %swap3A_450 = tpu.memref_squeeze %swap3A_449 : memref<1x128x128xf32, #tpu.memory_space<vmem>> -> memref<128x128xf32, #tpu.memory_space<vmem>>
        %swap3A_451 = arith.index_cast %scan3A_437 : i32 to index
        %swap3A_452 = arith.constant 0 : index
        %swap3A_453 = tpu.vector_load %swap3A_450[%swap3A_451, %swap3A_452] {strides = array<i32>} : memref<128x128xf32, #tpu.memory_space<vmem>>, vector<1x16xf32>,
        %swap3A_454 = vector.shape_cast %swap3A_453 : vector<1x16xf32> to vector<16xf32>
        %swap3A_455 = vector.shape_cast %mul3A_447 : vector<16xf32> to vector<1x16xf32>
        tpu.vector_store %swap3A_450[%swap3A_451, %swap3A_452], %swap3A_455 {strides = array<i32>} : memref<128x128xf32, #tpu.memory_space<vmem>>, vector<1x16xf32>,
        %get3A_456 = arith.constant 0 : i32
        %get3A_457 = arith.constant 0 : i32
        %get3A_458 = tpu.memref_slice %arg6[%scan3A_186, %get3A_456, %get3A_457] : memref<4x128x128xf32, #tpu.memory_space<vmem>> -> memref<1x128x128xf32, #tpu.memory_space<vmem>>
        %get3A_459 = tpu.memref_squeeze %get3A_458 : memref<1x128x128xf32, #tpu.memory_space<vmem>> -> memref<128x128xf32, #tpu.memory_space<vmem>>
        %get3A_460 = arith.index_cast %scan3A_437 : i32 to index
        %get3A_461 = arith.constant 16 : index
        %get3A_462 = tpu.vector_load %get3A_459[%get3A_460, %get3A_461] {strides = array<i32>} : memref<128x128xf32, #tpu.memory_space<vmem>>, vector<1x16xf32>,
        %get3A_463 = vector.shape_cast %get3A_462 : vector<1x16xf32> to vector<16xf32>
        %mul3A_464 = arith.constant 11.3137083 : f32
        %mul3A_465 = vector.broadcast %mul3A_464 : f32 to vector<16xf32>
        %mul3A_466 = arith.mulf %get3A_463, %mul3A_465 : vector<16xf32>
        %swap3A_467 = arith.constant 0 : i32
        %swap3A_468 = arith.constant 0 : i32
        %swap3A_469 = tpu.memref_slice %arg6[%scan3A_186, %swap3A_467, %swap3A_468] : memref<4x128x128xf32, #tpu.memory_space<vmem>> -> memref<1x128x128xf32, #tpu.memory_space<vmem>>
        %swap3A_470 = tpu.memref_squeeze %swap3A_469 : memref<1x128x128xf32, #tpu.memory_space<vmem>> -> memref<128x128xf32, #tpu.memory_space<vmem>>
        %swap3A_471 = arith.index_cast %scan3A_437 : i32 to index
        %swap3A_472 = arith.constant 16 : index
        %swap3A_473 = tpu.vector_load %swap3A_470[%swap3A_471, %swap3A_472] {strides = array<i32>} : memref<128x128xf32, #tpu.memory_space<vmem>>, vector<1x16xf32>,
        %swap3A_474 = vector.shape_cast %swap3A_473 : vector<1x16xf32> to vector<16xf32>
        %swap3A_475 = vector.shape_cast %mul3A_466 : vector<16xf32> to vector<1x16xf32>
        tpu.vector_store %swap3A_470[%swap3A_471, %swap3A_472], %swap3A_475 {strides = array<i32>} : memref<128x128xf32, #tpu.memory_space<vmem>>, vector<1x16xf32>,
        %get3A_476 = arith.constant 0 : i32
        %get3A_477 = arith.constant 0 : i32
        %get3A_478 = tpu.memref_slice %arg6[%scan3A_186, %get3A_476, %get3A_477] : memref<4x128x128xf32, #tpu.memory_space<vmem>> -> memref<1x128x128xf32, #tpu.memory_space<vmem>>
        %get3A_479 = tpu.memref_squeeze %get3A_478 : memref<1x128x128xf32, #tpu.memory_space<vmem>> -> memref<128x128xf32, #tpu.memory_space<vmem>>
        %get3A_480 = arith.index_cast %scan3A_437 : i32 to index
        %get3A_481 = arith.constant 32 : index
        %get3A_482 = tpu.vector_load %get3A_479[%get3A_480, %get3A_481] {strides = array<i32>} : memref<128x128xf32, #tpu.memory_space<vmem>>, vector<1x16xf32>,
        %get3A_483 = vector.shape_cast %get3A_482 : vector<1x16xf32> to vector<16xf32>
        %mul3A_484 = arith.constant 11.3137083 : f32
        %mul3A_485 = vector.broadcast %mul3A_484 : f32 to vector<16xf32>
        %mul3A_486 = arith.mulf %get3A_483, %mul3A_485 : vector<16xf32>
        %swap3A_487 = arith.constant 0 : i32
        %swap3A_488 = arith.constant 0 : i32
        %swap3A_489 = tpu.memref_slice %arg6[%scan3A_186, %swap3A_487, %swap3A_488] : memref<4x128x128xf32, #tpu.memory_space<vmem>> -> memref<1x128x128xf32, #tpu.memory_space<vmem>>
        %swap3A_490 = tpu.memref_squeeze %swap3A_489 : memref<1x128x128xf32, #tpu.memory_space<vmem>> -> memref<128x128xf32, #tpu.memory_space<vmem>>
        %swap3A_491 = arith.index_cast %scan3A_437 : i32 to index
        %swap3A_492 = arith.constant 32 : index
        %swap3A_493 = tpu.vector_load %swap3A_490[%swap3A_491, %swap3A_492] {strides = array<i32>} : memref<128x128xf32, #tpu.memory_space<vmem>>, vector<1x16xf32>,
        %swap3A_494 = vector.shape_cast %swap3A_493 : vector<1x16xf32> to vector<16xf32>
        %swap3A_495 = vector.shape_cast %mul3A_486 : vector<16xf32> to vector<1x16xf32>
        tpu.vector_store %swap3A_490[%swap3A_491, %swap3A_492], %swap3A_495 {strides = array<i32>} : memref<128x128xf32, #tpu.memory_space<vmem>>, vector<1x16xf32>,
        %get3A_496 = arith.constant 0 : i32
        %get3A_497 = arith.constant 0 : i32
        %get3A_498 = tpu.memref_slice %arg6[%scan3A_186, %get3A_496, %get3A_497] : memref<4x128x128xf32, #tpu.memory_space<vmem>> -> memref<1x128x128xf32, #tpu.memory_space<vmem>>
        %get3A_499 = tpu.memref_squeeze %get3A_498 : memref<1x128x128xf32, #tpu.memory_space<vmem>> -> memref<128x128xf32, #tpu.memory_space<vmem>>
        %get3A_500 = arith.index_cast %scan3A_437 : i32 to index
        %get3A_501 = arith.constant 48 : index
        %get3A_502 = tpu.vector_load %get3A_499[%get3A_500, %get3A_501] {strides = array<i32>} : memref<128x128xf32, #tpu.memory_space<vmem>>, vector<1x16xf32>,
        %get3A_503 = vector.shape_cast %get3A_502 : vector<1x16xf32> to vector<16xf32>
        %mul3A_504 = arith.constant 11.3137083 : f32
        %mul3A_505 = vector.broadcast %mul3A_504 : f32 to vector<16xf32>
        %mul3A_506 = arith.mulf %get3A_503, %mul3A_505 : vector<16xf32>
        %swap3A_507 = arith.constant 0 : i32
        %swap3A_508 = arith.constant 0 : i32
        %swap3A_509 = tpu.memref_slice %arg6[%scan3A_186, %swap3A_507, %swap3A_508] : memref<4x128x128xf32, #tpu.memory_space<vmem>> -> memref<1x128x128xf32, #tpu.memory_space<vmem>>
        %swap3A_510 = tpu.memref_squeeze %swap3A_509 : memref<1x128x128xf32, #tpu.memory_space<vmem>> -> memref<128x128xf32, #tpu.memory_space<vmem>>
        %swap3A_511 = arith.index_cast %scan3A_437 : i32 to index
        %swap3A_512 = arith.constant 48 : index
        %swap3A_513 = tpu.vector_load %swap3A_510[%swap3A_511, %swap3A_512] {strides = array<i32>} : memref<128x128xf32, #tpu.memory_space<vmem>>, vector<1x16xf32>,
        %swap3A_514 = vector.shape_cast %swap3A_513 : vector<1x16xf32> to vector<16xf32>
        %swap3A_515 = vector.shape_cast %mul3A_506 : vector<16xf32> to vector<1x16xf32>
        tpu.vector_store %swap3A_510[%swap3A_511, %swap3A_512], %swap3A_515 {strides = array<i32>} : memref<128x128xf32, #tpu.memory_space<vmem>>, vector<1x16xf32>,
        %get3A_516 = arith.constant 0 : i32
        %get3A_517 = arith.constant 0 : i32
        %get3A_518 = tpu.memref_slice %arg6[%scan3A_186, %get3A_516, %get3A_517] : memref<4x128x128xf32, #tpu.memory_space<vmem>> -> memref<1x128x128xf32, #tpu.memory_space<vmem>>
        %get3A_519 = tpu.memref_squeeze %get3A_518 : memref<1x128x128xf32, #tpu.memory_space<vmem>> -> memref<128x128xf32, #tpu.memory_space<vmem>>
        %get3A_520 = arith.index_cast %scan3A_437 : i32 to index
        %get3A_521 = arith.constant 64 : index
        %get3A_522 = tpu.vector_load %get3A_519[%get3A_520, %get3A_521] {strides = array<i32>} : memref<128x128xf32, #tpu.memory_space<vmem>>, vector<1x16xf32>,
        %get3A_523 = vector.shape_cast %get3A_522 : vector<1x16xf32> to vector<16xf32>
        %mul3A_524 = arith.constant 11.3137083 : f32
        %mul3A_525 = vector.broadcast %mul3A_524 : f32 to vector<16xf32>
        %mul3A_526 = arith.mulf %get3A_523, %mul3A_525 : vector<16xf32>
        %swap3A_527 = arith.constant 0 : i32
        %swap3A_528 = arith.constant 0 : i32
        %swap3A_529 = tpu.memref_slice %arg6[%scan3A_186, %swap3A_527, %swap3A_528] : memref<4x128x128xf32, #tpu.memory_space<vmem>> -> memref<1x128x128xf32, #tpu.memory_space<vmem>>
        %swap3A_530 = tpu.memref_squeeze %swap3A_529 : memref<1x128x128xf32, #tpu.memory_space<vmem>> -> memref<128x128xf32, #tpu.memory_space<vmem>>
        %swap3A_531 = arith.index_cast %scan3A_437 : i32 to index
        %swap3A_532 = arith.constant 64 : index
        %swap3A_533 = tpu.vector_load %swap3A_530[%swap3A_531, %swap3A_532] {strides = array<i32>} : memref<128x128xf32, #tpu.memory_space<vmem>>, vector<1x16xf32>,
        %swap3A_534 = vector.shape_cast %swap3A_533 : vector<1x16xf32> to vector<16xf32>
        %swap3A_535 = vector.shape_cast %mul3A_526 : vector<16xf32> to vector<1x16xf32>
        tpu.vector_store %swap3A_530[%swap3A_531, %swap3A_532], %swap3A_535 {strides = array<i32>} : memref<128x128xf32, #tpu.memory_space<vmem>>, vector<1x16xf32>,
        %get3A_536 = arith.constant 0 : i32
        %get3A_537 = arith.constant 0 : i32
        %get3A_538 = tpu.memref_slice %arg6[%scan3A_186, %get3A_536, %get3A_537] : memref<4x128x128xf32, #tpu.memory_space<vmem>> -> memref<1x128x128xf32, #tpu.memory_space<vmem>>
        %get3A_539 = tpu.memref_squeeze %get3A_538 : memref<1x128x128xf32, #tpu.memory_space<vmem>> -> memref<128x128xf32, #tpu.memory_space<vmem>>
        %get3A_540 = arith.index_cast %scan3A_437 : i32 to index
        %get3A_541 = arith.constant 80 : index
        %get3A_542 = tpu.vector_load %get3A_539[%get3A_540, %get3A_541] {strides = array<i32>} : memref<128x128xf32, #tpu.memory_space<vmem>>, vector<1x16xf32>,
        %get3A_543 = vector.shape_cast %get3A_542 : vector<1x16xf32> to vector<16xf32>
        %mul3A_544 = arith.constant 11.3137083 : f32
        %mul3A_545 = vector.broadcast %mul3A_544 : f32 to vector<16xf32>
        %mul3A_546 = arith.mulf %get3A_543, %mul3A_545 : vector<16xf32>
        %swap3A_547 = arith.constant 0 : i32
        %swap3A_548 = arith.constant 0 : i32
        %swap3A_549 = tpu.memref_slice %arg6[%scan3A_186, %swap3A_547, %swap3A_548] : memref<4x128x128xf32, #tpu.memory_space<vmem>> -> memref<1x128x128xf32, #tpu.memory_space<vmem>>
        %swap3A_550 = tpu.memref_squeeze %swap3A_549 : memref<1x128x128xf32, #tpu.memory_space<vmem>> -> memref<128x128xf32, #tpu.memory_space<vmem>>
        %swap3A_551 = arith.index_cast %scan3A_437 : i32 to index
        %swap3A_552 = arith.constant 80 : index
        %swap3A_553 = tpu.vector_load %swap3A_550[%swap3A_551, %swap3A_552] {strides = array<i32>} : memref<128x128xf32, #tpu.memory_space<vmem>>, vector<1x16xf32>,
        %swap3A_554 = vector.shape_cast %swap3A_553 : vector<1x16xf32> to vector<16xf32>
        %swap3A_555 = vector.shape_cast %mul3A_546 : vector<16xf32> to vector<1x16xf32>
        tpu.vector_store %swap3A_550[%swap3A_551, %swap3A_552], %swap3A_555 {strides = array<i32>} : memref<128x128xf32, #tpu.memory_space<vmem>>, vector<1x16xf32>,
        %get3A_556 = arith.constant 0 : i32
        %get3A_557 = arith.constant 0 : i32
        %get3A_558 = tpu.memref_slice %arg6[%scan3A_186, %get3A_556, %get3A_557] : memref<4x128x128xf32, #tpu.memory_space<vmem>> -> memref<1x128x128xf32, #tpu.memory_space<vmem>>
        %get3A_559 = tpu.memref_squeeze %get3A_558 : memref<1x128x128xf32, #tpu.memory_space<vmem>> -> memref<128x128xf32, #tpu.memory_space<vmem>>
        %get3A_560 = arith.index_cast %scan3A_437 : i32 to index
        %get3A_561 = arith.constant 96 : index
        %get3A_562 = tpu.vector_load %get3A_559[%get3A_560, %get3A_561] {strides = array<i32>} : memref<128x128xf32, #tpu.memory_space<vmem>>, vector<1x16xf32>,
        %get3A_563 = vector.shape_cast %get3A_562 : vector<1x16xf32> to vector<16xf32>
        %mul3A_564 = arith.constant 11.3137083 : f32
        %mul3A_565 = vector.broadcast %mul3A_564 : f32 to vector<16xf32>
        %mul3A_566 = arith.mulf %get3A_563, %mul3A_565 : vector<16xf32>
        %swap3A_567 = arith.constant 0 : i32
        %swap3A_568 = arith.constant 0 : i32
        %swap3A_569 = tpu.memref_slice %arg6[%scan3A_186, %swap3A_567, %swap3A_568] : memref<4x128x128xf32, #tpu.memory_space<vmem>> -> memref<1x128x128xf32, #tpu.memory_space<vmem>>
        %swap3A_570 = tpu.memref_squeeze %swap3A_569 : memref<1x128x128xf32, #tpu.memory_space<vmem>> -> memref<128x128xf32, #tpu.memory_space<vmem>>
        %swap3A_571 = arith.index_cast %scan3A_437 : i32 to index
        %swap3A_572 = arith.constant 96 : index
        %swap3A_573 = tpu.vector_load %swap3A_570[%swap3A_571, %swap3A_572] {strides = array<i32>} : memref<128x128xf32, #tpu.memory_space<vmem>>, vector<1x16xf32>,
        %swap3A_574 = vector.shape_cast %swap3A_573 : vector<1x16xf32> to vector<16xf32>
        %swap3A_575 = vector.shape_cast %mul3A_566 : vector<16xf32> to vector<1x16xf32>
        tpu.vector_store %swap3A_570[%swap3A_571, %swap3A_572], %swap3A_575 {strides = array<i32>} : memref<128x128xf32, #tpu.memory_space<vmem>>, vector<1x16xf32>,
        %get3A_576 = arith.constant 0 : i32
        %get3A_577 = arith.constant 0 : i32
        %get3A_578 = tpu.memref_slice %arg6[%scan3A_186, %get3A_576, %get3A_577] : memref<4x128x128xf32, #tpu.memory_space<vmem>> -> memref<1x128x128xf32, #tpu.memory_space<vmem>>
        %get3A_579 = tpu.memref_squeeze %get3A_578 : memref<1x128x128xf32, #tpu.memory_space<vmem>> -> memref<128x128xf32, #tpu.memory_space<vmem>>
        %get3A_580 = arith.index_cast %scan3A_437 : i32 to index
        %get3A_581 = arith.constant 112 : index
        %get3A_582 = tpu.vector_load %get3A_579[%get3A_580, %get3A_581] {strides = array<i32>} : memref<128x128xf32, #tpu.memory_space<vmem>>, vector<1x16xf32>,
        %get3A_583 = vector.shape_cast %get3A_582 : vector<1x16xf32> to vector<16xf32>
        %mul3A_584 = arith.constant 11.3137083 : f32
        %mul3A_585 = vector.broadcast %mul3A_584 : f32 to vector<16xf32>
        %mul3A_586 = arith.mulf %get3A_583, %mul3A_585 : vector<16xf32>
        %swap3A_587 = arith.constant 0 : i32
        %swap3A_588 = arith.constant 0 : i32
        %swap3A_589 = tpu.memref_slice %arg6[%scan3A_186, %swap3A_587, %swap3A_588] : memref<4x128x128xf32, #tpu.memory_space<vmem>> -> memref<1x128x128xf32, #tpu.memory_space<vmem>>
        %swap3A_590 = tpu.memref_squeeze %swap3A_589 : memref<1x128x128xf32, #tpu.memory_space<vmem>> -> memref<128x128xf32, #tpu.memory_space<vmem>>
        %swap3A_591 = arith.index_cast %scan3A_437 : i32 to index
        %swap3A_592 = arith.constant 112 : index
        %swap3A_593 = tpu.vector_load %swap3A_590[%swap3A_591, %swap3A_592] {strides = array<i32>} : memref<128x128xf32, #tpu.memory_space<vmem>>, vector<1x16xf32>,
        %swap3A_594 = vector.shape_cast %swap3A_593 : vector<1x16xf32> to vector<16xf32>
        %swap3A_595 = vector.shape_cast %mul3A_586 : vector<16xf32> to vector<1x16xf32>
        tpu.vector_store %swap3A_590[%swap3A_591, %swap3A_592], %swap3A_595 {strides = array<i32>} : memref<128x128xf32, #tpu.memory_space<vmem>>, vector<1x16xf32>,
      }
      %scan3A_191 = arith.constant 64 : i32
      %dma_start3A_192 = arith.constant 1 : i32
      %dma_start3A_193 = arith.constant 1 : i32
      %dma_start3A_194 = arith.constant 0 : i32
      %dma_start3A_195 = arith.constant 0 : i32
      %dma_start3A_196 = tpu.memref_slice %arg6[%dma_start3A_192, %dma_start3A_194, %dma_start3A_195] : memref<4x128x128xf32, #tpu.memory_space<vmem>> -> memref<1x128x128xf32, #tpu.memory_space<vmem>>
      %dma_start3A_197 = tpu.memref_squeeze %dma_start3A_196 : memref<1x128x128xf32, #tpu.memory_space<vmem>> -> memref<128x128xf32, #tpu.memory_space<vmem>>
      %dma_start3A_198 = arith.constant 0 : i32
      %dma_start3A_199 = arith.constant 0 : i32
      %dma_start3A_200 = tpu.memref_slice %dma_start3A_197[%dma_start3A_198, %dma_start3A_199] : memref<128x128xf32, #tpu.memory_space<vmem>> -> memref<64x128xf32, #tpu.memory_space<vmem>>
      %dma_start3A_201 = arith.constant 0 : i32
      %dma_start3A_202 = tpu.memref_slice %arg4[%add3A_170, %dma_start3A_201] : memref<819200x128xf32, #tpu.memory_space<hbm>> -> memref<64x128xf32, #tpu.memory_space<hbm>>
      %dma_start3A_203 = tpu.memref_slice %arg8[%dma_start3A_193] : memref<4x!tpu.dma_semaphore, #tpu.memory_space<semaphore_mem>> -> memref<1x!tpu.dma_semaphore, #tpu.memory_space<semaphore_mem>>
      %dma_start3A_204 = tpu.memref_squeeze %dma_start3A_203 : memref<1x!tpu.dma_semaphore, #tpu.memory_space<semaphore_mem>> -> memref<!tpu.dma_semaphore, #tpu.memory_space<semaphore_mem>>
      %dma_start3A_205 = arith.constant 0 : i32
      %dma_start3A_206 = tpu.memref_slice %arg4[%add3A_170, %dma_start3A_205] : memref<819200x128xf32, #tpu.memory_space<hbm>> -> memref<64x128xf32, #tpu.memory_space<hbm>>
      %dma_start3A_207 = arith.constant 0 : i32
      %dma_start3A_208 = arith.constant 0 : i32
      %dma_start3A_209 = tpu.memref_slice %arg6[%dma_start3A_192, %dma_start3A_207, %dma_start3A_208] : memref<4x128x128xf32, #tpu.memory_space<vmem>> -> memref<1x128x128xf32, #tpu.memory_space<vmem>>
      %dma_start3A_210 = tpu.memref_squeeze %dma_start3A_209 : memref<1x128x128xf32, #tpu.memory_space<vmem>> -> memref<128x128xf32, #tpu.memory_space<vmem>>
      %dma_start3A_211 = arith.constant 0 : i32
      %dma_start3A_212 = arith.constant 0 : i32
      %dma_start3A_213 = tpu.memref_slice %dma_start3A_210[%dma_start3A_211, %dma_start3A_212] : memref<128x128xf32, #tpu.memory_space<vmem>> -> memref<64x128xf32, #tpu.memory_space<vmem>>
      tpu.enqueue_dma source(%dma_start3A_213 : memref<64x128xf32, #tpu.memory_space<vmem>>) target(%dma_start3A_206 : memref<64x128xf32, #tpu.memory_space<hbm>>) target_semaphore(%dma_start3A_204 : memref<!tpu.dma_semaphore, #tpu.memory_space<semaphore_mem>>)
      %scan3A_214 = arith.constant 0 : i32
      %scan3A_215 = arith.constant 1 : i32
      %scan3A_216 = arith.constant 64 : i32
      %scan3A_217 = arith.constant 64 : i32
      %scan3A_218 = arith.addi %scan3A_216, %scan3A_217 : i32
      %scan3A_219 = arith.constant 1 : i32
      scf.for %scan3A_437 = %scan3A_216 to %scan3A_218 step %scan3A_219  : i32 {
        %get3A = arith.constant 0 : i32
        %get3A_438 = arith.constant 0 : i32
        %get3A_439 = tpu.memref_slice %arg6[%scan3A_215, %get3A, %get3A_438] : memref<4x128x128xf32, #tpu.memory_space<vmem>> -> memref<1x128x128xf32, #tpu.memory_space<vmem>>
        %get3A_440 = tpu.memref_squeeze %get3A_439 : memref<1x128x128xf32, #tpu.memory_space<vmem>> -> memref<128x128xf32, #tpu.memory_space<vmem>>
        %get3A_441 = arith.index_cast %scan3A_437 : i32 to index
        %get3A_442 = arith.constant 0 : index
        %get3A_443 = tpu.vector_load %get3A_440[%get3A_441, %get3A_442] {strides = array<i32>} : memref<128x128xf32, #tpu.memory_space<vmem>>, vector<1x16xf32>,
        %get3A_444 = vector.shape_cast %get3A_443 : vector<1x16xf32> to vector<16xf32>
        %mul3A_445 = arith.constant 11.3137083 : f32
        %mul3A_446 = vector.broadcast %mul3A_445 : f32 to vector<16xf32>
        %mul3A_447 = arith.mulf %get3A_444, %mul3A_446 : vector<16xf32>
        %swap3A = arith.constant 0 : i32
        %swap3A_448 = arith.constant 0 : i32
        %swap3A_449 = tpu.memref_slice %arg6[%scan3A_215, %swap3A, %swap3A_448] : memref<4x128x128xf32, #tpu.memory_space<vmem>> -> memref<1x128x128xf32, #tpu.memory_space<vmem>>
        %swap3A_450 = tpu.memref_squeeze %swap3A_449 : memref<1x128x128xf32, #tpu.memory_space<vmem>> -> memref<128x128xf32, #tpu.memory_space<vmem>>
        %swap3A_451 = arith.index_cast %scan3A_437 : i32 to index
        %swap3A_452 = arith.constant 0 : index
        %swap3A_453 = tpu.vector_load %swap3A_450[%swap3A_451, %swap3A_452] {strides = array<i32>} : memref<128x128xf32, #tpu.memory_space<vmem>>, vector<1x16xf32>,
        %swap3A_454 = vector.shape_cast %swap3A_453 : vector<1x16xf32> to vector<16xf32>
        %swap3A_455 = vector.shape_cast %mul3A_447 : vector<16xf32> to vector<1x16xf32>
        tpu.vector_store %swap3A_450[%swap3A_451, %swap3A_452], %swap3A_455 {strides = array<i32>} : memref<128x128xf32, #tpu.memory_space<vmem>>, vector<1x16xf32>,
        %get3A_456 = arith.constant 0 : i32
        %get3A_457 = arith.constant 0 : i32
        %get3A_458 = tpu.memref_slice %arg6[%scan3A_215, %get3A_456, %get3A_457] : memref<4x128x128xf32, #tpu.memory_space<vmem>> -> memref<1x128x128xf32, #tpu.memory_space<vmem>>
        %get3A_459 = tpu.memref_squeeze %get3A_458 : memref<1x128x128xf32, #tpu.memory_space<vmem>> -> memref<128x128xf32, #tpu.memory_space<vmem>>
        %get3A_460 = arith.index_cast %scan3A_437 : i32 to index
        %get3A_461 = arith.constant 16 : index
        %get3A_462 = tpu.vector_load %get3A_459[%get3A_460, %get3A_461] {strides = array<i32>} : memref<128x128xf32, #tpu.memory_space<vmem>>, vector<1x16xf32>,
        %get3A_463 = vector.shape_cast %get3A_462 : vector<1x16xf32> to vector<16xf32>
        %mul3A_464 = arith.constant 11.3137083 : f32
        %mul3A_465 = vector.broadcast %mul3A_464 : f32 to vector<16xf32>
        %mul3A_466 = arith.mulf %get3A_463, %mul3A_465 : vector<16xf32>
        %swap3A_467 = arith.constant 0 : i32
        %swap3A_468 = arith.constant 0 : i32
        %swap3A_469 = tpu.memref_slice %arg6[%scan3A_215, %swap3A_467, %swap3A_468] : memref<4x128x128xf32, #tpu.memory_space<vmem>> -> memref<1x128x128xf32, #tpu.memory_space<vmem>>
        %swap3A_470 = tpu.memref_squeeze %swap3A_469 : memref<1x128x128xf32, #tpu.memory_space<vmem>> -> memref<128x128xf32, #tpu.memory_space<vmem>>
        %swap3A_471 = arith.index_cast %scan3A_437 : i32 to index
        %swap3A_472 = arith.constant 16 : index
        %swap3A_473 = tpu.vector_load %swap3A_470[%swap3A_471, %swap3A_472] {strides = array<i32>} : memref<128x128xf32, #tpu.memory_space<vmem>>, vector<1x16xf32>,
        %swap3A_474 = vector.shape_cast %swap3A_473 : vector<1x16xf32> to vector<16xf32>
        %swap3A_475 = vector.shape_cast %mul3A_466 : vector<16xf32> to vector<1x16xf32>
        tpu.vector_store %swap3A_470[%swap3A_471, %swap3A_472], %swap3A_475 {strides = array<i32>} : memref<128x128xf32, #tpu.memory_space<vmem>>, vector<1x16xf32>,
        %get3A_476 = arith.constant 0 : i32
        %get3A_477 = arith.constant 0 : i32
        %get3A_478 = tpu.memref_slice %arg6[%scan3A_215, %get3A_476, %get3A_477] : memref<4x128x128xf32, #tpu.memory_space<vmem>> -> memref<1x128x128xf32, #tpu.memory_space<vmem>>
        %get3A_479 = tpu.memref_squeeze %get3A_478 : memref<1x128x128xf32, #tpu.memory_space<vmem>> -> memref<128x128xf32, #tpu.memory_space<vmem>>
        %get3A_480 = arith.index_cast %scan3A_437 : i32 to index
        %get3A_481 = arith.constant 32 : index
        %get3A_482 = tpu.vector_load %get3A_479[%get3A_480, %get3A_481] {strides = array<i32>} : memref<128x128xf32, #tpu.memory_space<vmem>>, vector<1x16xf32>,
        %get3A_483 = vector.shape_cast %get3A_482 : vector<1x16xf32> to vector<16xf32>
        %mul3A_484 = arith.constant 11.3137083 : f32
        %mul3A_485 = vector.broadcast %mul3A_484 : f32 to vector<16xf32>
        %mul3A_486 = arith.mulf %get3A_483, %mul3A_485 : vector<16xf32>
        %swap3A_487 = arith.constant 0 : i32
        %swap3A_488 = arith.constant 0 : i32
        %swap3A_489 = tpu.memref_slice %arg6[%scan3A_215, %swap3A_487, %swap3A_488] : memref<4x128x128xf32, #tpu.memory_space<vmem>> -> memref<1x128x128xf32, #tpu.memory_space<vmem>>
        %swap3A_490 = tpu.memref_squeeze %swap3A_489 : memref<1x128x128xf32, #tpu.memory_space<vmem>> -> memref<128x128xf32, #tpu.memory_space<vmem>>
        %swap3A_491 = arith.index_cast %scan3A_437 : i32 to index
        %swap3A_492 = arith.constant 32 : index
        %swap3A_493 = tpu.vector_load %swap3A_490[%swap3A_491, %swap3A_492] {strides = array<i32>} : memref<128x128xf32, #tpu.memory_space<vmem>>, vector<1x16xf32>,
        %swap3A_494 = vector.shape_cast %swap3A_493 : vector<1x16xf32> to vector<16xf32>
        %swap3A_495 = vector.shape_cast %mul3A_486 : vector<16xf32> to vector<1x16xf32>
        tpu.vector_store %swap3A_490[%swap3A_491, %swap3A_492], %swap3A_495 {strides = array<i32>} : memref<128x128xf32, #tpu.memory_space<vmem>>, vector<1x16xf32>,
        %get3A_496 = arith.constant 0 : i32
        %get3A_497 = arith.constant 0 : i32
        %get3A_498 = tpu.memref_slice %arg6[%scan3A_215, %get3A_496, %get3A_497] : memref<4x128x128xf32, #tpu.memory_space<vmem>> -> memref<1x128x128xf32, #tpu.memory_space<vmem>>
        %get3A_499 = tpu.memref_squeeze %get3A_498 : memref<1x128x128xf32, #tpu.memory_space<vmem>> -> memref<128x128xf32, #tpu.memory_space<vmem>>
        %get3A_500 = arith.index_cast %scan3A_437 : i32 to index
        %get3A_501 = arith.constant 48 : index
        %get3A_502 = tpu.vector_load %get3A_499[%get3A_500, %get3A_501] {strides = array<i32>} : memref<128x128xf32, #tpu.memory_space<vmem>>, vector<1x16xf32>,
        %get3A_503 = vector.shape_cast %get3A_502 : vector<1x16xf32> to vector<16xf32>
        %mul3A_504 = arith.constant 11.3137083 : f32
        %mul3A_505 = vector.broadcast %mul3A_504 : f32 to vector<16xf32>
        %mul3A_506 = arith.mulf %get3A_503, %mul3A_505 : vector<16xf32>
        %swap3A_507 = arith.constant 0 : i32
        %swap3A_508 = arith.constant 0 : i32
        %swap3A_509 = tpu.memref_slice %arg6[%scan3A_215, %swap3A_507, %swap3A_508] : memref<4x128x128xf32, #tpu.memory_space<vmem>> -> memref<1x128x128xf32, #tpu.memory_space<vmem>>
        %swap3A_510 = tpu.memref_squeeze %swap3A_509 : memref<1x128x128xf32, #tpu.memory_space<vmem>> -> memref<128x128xf32, #tpu.memory_space<vmem>>
        %swap3A_511 = arith.index_cast %scan3A_437 : i32 to index
        %swap3A_512 = arith.constant 48 : index
        %swap3A_513 = tpu.vector_load %swap3A_510[%swap3A_511, %swap3A_512] {strides = array<i32>} : memref<128x128xf32, #tpu.memory_space<vmem>>, vector<1x16xf32>,
        %swap3A_514 = vector.shape_cast %swap3A_513 : vector<1x16xf32> to vector<16xf32>
        %swap3A_515 = vector.shape_cast %mul3A_506 : vector<16xf32> to vector<1x16xf32>
        tpu.vector_store %swap3A_510[%swap3A_511, %swap3A_512], %swap3A_515 {strides = array<i32>} : memref<128x128xf32, #tpu.memory_space<vmem>>, vector<1x16xf32>,
        %get3A_516 = arith.constant 0 : i32
        %get3A_517 = arith.constant 0 : i32
        %get3A_518 = tpu.memref_slice %arg6[%scan3A_215, %get3A_516, %get3A_517] : memref<4x128x128xf32, #tpu.memory_space<vmem>> -> memref<1x128x128xf32, #tpu.memory_space<vmem>>
        %get3A_519 = tpu.memref_squeeze %get3A_518 : memref<1x128x128xf32, #tpu.memory_space<vmem>> -> memref<128x128xf32, #tpu.memory_space<vmem>>
        %get3A_520 = arith.index_cast %scan3A_437 : i32 to index
        %get3A_521 = arith.constant 64 : index
        %get3A_522 = tpu.vector_load %get3A_519[%get3A_520, %get3A_521] {strides = array<i32>} : memref<128x128xf32, #tpu.memory_space<vmem>>, vector<1x16xf32>,
        %get3A_523 = vector.shape_cast %get3A_522 : vector<1x16xf32> to vector<16xf32>
        %mul3A_524 = arith.constant 11.3137083 : f32
        %mul3A_525 = vector.broadcast %mul3A_524 : f32 to vector<16xf32>
        %mul3A_526 = arith.mulf %get3A_523, %mul3A_525 : vector<16xf32>
        %swap3A_527 = arith.constant 0 : i32
        %swap3A_528 = arith.constant 0 : i32
        %swap3A_529 = tpu.memref_slice %arg6[%scan3A_215, %swap3A_527, %swap3A_528] : memref<4x128x128xf32, #tpu.memory_space<vmem>> -> memref<1x128x128xf32, #tpu.memory_space<vmem>>
        %swap3A_530 = tpu.memref_squeeze %swap3A_529 : memref<1x128x128xf32, #tpu.memory_space<vmem>> -> memref<128x128xf32, #tpu.memory_space<vmem>>
        %swap3A_531 = arith.index_cast %scan3A_437 : i32 to index
        %swap3A_532 = arith.constant 64 : index
        %swap3A_533 = tpu.vector_load %swap3A_530[%swap3A_531, %swap3A_532] {strides = array<i32>} : memref<128x128xf32, #tpu.memory_space<vmem>>, vector<1x16xf32>,
        %swap3A_534 = vector.shape_cast %swap3A_533 : vector<1x16xf32> to vector<16xf32>
        %swap3A_535 = vector.shape_cast %mul3A_526 : vector<16xf32> to vector<1x16xf32>
        tpu.vector_store %swap3A_530[%swap3A_531, %swap3A_532], %swap3A_535 {strides = array<i32>} : memref<128x128xf32, #tpu.memory_space<vmem>>, vector<1x16xf32>,
        %get3A_536 = arith.constant 0 : i32
        %get3A_537 = arith.constant 0 : i32
        %get3A_538 = tpu.memref_slice %arg6[%scan3A_215, %get3A_536, %get3A_537] : memref<4x128x128xf32, #tpu.memory_space<vmem>> -> memref<1x128x128xf32, #tpu.memory_space<vmem>>
        %get3A_539 = tpu.memref_squeeze %get3A_538 : memref<1x128x128xf32, #tpu.memory_space<vmem>> -> memref<128x128xf32, #tpu.memory_space<vmem>>
        %get3A_540 = arith.index_cast %scan3A_437 : i32 to index
        %get3A_541 = arith.constant 80 : index
        %get3A_542 = tpu.vector_load %get3A_539[%get3A_540, %get3A_541] {strides = array<i32>} : memref<128x128xf32, #tpu.memory_space<vmem>>, vector<1x16xf32>,
        %get3A_543 = vector.shape_cast %get3A_542 : vector<1x16xf32> to vector<16xf32>
        %mul3A_544 = arith.constant 11.3137083 : f32
        %mul3A_545 = vector.broadcast %mul3A_544 : f32 to vector<16xf32>
        %mul3A_546 = arith.mulf %get3A_543, %mul3A_545 : vector<16xf32>
        %swap3A_547 = arith.constant 0 : i32
        %swap3A_548 = arith.constant 0 : i32
        %swap3A_549 = tpu.memref_slice %arg6[%scan3A_215, %swap3A_547, %swap3A_548] : memref<4x128x128xf32, #tpu.memory_space<vmem>> -> memref<1x128x128xf32, #tpu.memory_space<vmem>>
        %swap3A_550 = tpu.memref_squeeze %swap3A_549 : memref<1x128x128xf32, #tpu.memory_space<vmem>> -> memref<128x128xf32, #tpu.memory_space<vmem>>
        %swap3A_551 = arith.index_cast %scan3A_437 : i32 to index
        %swap3A_552 = arith.constant 80 : index
        %swap3A_553 = tpu.vector_load %swap3A_550[%swap3A_551, %swap3A_552] {strides = array<i32>} : memref<128x128xf32, #tpu.memory_space<vmem>>, vector<1x16xf32>,
        %swap3A_554 = vector.shape_cast %swap3A_553 : vector<1x16xf32> to vector<16xf32>
        %swap3A_555 = vector.shape_cast %mul3A_546 : vector<16xf32> to vector<1x16xf32>
        tpu.vector_store %swap3A_550[%swap3A_551, %swap3A_552], %swap3A_555 {strides = array<i32>} : memref<128x128xf32, #tpu.memory_space<vmem>>, vector<1x16xf32>,
        %get3A_556 = arith.constant 0 : i32
        %get3A_557 = arith.constant 0 : i32
        %get3A_558 = tpu.memref_slice %arg6[%scan3A_215, %get3A_556, %get3A_557] : memref<4x128x128xf32, #tpu.memory_space<vmem>> -> memref<1x128x128xf32, #tpu.memory_space<vmem>>
        %get3A_559 = tpu.memref_squeeze %get3A_558 : memref<1x128x128xf32, #tpu.memory_space<vmem>> -> memref<128x128xf32, #tpu.memory_space<vmem>>
        %get3A_560 = arith.index_cast %scan3A_437 : i32 to index
        %get3A_561 = arith.constant 96 : index
        %get3A_562 = tpu.vector_load %get3A_559[%get3A_560, %get3A_561] {strides = array<i32>} : memref<128x128xf32, #tpu.memory_space<vmem>>, vector<1x16xf32>,
        %get3A_563 = vector.shape_cast %get3A_562 : vector<1x16xf32> to vector<16xf32>
        %mul3A_564 = arith.constant 11.3137083 : f32
        %mul3A_565 = vector.broadcast %mul3A_564 : f32 to vector<16xf32>
        %mul3A_566 = arith.mulf %get3A_563, %mul3A_565 : vector<16xf32>
        %swap3A_567 = arith.constant 0 : i32
        %swap3A_568 = arith.constant 0 : i32
        %swap3A_569 = tpu.memref_slice %arg6[%scan3A_215, %swap3A_567, %swap3A_568] : memref<4x128x128xf32, #tpu.memory_space<vmem>> -> memref<1x128x128xf32, #tpu.memory_space<vmem>>
        %swap3A_570 = tpu.memref_squeeze %swap3A_569 : memref<1x128x128xf32, #tpu.memory_space<vmem>> -> memref<128x128xf32, #tpu.memory_space<vmem>>
        %swap3A_571 = arith.index_cast %scan3A_437 : i32 to index
        %swap3A_572 = arith.constant 96 : index
        %swap3A_573 = tpu.vector_load %swap3A_570[%swap3A_571, %swap3A_572] {strides = array<i32>} : memref<128x128xf32, #tpu.memory_space<vmem>>, vector<1x16xf32>,
        %swap3A_574 = vector.shape_cast %swap3A_573 : vector<1x16xf32> to vector<16xf32>
        %swap3A_575 = vector.shape_cast %mul3A_566 : vector<16xf32> to vector<1x16xf32>
        tpu.vector_store %swap3A_570[%swap3A_571, %swap3A_572], %swap3A_575 {strides = array<i32>} : memref<128x128xf32, #tpu.memory_space<vmem>>, vector<1x16xf32>,
        %get3A_576 = arith.constant 0 : i32
        %get3A_577 = arith.constant 0 : i32
        %get3A_578 = tpu.memref_slice %arg6[%scan3A_215, %get3A_576, %get3A_577] : memref<4x128x128xf32, #tpu.memory_space<vmem>> -> memref<1x128x128xf32, #tpu.memory_space<vmem>>
        %get3A_579 = tpu.memref_squeeze %get3A_578 : memref<1x128x128xf32, #tpu.memory_space<vmem>> -> memref<128x128xf32, #tpu.memory_space<vmem>>
        %get3A_580 = arith.index_cast %scan3A_437 : i32 to index
        %get3A_581 = arith.constant 112 : index
        %get3A_582 = tpu.vector_load %get3A_579[%get3A_580, %get3A_581] {strides = array<i32>} : memref<128x128xf32, #tpu.memory_space<vmem>>, vector<1x16xf32>,
        %get3A_583 = vector.shape_cast %get3A_582 : vector<1x16xf32> to vector<16xf32>
        %mul3A_584 = arith.constant 11.3137083 : f32
        %mul3A_585 = vector.broadcast %mul3A_584 : f32 to vector<16xf32>
        %mul3A_586 = arith.mulf %get3A_583, %mul3A_585 : vector<16xf32>
        %swap3A_587 = arith.constant 0 : i32
        %swap3A_588 = arith.constant 0 : i32
        %swap3A_589 = tpu.memref_slice %arg6[%scan3A_215, %swap3A_587, %swap3A_588] : memref<4x128x128xf32, #tpu.memory_space<vmem>> -> memref<1x128x128xf32, #tpu.memory_space<vmem>>
        %swap3A_590 = tpu.memref_squeeze %swap3A_589 : memref<1x128x128xf32, #tpu.memory_space<vmem>> -> memref<128x128xf32, #tpu.memory_space<vmem>>
        %swap3A_591 = arith.index_cast %scan3A_437 : i32 to index
        %swap3A_592 = arith.constant 112 : index
        %swap3A_593 = tpu.vector_load %swap3A_590[%swap3A_591, %swap3A_592] {strides = array<i32>} : memref<128x128xf32, #tpu.memory_space<vmem>>, vector<1x16xf32>,
        %swap3A_594 = vector.shape_cast %swap3A_593 : vector<1x16xf32> to vector<16xf32>
        %swap3A_595 = vector.shape_cast %mul3A_586 : vector<16xf32> to vector<1x16xf32>
        tpu.vector_store %swap3A_590[%swap3A_591, %swap3A_592], %swap3A_595 {strides = array<i32>} : memref<128x128xf32, #tpu.memory_space<vmem>>, vector<1x16xf32>,
      }
      %scan3A_220 = arith.constant 64 : i32
      %add3A_221 = arith.constant 64 : i32
      %add3A_222 = arith.addi %add3A_170, %add3A_221 : i32
      %dma_start3A_223 = arith.constant 1 : i32
      %dma_start3A_224 = arith.constant 1 : i32
      %dma_start3A_225 = arith.constant 0 : i32
      %dma_start3A_226 = arith.constant 0 : i32
      %dma_start3A_227 = tpu.memref_slice %arg6[%dma_start3A_223, %dma_start3A_225, %dma_start3A_226] : memref<4x128x128xf32, #tpu.memory_space<vmem>> -> memref<1x128x128xf32, #tpu.memory_space<vmem>>
      %dma_start3A_228 = tpu.memref_squeeze %dma_start3A_227 : memref<1x128x128xf32, #tpu.memory_space<vmem>> -> memref<128x128xf32, #tpu.memory_space<vmem>>
      %dma_start3A_229 = arith.constant 64 : i32
      %dma_start3A_230 = arith.constant 0 : i32
      %dma_start3A_231 = tpu.memref_slice %dma_start3A_228[%dma_start3A_229, %dma_start3A_230] : memref<128x128xf32, #tpu.memory_space<vmem>> -> memref<64x128xf32, #tpu.memory_space<vmem>>
      %dma_start3A_232 = arith.constant 0 : i32
      %dma_start3A_233 = tpu.memref_slice %arg4[%add3A_222, %dma_start3A_232] : memref<819200x128xf32, #tpu.memory_space<hbm>> -> memref<64x128xf32, #tpu.memory_space<hbm>>
      %dma_start3A_234 = tpu.memref_slice %arg8[%dma_start3A_224] : memref<4x!tpu.dma_semaphore, #tpu.memory_space<semaphore_mem>> -> memref<1x!tpu.dma_semaphore, #tpu.memory_space<semaphore_mem>>
      %dma_start3A_235 = tpu.memref_squeeze %dma_start3A_234 : memref<1x!tpu.dma_semaphore, #tpu.memory_space<semaphore_mem>> -> memref<!tpu.dma_semaphore, #tpu.memory_space<semaphore_mem>>
      %dma_start3A_236 = arith.constant 0 : i32
      %dma_start3A_237 = tpu.memref_slice %arg4[%add3A_222, %dma_start3A_236] : memref<819200x128xf32, #tpu.memory_space<hbm>> -> memref<64x128xf32, #tpu.memory_space<hbm>>
      %dma_start3A_238 = arith.constant 0 : i32
      %dma_start3A_239 = arith.constant 0 : i32
      %dma_start3A_240 = tpu.memref_slice %arg6[%dma_start3A_223, %dma_start3A_238, %dma_start3A_239] : memref<4x128x128xf32, #tpu.memory_space<vmem>> -> memref<1x128x128xf32, #tpu.memory_space<vmem>>
      %dma_start3A_241 = tpu.memref_squeeze %dma_start3A_240 : memref<1x128x128xf32, #tpu.memory_space<vmem>> -> memref<128x128xf32, #tpu.memory_space<vmem>>
      %dma_start3A_242 = arith.constant 64 : i32
      %dma_start3A_243 = arith.constant 0 : i32
      %dma_start3A_244 = tpu.memref_slice %dma_start3A_241[%dma_start3A_242, %dma_start3A_243] : memref<128x128xf32, #tpu.memory_space<vmem>> -> memref<64x128xf32, #tpu.memory_space<vmem>>
      tpu.enqueue_dma source(%dma_start3A_244 : memref<64x128xf32, #tpu.memory_space<vmem>>) target(%dma_start3A_237 : memref<64x128xf32, #tpu.memory_space<hbm>>) target_semaphore(%dma_start3A_235 : memref<!tpu.dma_semaphore, #tpu.memory_space<semaphore_mem>>)
      %gt3A_245 = arith.constant 0 : i32
      %gt3A_246 = arith.cmpi sgt, %scan3A_64, %gt3A_245 : i32
      %convert_element_type3A_247 = arith.extui %gt3A_246 : i1 to i32
      %cond3A_248 = arith.constant 0 : i32
      %cond3A_249 = arith.cmpi ne, %convert_element_type3A_247, %cond3A_248 : i32
      scf.if %cond3A_249 {
        %dma_wait3A_437 = arith.constant 3 : i32
        %dma_wait3A_438 = arith.constant 3 : i32
        %dma_wait3A_439 = arith.constant 0 : i32
        %dma_wait3A_440 = arith.constant 0 : i32
        %dma_wait3A_441 = tpu.memref_slice %arg6[%dma_wait3A_437, %dma_wait3A_439, %dma_wait3A_440] : memref<4x128x128xf32, #tpu.memory_space<vmem>> -> memref<1x128x128xf32, #tpu.memory_space<vmem>>
        %dma_wait3A_442 = tpu.memref_squeeze %dma_wait3A_441 : memref<1x128x128xf32, #tpu.memory_space<vmem>> -> memref<128x128xf32, #tpu.memory_space<vmem>>
        %dma_wait3A_443 = arith.constant 0 : i32
        %dma_wait3A_444 = tpu.memref_slice %arg4[%mul3A_2, %dma_wait3A_443] : memref<819200x128xf32, #tpu.memory_space<hbm>> -> memref<128x128xf32, #tpu.memory_space<hbm>>
        %dma_wait3A_445 = tpu.memref_slice %arg8[%dma_wait3A_438] : memref<4x!tpu.dma_semaphore, #tpu.memory_space<semaphore_mem>> -> memref<1x!tpu.dma_semaphore, #tpu.memory_space<semaphore_mem>>
        %dma_wait3A_446 = tpu.memref_squeeze %dma_wait3A_445 : memref<1x!tpu.dma_semaphore, #tpu.memory_space<semaphore_mem>> -> memref<!tpu.dma_semaphore, #tpu.memory_space<semaphore_mem>>
        %dma_wait3A_447 = arith.constant 0 : i32
        %dma_wait3A_448 = tpu.memref_slice %arg4[%mul3A_2, %dma_wait3A_447] : memref<819200x128xf32, #tpu.memory_space<hbm>> -> memref<128x128xf32, #tpu.memory_space<hbm>>
        %dma_wait3A_449 = arith.constant 0 : i32
        %dma_wait3A_450 = arith.constant 0 : i32
        %dma_wait3A_451 = tpu.memref_slice %arg6[%dma_wait3A_437, %dma_wait3A_449, %dma_wait3A_450] : memref<4x128x128xf32, #tpu.memory_space<vmem>> -> memref<1x128x128xf32, #tpu.memory_space<vmem>>
        %dma_wait3A_452 = tpu.memref_squeeze %dma_wait3A_451 : memref<1x128x128xf32, #tpu.memory_space<vmem>> -> memref<128x128xf32, #tpu.memory_space<vmem>>
        tpu.wait_dma2 semaphore(%dma_wait3A_446 : memref<!tpu.dma_semaphore, #tpu.memory_space<semaphore_mem>>) src(%dma_wait3A_452 : memref<128x128xf32, #tpu.memory_space<vmem>>) dst(%dma_wait3A_448 : memref<128x128xf32, #tpu.memory_space<hbm>>)
      } else {
      }
      %add3A_250 = arith.constant 2 : i32
      %add3A_251 = arith.addi %add3A_167, %add3A_250 : i32
      %mul3A_252 = arith.constant 128 : i32
      %mul3A_253 = arith.muli %add3A_251, %mul3A_252 : i32
      %dma_start3A_254 = arith.constant 3 : i32
      %dma_start3A_255 = arith.constant 3 : i32
      %dma_start3A_256 = arith.constant 0 : i32
      %dma_start3A_257 = arith.constant 0 : i32
      %dma_start3A_258 = tpu.memref_slice %arg6[%dma_start3A_254, %dma_start3A_256, %dma_start3A_257] : memref<4x128x128xf32, #tpu.memory_space<vmem>> -> memref<1x128x128xf32, #tpu.memory_space<vmem>>
      %dma_start3A_259 = tpu.memref_squeeze %dma_start3A_258 : memref<1x128x128xf32, #tpu.memory_space<vmem>> -> memref<128x128xf32, #tpu.memory_space<vmem>>
      %dma_start3A_260 = tpu.memref_slice %arg5[%mul3A_253] : memref<25600xi32, #tpu.memory_space<vmem>> -> memref<128xi32, #tpu.memory_space<vmem>>
      %dma_start3A_261 = arith.constant 0 : i32
      %dma_start3A_262 = arith.constant 0 : i32
      %dma_start3A_263 = tpu.memref_slice %arg3[%dma_start3A_261, %dma_start3A_262] : memref<100000x128xf32, #tpu.memory_space<hbm>> -> memref<100000x128xf32, #tpu.memory_space<hbm>>
      %dma_start3A_264 = tpu.memref_slice %arg7[%dma_start3A_255] : memref<4x!tpu.dma_semaphore, #tpu.memory_space<semaphore_mem>> -> memref<1x!tpu.dma_semaphore, #tpu.memory_space<semaphore_mem>>
      %dma_start3A_265 = tpu.memref_squeeze %dma_start3A_264 : memref<1x!tpu.dma_semaphore, #tpu.memory_space<semaphore_mem>> -> memref<!tpu.dma_semaphore, #tpu.memory_space<semaphore_mem>>
      tpu.enqueue_indirect_dma source(%dma_start3A_263 : memref<100000x128xf32, #tpu.memory_space<hbm>>) target(%dma_start3A_259 : memref<128x128xf32, #tpu.memory_space<vmem>>) offsets(%dma_start3A_260 : memref<128xi32, #tpu.memory_space<vmem>>) semaphore(%dma_start3A_265 : memref<!tpu.dma_semaphore, #tpu.memory_space<semaphore_mem>>)
      %mul3A_266 = arith.constant 4 : i32
      %mul3A_267 = arith.muli %scan3A_64, %mul3A_266 : i32
      %add3A_268 = arith.constant 2 : i32
      %add3A_269 = arith.addi %mul3A_267, %add3A_268 : i32
      %mul3A_270 = arith.constant 128 : i32
      %mul3A_271 = arith.muli %add3A_269, %mul3A_270 : i32
      %add3A_272 = arith.addi %mul3A_2, %mul3A_271 : i32
      %mul3A_273 = arith.constant 128 : i32
      %mul3A_274 = arith.muli %add3A_269, %mul3A_273 : i32
      %dma_wait3A_275 = arith.constant 2 : i32
      %dma_wait3A_276 = arith.constant 2 : i32
      %dma_wait3A_277 = arith.constant 0 : i32
      %dma_wait3A_278 = arith.constant 0 : i32
      %dma_wait3A_279 = tpu.memref_slice %arg6[%dma_wait3A_275, %dma_wait3A_277, %dma_wait3A_278] : memref<4x128x128xf32, #tpu.memory_space<vmem>> -> memref<1x128x128xf32, #tpu.memory_space<vmem>>
      %dma_wait3A_280 = tpu.memref_squeeze %dma_wait3A_279 : memref<1x128x128xf32, #tpu.memory_space<vmem>> -> memref<128x128xf32, #tpu.memory_space<vmem>>
      %dma_wait3A_281 = tpu.memref_slice %arg5[%mul3A_274] : memref<25600xi32, #tpu.memory_space<vmem>> -> memref<128xi32, #tpu.memory_space<vmem>>
      %dma_wait3A_282 = arith.constant 0 : i32
      %dma_wait3A_283 = arith.constant 0 : i32
      %dma_wait3A_284 = tpu.memref_slice %arg3[%dma_wait3A_282, %dma_wait3A_283] : memref<100000x128xf32, #tpu.memory_space<hbm>> -> memref<100000x128xf32, #tpu.memory_space<hbm>>
      %dma_wait3A_285 = tpu.memref_slice %arg7[%dma_wait3A_276] : memref<4x!tpu.dma_semaphore, #tpu.memory_space<semaphore_mem>> -> memref<1x!tpu.dma_semaphore, #tpu.memory_space<semaphore_mem>>
      %dma_wait3A_286 = tpu.memref_squeeze %dma_wait3A_285 : memref<1x!tpu.dma_semaphore, #tpu.memory_space<semaphore_mem>> -> memref<!tpu.dma_semaphore, #tpu.memory_space<semaphore_mem>>
      tpu.wait_indirect_dma semaphore(%dma_wait3A_286 : memref<!tpu.dma_semaphore, #tpu.memory_space<semaphore_mem>>) src(%dma_wait3A_284 : memref<100000x128xf32, #tpu.memory_space<hbm>>) dst(%dma_wait3A_280 : memref<128x128xf32, #tpu.memory_space<vmem>>)
      %scan3A_287 = arith.constant 0 : i32
      %scan3A_288 = arith.constant 2 : i32
      %scan3A_289 = arith.constant 0 : i32
      %scan3A_290 = arith.constant 64 : i32
      %scan3A_291 = arith.addi %scan3A_289, %scan3A_290 : i32
      %scan3A_292 = arith.constant 1 : i32
      scf.for %scan3A_437 = %scan3A_289 to %scan3A_291 step %scan3A_292  : i32 {
        %get3A = arith.constant 0 : i32
        %get3A_438 = arith.constant 0 : i32
        %get3A_439 = tpu.memref_slice %arg6[%scan3A_288, %get3A, %get3A_438] : memref<4x128x128xf32, #tpu.memory_space<vmem>> -> memref<1x128x128xf32, #tpu.memory_space<vmem>>
        %get3A_440 = tpu.memref_squeeze %get3A_439 : memref<1x128x128xf32, #tpu.memory_space<vmem>> -> memref<128x128xf32, #tpu.memory_space<vmem>>
        %get3A_441 = arith.index_cast %scan3A_437 : i32 to index
        %get3A_442 = arith.constant 0 : index
        %get3A_443 = tpu.vector_load %get3A_440[%get3A_441, %get3A_442] {strides = array<i32>} : memref<128x128xf32, #tpu.memory_space<vmem>>, vector<1x16xf32>,
        %get3A_444 = vector.shape_cast %get3A_443 : vector<1x16xf32> to vector<16xf32>
        %mul3A_445 = arith.constant 11.3137083 : f32
        %mul3A_446 = vector.broadcast %mul3A_445 : f32 to vector<16xf32>
        %mul3A_447 = arith.mulf %get3A_444, %mul3A_446 : vector<16xf32>
        %swap3A = arith.constant 0 : i32
        %swap3A_448 = arith.constant 0 : i32
        %swap3A_449 = tpu.memref_slice %arg6[%scan3A_288, %swap3A, %swap3A_448] : memref<4x128x128xf32, #tpu.memory_space<vmem>> -> memref<1x128x128xf32, #tpu.memory_space<vmem>>
        %swap3A_450 = tpu.memref_squeeze %swap3A_449 : memref<1x128x128xf32, #tpu.memory_space<vmem>> -> memref<128x128xf32, #tpu.memory_space<vmem>>
        %swap3A_451 = arith.index_cast %scan3A_437 : i32 to index
        %swap3A_452 = arith.constant 0 : index
        %swap3A_453 = tpu.vector_load %swap3A_450[%swap3A_451, %swap3A_452] {strides = array<i32>} : memref<128x128xf32, #tpu.memory_space<vmem>>, vector<1x16xf32>,
        %swap3A_454 = vector.shape_cast %swap3A_453 : vector<1x16xf32> to vector<16xf32>
        %swap3A_455 = vector.shape_cast %mul3A_447 : vector<16xf32> to vector<1x16xf32>
        tpu.vector_store %swap3A_450[%swap3A_451, %swap3A_452], %swap3A_455 {strides = array<i32>} : memref<128x128xf32, #tpu.memory_space<vmem>>, vector<1x16xf32>,
        %get3A_456 = arith.constant 0 : i32
        %get3A_457 = arith.constant 0 : i32
        %get3A_458 = tpu.memref_slice %arg6[%scan3A_288, %get3A_456, %get3A_457] : memref<4x128x128xf32, #tpu.memory_space<vmem>> -> memref<1x128x128xf32, #tpu.memory_space<vmem>>
        %get3A_459 = tpu.memref_squeeze %get3A_458 : memref<1x128x128xf32, #tpu.memory_space<vmem>> -> memref<128x128xf32, #tpu.memory_space<vmem>>
        %get3A_460 = arith.index_cast %scan3A_437 : i32 to index
        %get3A_461 = arith.constant 16 : index
        %get3A_462 = tpu.vector_load %get3A_459[%get3A_460, %get3A_461] {strides = array<i32>} : memref<128x128xf32, #tpu.memory_space<vmem>>, vector<1x16xf32>,
        %get3A_463 = vector.shape_cast %get3A_462 : vector<1x16xf32> to vector<16xf32>
        %mul3A_464 = arith.constant 11.3137083 : f32
        %mul3A_465 = vector.broadcast %mul3A_464 : f32 to vector<16xf32>
        %mul3A_466 = arith.mulf %get3A_463, %mul3A_465 : vector<16xf32>
        %swap3A_467 = arith.constant 0 : i32
        %swap3A_468 = arith.constant 0 : i32
        %swap3A_469 = tpu.memref_slice %arg6[%scan3A_288, %swap3A_467, %swap3A_468] : memref<4x128x128xf32, #tpu.memory_space<vmem>> -> memref<1x128x128xf32, #tpu.memory_space<vmem>>
        %swap3A_470 = tpu.memref_squeeze %swap3A_469 : memref<1x128x128xf32, #tpu.memory_space<vmem>> -> memref<128x128xf32, #tpu.memory_space<vmem>>
        %swap3A_471 = arith.index_cast %scan3A_437 : i32 to index
        %swap3A_472 = arith.constant 16 : index
        %swap3A_473 = tpu.vector_load %swap3A_470[%swap3A_471, %swap3A_472] {strides = array<i32>} : memref<128x128xf32, #tpu.memory_space<vmem>>, vector<1x16xf32>,
        %swap3A_474 = vector.shape_cast %swap3A_473 : vector<1x16xf32> to vector<16xf32>
        %swap3A_475 = vector.shape_cast %mul3A_466 : vector<16xf32> to vector<1x16xf32>
        tpu.vector_store %swap3A_470[%swap3A_471, %swap3A_472], %swap3A_475 {strides = array<i32>} : memref<128x128xf32, #tpu.memory_space<vmem>>, vector<1x16xf32>,
        %get3A_476 = arith.constant 0 : i32
        %get3A_477 = arith.constant 0 : i32
        %get3A_478 = tpu.memref_slice %arg6[%scan3A_288, %get3A_476, %get3A_477] : memref<4x128x128xf32, #tpu.memory_space<vmem>> -> memref<1x128x128xf32, #tpu.memory_space<vmem>>
        %get3A_479 = tpu.memref_squeeze %get3A_478 : memref<1x128x128xf32, #tpu.memory_space<vmem>> -> memref<128x128xf32, #tpu.memory_space<vmem>>
        %get3A_480 = arith.index_cast %scan3A_437 : i32 to index
        %get3A_481 = arith.constant 32 : index
        %get3A_482 = tpu.vector_load %get3A_479[%get3A_480, %get3A_481] {strides = array<i32>} : memref<128x128xf32, #tpu.memory_space<vmem>>, vector<1x16xf32>,
        %get3A_483 = vector.shape_cast %get3A_482 : vector<1x16xf32> to vector<16xf32>
        %mul3A_484 = arith.constant 11.3137083 : f32
        %mul3A_485 = vector.broadcast %mul3A_484 : f32 to vector<16xf32>
        %mul3A_486 = arith.mulf %get3A_483, %mul3A_485 : vector<16xf32>
        %swap3A_487 = arith.constant 0 : i32
        %swap3A_488 = arith.constant 0 : i32
        %swap3A_489 = tpu.memref_slice %arg6[%scan3A_288, %swap3A_487, %swap3A_488] : memref<4x128x128xf32, #tpu.memory_space<vmem>> -> memref<1x128x128xf32, #tpu.memory_space<vmem>>
        %swap3A_490 = tpu.memref_squeeze %swap3A_489 : memref<1x128x128xf32, #tpu.memory_space<vmem>> -> memref<128x128xf32, #tpu.memory_space<vmem>>
        %swap3A_491 = arith.index_cast %scan3A_437 : i32 to index
        %swap3A_492 = arith.constant 32 : index
        %swap3A_493 = tpu.vector_load %swap3A_490[%swap3A_491, %swap3A_492] {strides = array<i32>} : memref<128x128xf32, #tpu.memory_space<vmem>>, vector<1x16xf32>,
        %swap3A_494 = vector.shape_cast %swap3A_493 : vector<1x16xf32> to vector<16xf32>
        %swap3A_495 = vector.shape_cast %mul3A_486 : vector<16xf32> to vector<1x16xf32>
        tpu.vector_store %swap3A_490[%swap3A_491, %swap3A_492], %swap3A_495 {strides = array<i32>} : memref<128x128xf32, #tpu.memory_space<vmem>>, vector<1x16xf32>,
        %get3A_496 = arith.constant 0 : i32
        %get3A_497 = arith.constant 0 : i32
        %get3A_498 = tpu.memref_slice %arg6[%scan3A_288, %get3A_496, %get3A_497] : memref<4x128x128xf32, #tpu.memory_space<vmem>> -> memref<1x128x128xf32, #tpu.memory_space<vmem>>
        %get3A_499 = tpu.memref_squeeze %get3A_498 : memref<1x128x128xf32, #tpu.memory_space<vmem>> -> memref<128x128xf32, #tpu.memory_space<vmem>>
        %get3A_500 = arith.index_cast %scan3A_437 : i32 to index
        %get3A_501 = arith.constant 48 : index
        %get3A_502 = tpu.vector_load %get3A_499[%get3A_500, %get3A_501] {strides = array<i32>} : memref<128x128xf32, #tpu.memory_space<vmem>>, vector<1x16xf32>,
        %get3A_503 = vector.shape_cast %get3A_502 : vector<1x16xf32> to vector<16xf32>
        %mul3A_504 = arith.constant 11.3137083 : f32
        %mul3A_505 = vector.broadcast %mul3A_504 : f32 to vector<16xf32>
        %mul3A_506 = arith.mulf %get3A_503, %mul3A_505 : vector<16xf32>
        %swap3A_507 = arith.constant 0 : i32
        %swap3A_508 = arith.constant 0 : i32
        %swap3A_509 = tpu.memref_slice %arg6[%scan3A_288, %swap3A_507, %swap3A_508] : memref<4x128x128xf32, #tpu.memory_space<vmem>> -> memref<1x128x128xf32, #tpu.memory_space<vmem>>
        %swap3A_510 = tpu.memref_squeeze %swap3A_509 : memref<1x128x128xf32, #tpu.memory_space<vmem>> -> memref<128x128xf32, #tpu.memory_space<vmem>>
        %swap3A_511 = arith.index_cast %scan3A_437 : i32 to index
        %swap3A_512 = arith.constant 48 : index
        %swap3A_513 = tpu.vector_load %swap3A_510[%swap3A_511, %swap3A_512] {strides = array<i32>} : memref<128x128xf32, #tpu.memory_space<vmem>>, vector<1x16xf32>,
        %swap3A_514 = vector.shape_cast %swap3A_513 : vector<1x16xf32> to vector<16xf32>
        %swap3A_515 = vector.shape_cast %mul3A_506 : vector<16xf32> to vector<1x16xf32>
        tpu.vector_store %swap3A_510[%swap3A_511, %swap3A_512], %swap3A_515 {strides = array<i32>} : memref<128x128xf32, #tpu.memory_space<vmem>>, vector<1x16xf32>,
        %get3A_516 = arith.constant 0 : i32
        %get3A_517 = arith.constant 0 : i32
        %get3A_518 = tpu.memref_slice %arg6[%scan3A_288, %get3A_516, %get3A_517] : memref<4x128x128xf32, #tpu.memory_space<vmem>> -> memref<1x128x128xf32, #tpu.memory_space<vmem>>
        %get3A_519 = tpu.memref_squeeze %get3A_518 : memref<1x128x128xf32, #tpu.memory_space<vmem>> -> memref<128x128xf32, #tpu.memory_space<vmem>>
        %get3A_520 = arith.index_cast %scan3A_437 : i32 to index
        %get3A_521 = arith.constant 64 : index
        %get3A_522 = tpu.vector_load %get3A_519[%get3A_520, %get3A_521] {strides = array<i32>} : memref<128x128xf32, #tpu.memory_space<vmem>>, vector<1x16xf32>,
        %get3A_523 = vector.shape_cast %get3A_522 : vector<1x16xf32> to vector<16xf32>
        %mul3A_524 = arith.constant 11.3137083 : f32
        %mul3A_525 = vector.broadcast %mul3A_524 : f32 to vector<16xf32>
        %mul3A_526 = arith.mulf %get3A_523, %mul3A_525 : vector<16xf32>
        %swap3A_527 = arith.constant 0 : i32
        %swap3A_528 = arith.constant 0 : i32
        %swap3A_529 = tpu.memref_slice %arg6[%scan3A_288, %swap3A_527, %swap3A_528] : memref<4x128x128xf32, #tpu.memory_space<vmem>> -> memref<1x128x128xf32, #tpu.memory_space<vmem>>
        %swap3A_530 = tpu.memref_squeeze %swap3A_529 : memref<1x128x128xf32, #tpu.memory_space<vmem>> -> memref<128x128xf32, #tpu.memory_space<vmem>>
        %swap3A_531 = arith.index_cast %scan3A_437 : i32 to index
        %swap3A_532 = arith.constant 64 : index
        %swap3A_533 = tpu.vector_load %swap3A_530[%swap3A_531, %swap3A_532] {strides = array<i32>} : memref<128x128xf32, #tpu.memory_space<vmem>>, vector<1x16xf32>,
        %swap3A_534 = vector.shape_cast %swap3A_533 : vector<1x16xf32> to vector<16xf32>
        %swap3A_535 = vector.shape_cast %mul3A_526 : vector<16xf32> to vector<1x16xf32>
        tpu.vector_store %swap3A_530[%swap3A_531, %swap3A_532], %swap3A_535 {strides = array<i32>} : memref<128x128xf32, #tpu.memory_space<vmem>>, vector<1x16xf32>,
        %get3A_536 = arith.constant 0 : i32
        %get3A_537 = arith.constant 0 : i32
        %get3A_538 = tpu.memref_slice %arg6[%scan3A_288, %get3A_536, %get3A_537] : memref<4x128x128xf32, #tpu.memory_space<vmem>> -> memref<1x128x128xf32, #tpu.memory_space<vmem>>
        %get3A_539 = tpu.memref_squeeze %get3A_538 : memref<1x128x128xf32, #tpu.memory_space<vmem>> -> memref<128x128xf32, #tpu.memory_space<vmem>>
        %get3A_540 = arith.index_cast %scan3A_437 : i32 to index
        %get3A_541 = arith.constant 80 : index
        %get3A_542 = tpu.vector_load %get3A_539[%get3A_540, %get3A_541] {strides = array<i32>} : memref<128x128xf32, #tpu.memory_space<vmem>>, vector<1x16xf32>,
        %get3A_543 = vector.shape_cast %get3A_542 : vector<1x16xf32> to vector<16xf32>
        %mul3A_544 = arith.constant 11.3137083 : f32
        %mul3A_545 = vector.broadcast %mul3A_544 : f32 to vector<16xf32>
        %mul3A_546 = arith.mulf %get3A_543, %mul3A_545 : vector<16xf32>
        %swap3A_547 = arith.constant 0 : i32
        %swap3A_548 = arith.constant 0 : i32
        %swap3A_549 = tpu.memref_slice %arg6[%scan3A_288, %swap3A_547, %swap3A_548] : memref<4x128x128xf32, #tpu.memory_space<vmem>> -> memref<1x128x128xf32, #tpu.memory_space<vmem>>
        %swap3A_550 = tpu.memref_squeeze %swap3A_549 : memref<1x128x128xf32, #tpu.memory_space<vmem>> -> memref<128x128xf32, #tpu.memory_space<vmem>>
        %swap3A_551 = arith.index_cast %scan3A_437 : i32 to index
        %swap3A_552 = arith.constant 80 : index
        %swap3A_553 = tpu.vector_load %swap3A_550[%swap3A_551, %swap3A_552] {strides = array<i32>} : memref<128x128xf32, #tpu.memory_space<vmem>>, vector<1x16xf32>,
        %swap3A_554 = vector.shape_cast %swap3A_553 : vector<1x16xf32> to vector<16xf32>
        %swap3A_555 = vector.shape_cast %mul3A_546 : vector<16xf32> to vector<1x16xf32>
        tpu.vector_store %swap3A_550[%swap3A_551, %swap3A_552], %swap3A_555 {strides = array<i32>} : memref<128x128xf32, #tpu.memory_space<vmem>>, vector<1x16xf32>,
        %get3A_556 = arith.constant 0 : i32
        %get3A_557 = arith.constant 0 : i32
        %get3A_558 = tpu.memref_slice %arg6[%scan3A_288, %get3A_556, %get3A_557] : memref<4x128x128xf32, #tpu.memory_space<vmem>> -> memref<1x128x128xf32, #tpu.memory_space<vmem>>
        %get3A_559 = tpu.memref_squeeze %get3A_558 : memref<1x128x128xf32, #tpu.memory_space<vmem>> -> memref<128x128xf32, #tpu.memory_space<vmem>>
        %get3A_560 = arith.index_cast %scan3A_437 : i32 to index
        %get3A_561 = arith.constant 96 : index
        %get3A_562 = tpu.vector_load %get3A_559[%get3A_560, %get3A_561] {strides = array<i32>} : memref<128x128xf32, #tpu.memory_space<vmem>>, vector<1x16xf32>,
        %get3A_563 = vector.shape_cast %get3A_562 : vector<1x16xf32> to vector<16xf32>
        %mul3A_564 = arith.constant 11.3137083 : f32
        %mul3A_565 = vector.broadcast %mul3A_564 : f32 to vector<16xf32>
        %mul3A_566 = arith.mulf %get3A_563, %mul3A_565 : vector<16xf32>
        %swap3A_567 = arith.constant 0 : i32
        %swap3A_568 = arith.constant 0 : i32
        %swap3A_569 = tpu.memref_slice %arg6[%scan3A_288, %swap3A_567, %swap3A_568] : memref<4x128x128xf32, #tpu.memory_space<vmem>> -> memref<1x128x128xf32, #tpu.memory_space<vmem>>
        %swap3A_570 = tpu.memref_squeeze %swap3A_569 : memref<1x128x128xf32, #tpu.memory_space<vmem>> -> memref<128x128xf32, #tpu.memory_space<vmem>>
        %swap3A_571 = arith.index_cast %scan3A_437 : i32 to index
        %swap3A_572 = arith.constant 96 : index
        %swap3A_573 = tpu.vector_load %swap3A_570[%swap3A_571, %swap3A_572] {strides = array<i32>} : memref<128x128xf32, #tpu.memory_space<vmem>>, vector<1x16xf32>,
        %swap3A_574 = vector.shape_cast %swap3A_573 : vector<1x16xf32> to vector<16xf32>
        %swap3A_575 = vector.shape_cast %mul3A_566 : vector<16xf32> to vector<1x16xf32>
        tpu.vector_store %swap3A_570[%swap3A_571, %swap3A_572], %swap3A_575 {strides = array<i32>} : memref<128x128xf32, #tpu.memory_space<vmem>>, vector<1x16xf32>,
        %get3A_576 = arith.constant 0 : i32
        %get3A_577 = arith.constant 0 : i32
        %get3A_578 = tpu.memref_slice %arg6[%scan3A_288, %get3A_576, %get3A_577] : memref<4x128x128xf32, #tpu.memory_space<vmem>> -> memref<1x128x128xf32, #tpu.memory_space<vmem>>
        %get3A_579 = tpu.memref_squeeze %get3A_578 : memref<1x128x128xf32, #tpu.memory_space<vmem>> -> memref<128x128xf32, #tpu.memory_space<vmem>>
        %get3A_580 = arith.index_cast %scan3A_437 : i32 to index
        %get3A_581 = arith.constant 112 : index
        %get3A_582 = tpu.vector_load %get3A_579[%get3A_580, %get3A_581] {strides = array<i32>} : memref<128x128xf32, #tpu.memory_space<vmem>>, vector<1x16xf32>,
        %get3A_583 = vector.shape_cast %get3A_582 : vector<1x16xf32> to vector<16xf32>
        %mul3A_584 = arith.constant 11.3137083 : f32
        %mul3A_585 = vector.broadcast %mul3A_584 : f32 to vector<16xf32>
        %mul3A_586 = arith.mulf %get3A_583, %mul3A_585 : vector<16xf32>
        %swap3A_587 = arith.constant 0 : i32
        %swap3A_588 = arith.constant 0 : i32
        %swap3A_589 = tpu.memref_slice %arg6[%scan3A_288, %swap3A_587, %swap3A_588] : memref<4x128x128xf32, #tpu.memory_space<vmem>> -> memref<1x128x128xf32, #tpu.memory_space<vmem>>
        %swap3A_590 = tpu.memref_squeeze %swap3A_589 : memref<1x128x128xf32, #tpu.memory_space<vmem>> -> memref<128x128xf32, #tpu.memory_space<vmem>>
        %swap3A_591 = arith.index_cast %scan3A_437 : i32 to index
        %swap3A_592 = arith.constant 112 : index
        %swap3A_593 = tpu.vector_load %swap3A_590[%swap3A_591, %swap3A_592] {strides = array<i32>} : memref<128x128xf32, #tpu.memory_space<vmem>>, vector<1x16xf32>,
        %swap3A_594 = vector.shape_cast %swap3A_593 : vector<1x16xf32> to vector<16xf32>
        %swap3A_595 = vector.shape_cast %mul3A_586 : vector<16xf32> to vector<1x16xf32>
        tpu.vector_store %swap3A_590[%swap3A_591, %swap3A_592], %swap3A_595 {strides = array<i32>} : memref<128x128xf32, #tpu.memory_space<vmem>>, vector<1x16xf32>,
      }
      %scan3A_293 = arith.constant 64 : i32
      %dma_start3A_294 = arith.constant 2 : i32
      %dma_start3A_295 = arith.constant 2 : i32
      %dma_start3A_296 = arith.constant 0 : i32
      %dma_start3A_297 = arith.constant 0 : i32
      %dma_start3A_298 = tpu.memref_slice %arg6[%dma_start3A_294, %dma_start3A_296, %dma_start3A_297] : memref<4x128x128xf32, #tpu.memory_space<vmem>> -> memref<1x128x128xf32, #tpu.memory_space<vmem>>
      %dma_start3A_299 = tpu.memref_squeeze %dma_start3A_298 : memref<1x128x128xf32, #tpu.memory_space<vmem>> -> memref<128x128xf32, #tpu.memory_space<vmem>>
      %dma_start3A_300 = arith.constant 0 : i32
      %dma_start3A_301 = arith.constant 0 : i32
      %dma_start3A_302 = tpu.memref_slice %dma_start3A_299[%dma_start3A_300, %dma_start3A_301] : memref<128x128xf32, #tpu.memory_space<vmem>> -> memref<64x128xf32, #tpu.memory_space<vmem>>
      %dma_start3A_303 = arith.constant 0 : i32
      %dma_start3A_304 = tpu.memref_slice %arg4[%add3A_272, %dma_start3A_303] : memref<819200x128xf32, #tpu.memory_space<hbm>> -> memref<64x128xf32, #tpu.memory_space<hbm>>
      %dma_start3A_305 = tpu.memref_slice %arg8[%dma_start3A_295] : memref<4x!tpu.dma_semaphore, #tpu.memory_space<semaphore_mem>> -> memref<1x!tpu.dma_semaphore, #tpu.memory_space<semaphore_mem>>
      %dma_start3A_306 = tpu.memref_squeeze %dma_start3A_305 : memref<1x!tpu.dma_semaphore, #tpu.memory_space<semaphore_mem>> -> memref<!tpu.dma_semaphore, #tpu.memory_space<semaphore_mem>>
      %dma_start3A_307 = arith.constant 0 : i32
      %dma_start3A_308 = tpu.memref_slice %arg4[%add3A_272, %dma_start3A_307] : memref<819200x128xf32, #tpu.memory_space<hbm>> -> memref<64x128xf32, #tpu.memory_space<hbm>>
      %dma_start3A_309 = arith.constant 0 : i32
      %dma_start3A_310 = arith.constant 0 : i32
      %dma_start3A_311 = tpu.memref_slice %arg6[%dma_start3A_294, %dma_start3A_309, %dma_start3A_310] : memref<4x128x128xf32, #tpu.memory_space<vmem>> -> memref<1x128x128xf32, #tpu.memory_space<vmem>>
      %dma_start3A_312 = tpu.memref_squeeze %dma_start3A_311 : memref<1x128x128xf32, #tpu.memory_space<vmem>> -> memref<128x128xf32, #tpu.memory_space<vmem>>
      %dma_start3A_313 = arith.constant 0 : i32
      %dma_start3A_314 = arith.constant 0 : i32
      %dma_start3A_315 = tpu.memref_slice %dma_start3A_312[%dma_start3A_313, %dma_start3A_314] : memref<128x128xf32, #tpu.memory_space<vmem>> -> memref<64x128xf32, #tpu.memory_space<vmem>>
      tpu.enqueue_dma source(%dma_start3A_315 : memref<64x128xf32, #tpu.memory_space<vmem>>) target(%dma_start3A_308 : memref<64x128xf32, #tpu.memory_space<hbm>>) target_semaphore(%dma_start3A_306 : memref<!tpu.dma_semaphore, #tpu.memory_space<semaphore_mem>>)
      %scan3A_316 = arith.constant 0 : i32
      %scan3A_317 = arith.constant 2 : i32
      %scan3A_318 = arith.constant 64 : i32
      %scan3A_319 = arith.constant 64 : i32
      %scan3A_320 = arith.addi %scan3A_318, %scan3A_319 : i32
      %scan3A_321 = arith.constant 1 : i32
      scf.for %scan3A_437 = %scan3A_318 to %scan3A_320 step %scan3A_321  : i32 {
        %get3A = arith.constant 0 : i32
        %get3A_438 = arith.constant 0 : i32
        %get3A_439 = tpu.memref_slice %arg6[%scan3A_317, %get3A, %get3A_438] : memref<4x128x128xf32, #tpu.memory_space<vmem>> -> memref<1x128x128xf32, #tpu.memory_space<vmem>>
        %get3A_440 = tpu.memref_squeeze %get3A_439 : memref<1x128x128xf32, #tpu.memory_space<vmem>> -> memref<128x128xf32, #tpu.memory_space<vmem>>
        %get3A_441 = arith.index_cast %scan3A_437 : i32 to index
        %get3A_442 = arith.constant 0 : index
        %get3A_443 = tpu.vector_load %get3A_440[%get3A_441, %get3A_442] {strides = array<i32>} : memref<128x128xf32, #tpu.memory_space<vmem>>, vector<1x16xf32>,
        %get3A_444 = vector.shape_cast %get3A_443 : vector<1x16xf32> to vector<16xf32>
        %mul3A_445 = arith.constant 11.3137083 : f32
        %mul3A_446 = vector.broadcast %mul3A_445 : f32 to vector<16xf32>
        %mul3A_447 = arith.mulf %get3A_444, %mul3A_446 : vector<16xf32>
        %swap3A = arith.constant 0 : i32
        %swap3A_448 = arith.constant 0 : i32
        %swap3A_449 = tpu.memref_slice %arg6[%scan3A_317, %swap3A, %swap3A_448] : memref<4x128x128xf32, #tpu.memory_space<vmem>> -> memref<1x128x128xf32, #tpu.memory_space<vmem>>
        %swap3A_450 = tpu.memref_squeeze %swap3A_449 : memref<1x128x128xf32, #tpu.memory_space<vmem>> -> memref<128x128xf32, #tpu.memory_space<vmem>>
        %swap3A_451 = arith.index_cast %scan3A_437 : i32 to index
        %swap3A_452 = arith.constant 0 : index
        %swap3A_453 = tpu.vector_load %swap3A_450[%swap3A_451, %swap3A_452] {strides = array<i32>} : memref<128x128xf32, #tpu.memory_space<vmem>>, vector<1x16xf32>,
        %swap3A_454 = vector.shape_cast %swap3A_453 : vector<1x16xf32> to vector<16xf32>
        %swap3A_455 = vector.shape_cast %mul3A_447 : vector<16xf32> to vector<1x16xf32>
        tpu.vector_store %swap3A_450[%swap3A_451, %swap3A_452], %swap3A_455 {strides = array<i32>} : memref<128x128xf32, #tpu.memory_space<vmem>>, vector<1x16xf32>,
        %get3A_456 = arith.constant 0 : i32
        %get3A_457 = arith.constant 0 : i32
        %get3A_458 = tpu.memref_slice %arg6[%scan3A_317, %get3A_456, %get3A_457] : memref<4x128x128xf32, #tpu.memory_space<vmem>> -> memref<1x128x128xf32, #tpu.memory_space<vmem>>
        %get3A_459 = tpu.memref_squeeze %get3A_458 : memref<1x128x128xf32, #tpu.memory_space<vmem>> -> memref<128x128xf32, #tpu.memory_space<vmem>>
        %get3A_460 = arith.index_cast %scan3A_437 : i32 to index
        %get3A_461 = arith.constant 16 : index
        %get3A_462 = tpu.vector_load %get3A_459[%get3A_460, %get3A_461] {strides = array<i32>} : memref<128x128xf32, #tpu.memory_space<vmem>>, vector<1x16xf32>,
        %get3A_463 = vector.shape_cast %get3A_462 : vector<1x16xf32> to vector<16xf32>
        %mul3A_464 = arith.constant 11.3137083 : f32
        %mul3A_465 = vector.broadcast %mul3A_464 : f32 to vector<16xf32>
        %mul3A_466 = arith.mulf %get3A_463, %mul3A_465 : vector<16xf32>
        %swap3A_467 = arith.constant 0 : i32
        %swap3A_468 = arith.constant 0 : i32
        %swap3A_469 = tpu.memref_slice %arg6[%scan3A_317, %swap3A_467, %swap3A_468] : memref<4x128x128xf32, #tpu.memory_space<vmem>> -> memref<1x128x128xf32, #tpu.memory_space<vmem>>
        %swap3A_470 = tpu.memref_squeeze %swap3A_469 : memref<1x128x128xf32, #tpu.memory_space<vmem>> -> memref<128x128xf32, #tpu.memory_space<vmem>>
        %swap3A_471 = arith.index_cast %scan3A_437 : i32 to index
        %swap3A_472 = arith.constant 16 : index
        %swap3A_473 = tpu.vector_load %swap3A_470[%swap3A_471, %swap3A_472] {strides = array<i32>} : memref<128x128xf32, #tpu.memory_space<vmem>>, vector<1x16xf32>,
        %swap3A_474 = vector.shape_cast %swap3A_473 : vector<1x16xf32> to vector<16xf32>
        %swap3A_475 = vector.shape_cast %mul3A_466 : vector<16xf32> to vector<1x16xf32>
        tpu.vector_store %swap3A_470[%swap3A_471, %swap3A_472], %swap3A_475 {strides = array<i32>} : memref<128x128xf32, #tpu.memory_space<vmem>>, vector<1x16xf32>,
        %get3A_476 = arith.constant 0 : i32
        %get3A_477 = arith.constant 0 : i32
        %get3A_478 = tpu.memref_slice %arg6[%scan3A_317, %get3A_476, %get3A_477] : memref<4x128x128xf32, #tpu.memory_space<vmem>> -> memref<1x128x128xf32, #tpu.memory_space<vmem>>
        %get3A_479 = tpu.memref_squeeze %get3A_478 : memref<1x128x128xf32, #tpu.memory_space<vmem>> -> memref<128x128xf32, #tpu.memory_space<vmem>>
        %get3A_480 = arith.index_cast %scan3A_437 : i32 to index
        %get3A_481 = arith.constant 32 : index
        %get3A_482 = tpu.vector_load %get3A_479[%get3A_480, %get3A_481] {strides = array<i32>} : memref<128x128xf32, #tpu.memory_space<vmem>>, vector<1x16xf32>,
        %get3A_483 = vector.shape_cast %get3A_482 : vector<1x16xf32> to vector<16xf32>
        %mul3A_484 = arith.constant 11.3137083 : f32
        %mul3A_485 = vector.broadcast %mul3A_484 : f32 to vector<16xf32>
        %mul3A_486 = arith.mulf %get3A_483, %mul3A_485 : vector<16xf32>
        %swap3A_487 = arith.constant 0 : i32
        %swap3A_488 = arith.constant 0 : i32
        %swap3A_489 = tpu.memref_slice %arg6[%scan3A_317, %swap3A_487, %swap3A_488] : memref<4x128x128xf32, #tpu.memory_space<vmem>> -> memref<1x128x128xf32, #tpu.memory_space<vmem>>
        %swap3A_490 = tpu.memref_squeeze %swap3A_489 : memref<1x128x128xf32, #tpu.memory_space<vmem>> -> memref<128x128xf32, #tpu.memory_space<vmem>>
        %swap3A_491 = arith.index_cast %scan3A_437 : i32 to index
        %swap3A_492 = arith.constant 32 : index
        %swap3A_493 = tpu.vector_load %swap3A_490[%swap3A_491, %swap3A_492] {strides = array<i32>} : memref<128x128xf32, #tpu.memory_space<vmem>>, vector<1x16xf32>,
        %swap3A_494 = vector.shape_cast %swap3A_493 : vector<1x16xf32> to vector<16xf32>
        %swap3A_495 = vector.shape_cast %mul3A_486 : vector<16xf32> to vector<1x16xf32>
        tpu.vector_store %swap3A_490[%swap3A_491, %swap3A_492], %swap3A_495 {strides = array<i32>} : memref<128x128xf32, #tpu.memory_space<vmem>>, vector<1x16xf32>,
        %get3A_496 = arith.constant 0 : i32
        %get3A_497 = arith.constant 0 : i32
        %get3A_498 = tpu.memref_slice %arg6[%scan3A_317, %get3A_496, %get3A_497] : memref<4x128x128xf32, #tpu.memory_space<vmem>> -> memref<1x128x128xf32, #tpu.memory_space<vmem>>
        %get3A_499 = tpu.memref_squeeze %get3A_498 : memref<1x128x128xf32, #tpu.memory_space<vmem>> -> memref<128x128xf32, #tpu.memory_space<vmem>>
        %get3A_500 = arith.index_cast %scan3A_437 : i32 to index
        %get3A_501 = arith.constant 48 : index
        %get3A_502 = tpu.vector_load %get3A_499[%get3A_500, %get3A_501] {strides = array<i32>} : memref<128x128xf32, #tpu.memory_space<vmem>>, vector<1x16xf32>,
        %get3A_503 = vector.shape_cast %get3A_502 : vector<1x16xf32> to vector<16xf32>
        %mul3A_504 = arith.constant 11.3137083 : f32
        %mul3A_505 = vector.broadcast %mul3A_504 : f32 to vector<16xf32>
        %mul3A_506 = arith.mulf %get3A_503, %mul3A_505 : vector<16xf32>
        %swap3A_507 = arith.constant 0 : i32
        %swap3A_508 = arith.constant 0 : i32
        %swap3A_509 = tpu.memref_slice %arg6[%scan3A_317, %swap3A_507, %swap3A_508] : memref<4x128x128xf32, #tpu.memory_space<vmem>> -> memref<1x128x128xf32, #tpu.memory_space<vmem>>
        %swap3A_510 = tpu.memref_squeeze %swap3A_509 : memref<1x128x128xf32, #tpu.memory_space<vmem>> -> memref<128x128xf32, #tpu.memory_space<vmem>>
        %swap3A_511 = arith.index_cast %scan3A_437 : i32 to index
        %swap3A_512 = arith.constant 48 : index
        %swap3A_513 = tpu.vector_load %swap3A_510[%swap3A_511, %swap3A_512] {strides = array<i32>} : memref<128x128xf32, #tpu.memory_space<vmem>>, vector<1x16xf32>,
        %swap3A_514 = vector.shape_cast %swap3A_513 : vector<1x16xf32> to vector<16xf32>
        %swap3A_515 = vector.shape_cast %mul3A_506 : vector<16xf32> to vector<1x16xf32>
        tpu.vector_store %swap3A_510[%swap3A_511, %swap3A_512], %swap3A_515 {strides = array<i32>} : memref<128x128xf32, #tpu.memory_space<vmem>>, vector<1x16xf32>,
        %get3A_516 = arith.constant 0 : i32
        %get3A_517 = arith.constant 0 : i32
        %get3A_518 = tpu.memref_slice %arg6[%scan3A_317, %get3A_516, %get3A_517] : memref<4x128x128xf32, #tpu.memory_space<vmem>> -> memref<1x128x128xf32, #tpu.memory_space<vmem>>
        %get3A_519 = tpu.memref_squeeze %get3A_518 : memref<1x128x128xf32, #tpu.memory_space<vmem>> -> memref<128x128xf32, #tpu.memory_space<vmem>>
        %get3A_520 = arith.index_cast %scan3A_437 : i32 to index
        %get3A_521 = arith.constant 64 : index
        %get3A_522 = tpu.vector_load %get3A_519[%get3A_520, %get3A_521] {strides = array<i32>} : memref<128x128xf32, #tpu.memory_space<vmem>>, vector<1x16xf32>,
        %get3A_523 = vector.shape_cast %get3A_522 : vector<1x16xf32> to vector<16xf32>
        %mul3A_524 = arith.constant 11.3137083 : f32
        %mul3A_525 = vector.broadcast %mul3A_524 : f32 to vector<16xf32>
        %mul3A_526 = arith.mulf %get3A_523, %mul3A_525 : vector<16xf32>
        %swap3A_527 = arith.constant 0 : i32
        %swap3A_528 = arith.constant 0 : i32
        %swap3A_529 = tpu.memref_slice %arg6[%scan3A_317, %swap3A_527, %swap3A_528] : memref<4x128x128xf32, #tpu.memory_space<vmem>> -> memref<1x128x128xf32, #tpu.memory_space<vmem>>
        %swap3A_530 = tpu.memref_squeeze %swap3A_529 : memref<1x128x128xf32, #tpu.memory_space<vmem>> -> memref<128x128xf32, #tpu.memory_space<vmem>>
        %swap3A_531 = arith.index_cast %scan3A_437 : i32 to index
        %swap3A_532 = arith.constant 64 : index
        %swap3A_533 = tpu.vector_load %swap3A_530[%swap3A_531, %swap3A_532] {strides = array<i32>} : memref<128x128xf32, #tpu.memory_space<vmem>>, vector<1x16xf32>,
        %swap3A_534 = vector.shape_cast %swap3A_533 : vector<1x16xf32> to vector<16xf32>
        %swap3A_535 = vector.shape_cast %mul3A_526 : vector<16xf32> to vector<1x16xf32>
        tpu.vector_store %swap3A_530[%swap3A_531, %swap3A_532], %swap3A_535 {strides = array<i32>} : memref<128x128xf32, #tpu.memory_space<vmem>>, vector<1x16xf32>,
        %get3A_536 = arith.constant 0 : i32
        %get3A_537 = arith.constant 0 : i32
        %get3A_538 = tpu.memref_slice %arg6[%scan3A_317, %get3A_536, %get3A_537] : memref<4x128x128xf32, #tpu.memory_space<vmem>> -> memref<1x128x128xf32, #tpu.memory_space<vmem>>
        %get3A_539 = tpu.memref_squeeze %get3A_538 : memref<1x128x128xf32, #tpu.memory_space<vmem>> -> memref<128x128xf32, #tpu.memory_space<vmem>>
        %get3A_540 = arith.index_cast %scan3A_437 : i32 to index
        %get3A_541 = arith.constant 80 : index
        %get3A_542 = tpu.vector_load %get3A_539[%get3A_540, %get3A_541] {strides = array<i32>} : memref<128x128xf32, #tpu.memory_space<vmem>>, vector<1x16xf32>,
        %get3A_543 = vector.shape_cast %get3A_542 : vector<1x16xf32> to vector<16xf32>
        %mul3A_544 = arith.constant 11.3137083 : f32
        %mul3A_545 = vector.broadcast %mul3A_544 : f32 to vector<16xf32>
        %mul3A_546 = arith.mulf %get3A_543, %mul3A_545 : vector<16xf32>
        %swap3A_547 = arith.constant 0 : i32
        %swap3A_548 = arith.constant 0 : i32
        %swap3A_549 = tpu.memref_slice %arg6[%scan3A_317, %swap3A_547, %swap3A_548] : memref<4x128x128xf32, #tpu.memory_space<vmem>> -> memref<1x128x128xf32, #tpu.memory_space<vmem>>
        %swap3A_550 = tpu.memref_squeeze %swap3A_549 : memref<1x128x128xf32, #tpu.memory_space<vmem>> -> memref<128x128xf32, #tpu.memory_space<vmem>>
        %swap3A_551 = arith.index_cast %scan3A_437 : i32 to index
        %swap3A_552 = arith.constant 80 : index
        %swap3A_553 = tpu.vector_load %swap3A_550[%swap3A_551, %swap3A_552] {strides = array<i32>} : memref<128x128xf32, #tpu.memory_space<vmem>>, vector<1x16xf32>,
        %swap3A_554 = vector.shape_cast %swap3A_553 : vector<1x16xf32> to vector<16xf32>
        %swap3A_555 = vector.shape_cast %mul3A_546 : vector<16xf32> to vector<1x16xf32>
        tpu.vector_store %swap3A_550[%swap3A_551, %swap3A_552], %swap3A_555 {strides = array<i32>} : memref<128x128xf32, #tpu.memory_space<vmem>>, vector<1x16xf32>,
        %get3A_556 = arith.constant 0 : i32
        %get3A_557 = arith.constant 0 : i32
        %get3A_558 = tpu.memref_slice %arg6[%scan3A_317, %get3A_556, %get3A_557] : memref<4x128x128xf32, #tpu.memory_space<vmem>> -> memref<1x128x128xf32, #tpu.memory_space<vmem>>
        %get3A_559 = tpu.memref_squeeze %get3A_558 : memref<1x128x128xf32, #tpu.memory_space<vmem>> -> memref<128x128xf32, #tpu.memory_space<vmem>>
        %get3A_560 = arith.index_cast %scan3A_437 : i32 to index
        %get3A_561 = arith.constant 96 : index
        %get3A_562 = tpu.vector_load %get3A_559[%get3A_560, %get3A_561] {strides = array<i32>} : memref<128x128xf32, #tpu.memory_space<vmem>>, vector<1x16xf32>,
        %get3A_563 = vector.shape_cast %get3A_562 : vector<1x16xf32> to vector<16xf32>
        %mul3A_564 = arith.constant 11.3137083 : f32
        %mul3A_565 = vector.broadcast %mul3A_564 : f32 to vector<16xf32>
        %mul3A_566 = arith.mulf %get3A_563, %mul3A_565 : vector<16xf32>
        %swap3A_567 = arith.constant 0 : i32
        %swap3A_568 = arith.constant 0 : i32
        %swap3A_569 = tpu.memref_slice %arg6[%scan3A_317, %swap3A_567, %swap3A_568] : memref<4x128x128xf32, #tpu.memory_space<vmem>> -> memref<1x128x128xf32, #tpu.memory_space<vmem>>
        %swap3A_570 = tpu.memref_squeeze %swap3A_569 : memref<1x128x128xf32, #tpu.memory_space<vmem>> -> memref<128x128xf32, #tpu.memory_space<vmem>>
        %swap3A_571 = arith.index_cast %scan3A_437 : i32 to index
        %swap3A_572 = arith.constant 96 : index
        %swap3A_573 = tpu.vector_load %swap3A_570[%swap3A_571, %swap3A_572] {strides = array<i32>} : memref<128x128xf32, #tpu.memory_space<vmem>>, vector<1x16xf32>,
        %swap3A_574 = vector.shape_cast %swap3A_573 : vector<1x16xf32> to vector<16xf32>
        %swap3A_575 = vector.shape_cast %mul3A_566 : vector<16xf32> to vector<1x16xf32>
        tpu.vector_store %swap3A_570[%swap3A_571, %swap3A_572], %swap3A_575 {strides = array<i32>} : memref<128x128xf32, #tpu.memory_space<vmem>>, vector<1x16xf32>,
        %get3A_576 = arith.constant 0 : i32
        %get3A_577 = arith.constant 0 : i32
        %get3A_578 = tpu.memref_slice %arg6[%scan3A_317, %get3A_576, %get3A_577] : memref<4x128x128xf32, #tpu.memory_space<vmem>> -> memref<1x128x128xf32, #tpu.memory_space<vmem>>
        %get3A_579 = tpu.memref_squeeze %get3A_578 : memref<1x128x128xf32, #tpu.memory_space<vmem>> -> memref<128x128xf32, #tpu.memory_space<vmem>>
        %get3A_580 = arith.index_cast %scan3A_437 : i32 to index
        %get3A_581 = arith.constant 112 : index
        %get3A_582 = tpu.vector_load %get3A_579[%get3A_580, %get3A_581] {strides = array<i32>} : memref<128x128xf32, #tpu.memory_space<vmem>>, vector<1x16xf32>,
        %get3A_583 = vector.shape_cast %get3A_582 : vector<1x16xf32> to vector<16xf32>
        %mul3A_584 = arith.constant 11.3137083 : f32
        %mul3A_585 = vector.broadcast %mul3A_584 : f32 to vector<16xf32>
        %mul3A_586 = arith.mulf %get3A_583, %mul3A_585 : vector<16xf32>
        %swap3A_587 = arith.constant 0 : i32
        %swap3A_588 = arith.constant 0 : i32
        %swap3A_589 = tpu.memref_slice %arg6[%scan3A_317, %swap3A_587, %swap3A_588] : memref<4x128x128xf32, #tpu.memory_space<vmem>> -> memref<1x128x128xf32, #tpu.memory_space<vmem>>
        %swap3A_590 = tpu.memref_squeeze %swap3A_589 : memref<1x128x128xf32, #tpu.memory_space<vmem>> -> memref<128x128xf32, #tpu.memory_space<vmem>>
        %swap3A_591 = arith.index_cast %scan3A_437 : i32 to index
        %swap3A_592 = arith.constant 112 : index
        %swap3A_593 = tpu.vector_load %swap3A_590[%swap3A_591, %swap3A_592] {strides = array<i32>} : memref<128x128xf32, #tpu.memory_space<vmem>>, vector<1x16xf32>,
        %swap3A_594 = vector.shape_cast %swap3A_593 : vector<1x16xf32> to vector<16xf32>
        %swap3A_595 = vector.shape_cast %mul3A_586 : vector<16xf32> to vector<1x16xf32>
        tpu.vector_store %swap3A_590[%swap3A_591, %swap3A_592], %swap3A_595 {strides = array<i32>} : memref<128x128xf32, #tpu.memory_space<vmem>>, vector<1x16xf32>,
      }
      %scan3A_322 = arith.constant 64 : i32
      %add3A_323 = arith.constant 64 : i32
      %add3A_324 = arith.addi %add3A_272, %add3A_323 : i32
      %dma_start3A_325 = arith.constant 2 : i32
      %dma_start3A_326 = arith.constant 2 : i32
      %dma_start3A_327 = arith.constant 0 : i32
      %dma_start3A_328 = arith.constant 0 : i32
      %dma_start3A_329 = tpu.memref_slice %arg6[%dma_start3A_325, %dma_start3A_327, %dma_start3A_328] : memref<4x128x128xf32, #tpu.memory_space<vmem>> -> memref<1x128x128xf32, #tpu.memory_space<vmem>>
      %dma_start3A_330 = tpu.memref_squeeze %dma_start3A_329 : memref<1x128x128xf32, #tpu.memory_space<vmem>> -> memref<128x128xf32, #tpu.memory_space<vmem>>
      %dma_start3A_331 = arith.constant 64 : i32
      %dma_start3A_332 = arith.constant 0 : i32
      %dma_start3A_333 = tpu.memref_slice %dma_start3A_330[%dma_start3A_331, %dma_start3A_332] : memref<128x128xf32, #tpu.memory_space<vmem>> -> memref<64x128xf32, #tpu.memory_space<vmem>>
      %dma_start3A_334 = arith.constant 0 : i32
      %dma_start3A_335 = tpu.memref_slice %arg4[%add3A_324, %dma_start3A_334] : memref<819200x128xf32, #tpu.memory_space<hbm>> -> memref<64x128xf32, #tpu.memory_space<hbm>>
      %dma_start3A_336 = tpu.memref_slice %arg8[%dma_start3A_326] : memref<4x!tpu.dma_semaphore, #tpu.memory_space<semaphore_mem>> -> memref<1x!tpu.dma_semaphore, #tpu.memory_space<semaphore_mem>>
      %dma_start3A_337 = tpu.memref_squeeze %dma_start3A_336 : memref<1x!tpu.dma_semaphore, #tpu.memory_space<semaphore_mem>> -> memref<!tpu.dma_semaphore, #tpu.memory_space<semaphore_mem>>
      %dma_start3A_338 = arith.constant 0 : i32
      %dma_start3A_339 = tpu.memref_slice %arg4[%add3A_324, %dma_start3A_338] : memref<819200x128xf32, #tpu.memory_space<hbm>> -> memref<64x128xf32, #tpu.memory_space<hbm>>
      %dma_start3A_340 = arith.constant 0 : i32
      %dma_start3A_341 = arith.constant 0 : i32
      %dma_start3A_342 = tpu.memref_slice %arg6[%dma_start3A_325, %dma_start3A_340, %dma_start3A_341] : memref<4x128x128xf32, #tpu.memory_space<vmem>> -> memref<1x128x128xf32, #tpu.memory_space<vmem>>
      %dma_start3A_343 = tpu.memref_squeeze %dma_start3A_342 : memref<1x128x128xf32, #tpu.memory_space<vmem>> -> memref<128x128xf32, #tpu.memory_space<vmem>>
      %dma_start3A_344 = arith.constant 64 : i32
      %dma_start3A_345 = arith.constant 0 : i32
      %dma_start3A_346 = tpu.memref_slice %dma_start3A_343[%dma_start3A_344, %dma_start3A_345] : memref<128x128xf32, #tpu.memory_space<vmem>> -> memref<64x128xf32, #tpu.memory_space<vmem>>
      tpu.enqueue_dma source(%dma_start3A_346 : memref<64x128xf32, #tpu.memory_space<vmem>>) target(%dma_start3A_339 : memref<64x128xf32, #tpu.memory_space<hbm>>) target_semaphore(%dma_start3A_337 : memref<!tpu.dma_semaphore, #tpu.memory_space<semaphore_mem>>)
      %lt3A = arith.constant 49 : i32
      %lt3A_347 = arith.cmpi slt, %scan3A_64, %lt3A : i32
      %convert_element_type3A_348 = arith.extui %lt3A_347 : i1 to i32
      %cond3A_349 = arith.constant 0 : i32
      %cond3A_350 = arith.cmpi ne, %convert_element_type3A_348, %cond3A_349 : i32
      scf.if %cond3A_350 {
        %dma_wait3A_437 = arith.constant 0 : i32
        %dma_wait3A_438 = arith.constant 0 : i32
        %dma_wait3A_439 = arith.constant 0 : i32
        %dma_wait3A_440 = arith.constant 0 : i32
        %dma_wait3A_441 = tpu.memref_slice %arg6[%dma_wait3A_437, %dma_wait3A_439, %dma_wait3A_440] : memref<4x128x128xf32, #tpu.memory_space<vmem>> -> memref<1x128x128xf32, #tpu.memory_space<vmem>>
        %dma_wait3A_442 = tpu.memref_squeeze %dma_wait3A_441 : memref<1x128x128xf32, #tpu.memory_space<vmem>> -> memref<128x128xf32, #tpu.memory_space<vmem>>
        %dma_wait3A_443 = arith.constant 0 : i32
        %dma_wait3A_444 = tpu.memref_slice %arg4[%mul3A_2, %dma_wait3A_443] : memref<819200x128xf32, #tpu.memory_space<hbm>> -> memref<128x128xf32, #tpu.memory_space<hbm>>
        %dma_wait3A_445 = tpu.memref_slice %arg8[%dma_wait3A_438] : memref<4x!tpu.dma_semaphore, #tpu.memory_space<semaphore_mem>> -> memref<1x!tpu.dma_semaphore, #tpu.memory_space<semaphore_mem>>
        %dma_wait3A_446 = tpu.memref_squeeze %dma_wait3A_445 : memref<1x!tpu.dma_semaphore, #tpu.memory_space<semaphore_mem>> -> memref<!tpu.dma_semaphore, #tpu.memory_space<semaphore_mem>>
        %dma_wait3A_447 = arith.constant 0 : i32
        %dma_wait3A_448 = tpu.memref_slice %arg4[%mul3A_2, %dma_wait3A_447] : memref<819200x128xf32, #tpu.memory_space<hbm>> -> memref<128x128xf32, #tpu.memory_space<hbm>>
        %dma_wait3A_449 = arith.constant 0 : i32
        %dma_wait3A_450 = arith.constant 0 : i32
        %dma_wait3A_451 = tpu.memref_slice %arg6[%dma_wait3A_437, %dma_wait3A_449, %dma_wait3A_450] : memref<4x128x128xf32, #tpu.memory_space<vmem>> -> memref<1x128x128xf32, #tpu.memory_space<vmem>>
        %dma_wait3A_452 = tpu.memref_squeeze %dma_wait3A_451 : memref<1x128x128xf32, #tpu.memory_space<vmem>> -> memref<128x128xf32, #tpu.memory_space<vmem>>
        tpu.wait_dma2 semaphore(%dma_wait3A_446 : memref<!tpu.dma_semaphore, #tpu.memory_space<semaphore_mem>>) src(%dma_wait3A_452 : memref<128x128xf32, #tpu.memory_space<vmem>>) dst(%dma_wait3A_448 : memref<128x128xf32, #tpu.memory_space<hbm>>)
        %add3A_453 = arith.constant 2 : i32
        %add3A_454 = arith.addi %add3A_269, %add3A_453 : i32
        %mul3A_455 = arith.constant 128 : i32
        %mul3A_456 = arith.muli %add3A_454, %mul3A_455 : i32
        %dma_start3A_457 = arith.constant 0 : i32
        %dma_start3A_458 = arith.constant 0 : i32
        %dma_start3A_459 = arith.constant 0 : i32
        %dma_start3A_460 = arith.constant 0 : i32
        %dma_start3A_461 = tpu.memref_slice %arg6[%dma_start3A_457, %dma_start3A_459, %dma_start3A_460] : memref<4x128x128xf32, #tpu.memory_space<vmem>> -> memref<1x128x128xf32, #tpu.memory_space<vmem>>
        %dma_start3A_462 = tpu.memref_squeeze %dma_start3A_461 : memref<1x128x128xf32, #tpu.memory_space<vmem>> -> memref<128x128xf32, #tpu.memory_space<vmem>>
        %dma_start3A_463 = tpu.memref_slice %arg5[%mul3A_456] : memref<25600xi32, #tpu.memory_space<vmem>> -> memref<128xi32, #tpu.memory_space<vmem>>
        %dma_start3A_464 = arith.constant 0 : i32
        %dma_start3A_465 = arith.constant 0 : i32
        %dma_start3A_466 = tpu.memref_slice %arg3[%dma_start3A_464, %dma_start3A_465] : memref<100000x128xf32, #tpu.memory_space<hbm>> -> memref<100000x128xf32, #tpu.memory_space<hbm>>
        %dma_start3A_467 = tpu.memref_slice %arg7[%dma_start3A_458] : memref<4x!tpu.dma_semaphore, #tpu.memory_space<semaphore_mem>> -> memref<1x!tpu.dma_semaphore, #tpu.memory_space<semaphore_mem>>
        %dma_start3A_468 = tpu.memref_squeeze %dma_start3A_467 : memref<1x!tpu.dma_semaphore, #tpu.memory_space<semaphore_mem>> -> memref<!tpu.dma_semaphore, #tpu.memory_space<semaphore_mem>>
        tpu.enqueue_indirect_dma source(%dma_start3A_466 : memref<100000x128xf32, #tpu.memory_space<hbm>>) target(%dma_start3A_462 : memref<128x128xf32, #tpu.memory_space<vmem>>) offsets(%dma_start3A_463 : memref<128xi32, #tpu.memory_space<vmem>>) semaphore(%dma_start3A_468 : memref<!tpu.dma_semaphore, #tpu.memory_space<semaphore_mem>>)
      } else {
      }
      %mul3A_351 = arith.constant 4 : i32
      %mul3A_352 = arith.muli %scan3A_64, %mul3A_351 : i32
      %add3A_353 = arith.constant 3 : i32
      %add3A_354 = arith.addi %mul3A_352, %add3A_353 : i32
      %mul3A_355 = arith.constant 128 : i32
      %mul3A_356 = arith.muli %add3A_354, %mul3A_355 : i32
      %add3A_357 = arith.addi %mul3A_2, %mul3A_356 : i32
      %mul3A_358 = arith.constant 128 : i32
      %mul3A_359 = arith.muli %add3A_354, %mul3A_358 : i32
      %dma_wait3A_360 = arith.constant 3 : i32
      %dma_wait3A_361 = arith.constant 3 : i32
      %dma_wait3A_362 = arith.constant 0 : i32
      %dma_wait3A_363 = arith.constant 0 : i32
      %dma_wait3A_364 = tpu.memref_slice %arg6[%dma_wait3A_360, %dma_wait3A_362, %dma_wait3A_363] : memref<4x128x128xf32, #tpu.memory_space<vmem>> -> memref<1x128x128xf32, #tpu.memory_space<vmem>>
      %dma_wait3A_365 = tpu.memref_squeeze %dma_wait3A_364 : memref<1x128x128xf32, #tpu.memory_space<vmem>> -> memref<128x128xf32, #tpu.memory_space<vmem>>
      %dma_wait3A_366 = tpu.memref_slice %arg5[%mul3A_359] : memref<25600xi32, #tpu.memory_space<vmem>> -> memref<128xi32, #tpu.memory_space<vmem>>
      %dma_wait3A_367 = arith.constant 0 : i32
      %dma_wait3A_368 = arith.constant 0 : i32
      %dma_wait3A_369 = tpu.memref_slice %arg3[%dma_wait3A_367, %dma_wait3A_368] : memref<100000x128xf32, #tpu.memory_space<hbm>> -> memref<100000x128xf32, #tpu.memory_space<hbm>>
      %dma_wait3A_370 = tpu.memref_slice %arg7[%dma_wait3A_361] : memref<4x!tpu.dma_semaphore, #tpu.memory_space<semaphore_mem>> -> memref<1x!tpu.dma_semaphore, #tpu.memory_space<semaphore_mem>>
      %dma_wait3A_371 = tpu.memref_squeeze %dma_wait3A_370 : memref<1x!tpu.dma_semaphore, #tpu.memory_space<semaphore_mem>> -> memref<!tpu.dma_semaphore, #tpu.memory_space<semaphore_mem>>
      tpu.wait_indirect_dma semaphore(%dma_wait3A_371 : memref<!tpu.dma_semaphore, #tpu.memory_space<semaphore_mem>>) src(%dma_wait3A_369 : memref<100000x128xf32, #tpu.memory_space<hbm>>) dst(%dma_wait3A_365 : memref<128x128xf32, #tpu.memory_space<vmem>>)
      %scan3A_372 = arith.constant 0 : i32
      %scan3A_373 = arith.constant 3 : i32
      %scan3A_374 = arith.constant 0 : i32
      %scan3A_375 = arith.constant 64 : i32
      %scan3A_376 = arith.addi %scan3A_374, %scan3A_375 : i32
      %scan3A_377 = arith.constant 1 : i32
      scf.for %scan3A_437 = %scan3A_374 to %scan3A_376 step %scan3A_377  : i32 {
        %get3A = arith.constant 0 : i32
        %get3A_438 = arith.constant 0 : i32
        %get3A_439 = tpu.memref_slice %arg6[%scan3A_373, %get3A, %get3A_438] : memref<4x128x128xf32, #tpu.memory_space<vmem>> -> memref<1x128x128xf32, #tpu.memory_space<vmem>>
        %get3A_440 = tpu.memref_squeeze %get3A_439 : memref<1x128x128xf32, #tpu.memory_space<vmem>> -> memref<128x128xf32, #tpu.memory_space<vmem>>
        %get3A_441 = arith.index_cast %scan3A_437 : i32 to index
        %get3A_442 = arith.constant 0 : index
        %get3A_443 = tpu.vector_load %get3A_440[%get3A_441, %get3A_442] {strides = array<i32>} : memref<128x128xf32, #tpu.memory_space<vmem>>, vector<1x16xf32>,
        %get3A_444 = vector.shape_cast %get3A_443 : vector<1x16xf32> to vector<16xf32>
        %mul3A_445 = arith.constant 11.3137083 : f32
        %mul3A_446 = vector.broadcast %mul3A_445 : f32 to vector<16xf32>
        %mul3A_447 = arith.mulf %get3A_444, %mul3A_446 : vector<16xf32>
        %swap3A = arith.constant 0 : i32
        %swap3A_448 = arith.constant 0 : i32
        %swap3A_449 = tpu.memref_slice %arg6[%scan3A_373, %swap3A, %swap3A_448] : memref<4x128x128xf32, #tpu.memory_space<vmem>> -> memref<1x128x128xf32, #tpu.memory_space<vmem>>
        %swap3A_450 = tpu.memref_squeeze %swap3A_449 : memref<1x128x128xf32, #tpu.memory_space<vmem>> -> memref<128x128xf32, #tpu.memory_space<vmem>>
        %swap3A_451 = arith.index_cast %scan3A_437 : i32 to index
        %swap3A_452 = arith.constant 0 : index
        %swap3A_453 = tpu.vector_load %swap3A_450[%swap3A_451, %swap3A_452] {strides = array<i32>} : memref<128x128xf32, #tpu.memory_space<vmem>>, vector<1x16xf32>,
        %swap3A_454 = vector.shape_cast %swap3A_453 : vector<1x16xf32> to vector<16xf32>
        %swap3A_455 = vector.shape_cast %mul3A_447 : vector<16xf32> to vector<1x16xf32>
        tpu.vector_store %swap3A_450[%swap3A_451, %swap3A_452], %swap3A_455 {strides = array<i32>} : memref<128x128xf32, #tpu.memory_space<vmem>>, vector<1x16xf32>,
        %get3A_456 = arith.constant 0 : i32
        %get3A_457 = arith.constant 0 : i32
        %get3A_458 = tpu.memref_slice %arg6[%scan3A_373, %get3A_456, %get3A_457] : memref<4x128x128xf32, #tpu.memory_space<vmem>> -> memref<1x128x128xf32, #tpu.memory_space<vmem>>
        %get3A_459 = tpu.memref_squeeze %get3A_458 : memref<1x128x128xf32, #tpu.memory_space<vmem>> -> memref<128x128xf32, #tpu.memory_space<vmem>>
        %get3A_460 = arith.index_cast %scan3A_437 : i32 to index
        %get3A_461 = arith.constant 16 : index
        %get3A_462 = tpu.vector_load %get3A_459[%get3A_460, %get3A_461] {strides = array<i32>} : memref<128x128xf32, #tpu.memory_space<vmem>>, vector<1x16xf32>,
        %get3A_463 = vector.shape_cast %get3A_462 : vector<1x16xf32> to vector<16xf32>
        %mul3A_464 = arith.constant 11.3137083 : f32
        %mul3A_465 = vector.broadcast %mul3A_464 : f32 to vector<16xf32>
        %mul3A_466 = arith.mulf %get3A_463, %mul3A_465 : vector<16xf32>
        %swap3A_467 = arith.constant 0 : i32
        %swap3A_468 = arith.constant 0 : i32
        %swap3A_469 = tpu.memref_slice %arg6[%scan3A_373, %swap3A_467, %swap3A_468] : memref<4x128x128xf32, #tpu.memory_space<vmem>> -> memref<1x128x128xf32, #tpu.memory_space<vmem>>
        %swap3A_470 = tpu.memref_squeeze %swap3A_469 : memref<1x128x128xf32, #tpu.memory_space<vmem>> -> memref<128x128xf32, #tpu.memory_space<vmem>>
        %swap3A_471 = arith.index_cast %scan3A_437 : i32 to index
        %swap3A_472 = arith.constant 16 : index
        %swap3A_473 = tpu.vector_load %swap3A_470[%swap3A_471, %swap3A_472] {strides = array<i32>} : memref<128x128xf32, #tpu.memory_space<vmem>>, vector<1x16xf32>,
        %swap3A_474 = vector.shape_cast %swap3A_473 : vector<1x16xf32> to vector<16xf32>
        %swap3A_475 = vector.shape_cast %mul3A_466 : vector<16xf32> to vector<1x16xf32>
        tpu.vector_store %swap3A_470[%swap3A_471, %swap3A_472], %swap3A_475 {strides = array<i32>} : memref<128x128xf32, #tpu.memory_space<vmem>>, vector<1x16xf32>,
        %get3A_476 = arith.constant 0 : i32
        %get3A_477 = arith.constant 0 : i32
        %get3A_478 = tpu.memref_slice %arg6[%scan3A_373, %get3A_476, %get3A_477] : memref<4x128x128xf32, #tpu.memory_space<vmem>> -> memref<1x128x128xf32, #tpu.memory_space<vmem>>
        %get3A_479 = tpu.memref_squeeze %get3A_478 : memref<1x128x128xf32, #tpu.memory_space<vmem>> -> memref<128x128xf32, #tpu.memory_space<vmem>>
        %get3A_480 = arith.index_cast %scan3A_437 : i32 to index
        %get3A_481 = arith.constant 32 : index
        %get3A_482 = tpu.vector_load %get3A_479[%get3A_480, %get3A_481] {strides = array<i32>} : memref<128x128xf32, #tpu.memory_space<vmem>>, vector<1x16xf32>,
        %get3A_483 = vector.shape_cast %get3A_482 : vector<1x16xf32> to vector<16xf32>
        %mul3A_484 = arith.constant 11.3137083 : f32
        %mul3A_485 = vector.broadcast %mul3A_484 : f32 to vector<16xf32>
        %mul3A_486 = arith.mulf %get3A_483, %mul3A_485 : vector<16xf32>
        %swap3A_487 = arith.constant 0 : i32
        %swap3A_488 = arith.constant 0 : i32
        %swap3A_489 = tpu.memref_slice %arg6[%scan3A_373, %swap3A_487, %swap3A_488] : memref<4x128x128xf32, #tpu.memory_space<vmem>> -> memref<1x128x128xf32, #tpu.memory_space<vmem>>
        %swap3A_490 = tpu.memref_squeeze %swap3A_489 : memref<1x128x128xf32, #tpu.memory_space<vmem>> -> memref<128x128xf32, #tpu.memory_space<vmem>>
        %swap3A_491 = arith.index_cast %scan3A_437 : i32 to index
        %swap3A_492 = arith.constant 32 : index
        %swap3A_493 = tpu.vector_load %swap3A_490[%swap3A_491, %swap3A_492] {strides = array<i32>} : memref<128x128xf32, #tpu.memory_space<vmem>>, vector<1x16xf32>,
        %swap3A_494 = vector.shape_cast %swap3A_493 : vector<1x16xf32> to vector<16xf32>
        %swap3A_495 = vector.shape_cast %mul3A_486 : vector<16xf32> to vector<1x16xf32>
        tpu.vector_store %swap3A_490[%swap3A_491, %swap3A_492], %swap3A_495 {strides = array<i32>} : memref<128x128xf32, #tpu.memory_space<vmem>>, vector<1x16xf32>,
        %get3A_496 = arith.constant 0 : i32
        %get3A_497 = arith.constant 0 : i32
        %get3A_498 = tpu.memref_slice %arg6[%scan3A_373, %get3A_496, %get3A_497] : memref<4x128x128xf32, #tpu.memory_space<vmem>> -> memref<1x128x128xf32, #tpu.memory_space<vmem>>
        %get3A_499 = tpu.memref_squeeze %get3A_498 : memref<1x128x128xf32, #tpu.memory_space<vmem>> -> memref<128x128xf32, #tpu.memory_space<vmem>>
        %get3A_500 = arith.index_cast %scan3A_437 : i32 to index
        %get3A_501 = arith.constant 48 : index
        %get3A_502 = tpu.vector_load %get3A_499[%get3A_500, %get3A_501] {strides = array<i32>} : memref<128x128xf32, #tpu.memory_space<vmem>>, vector<1x16xf32>,
        %get3A_503 = vector.shape_cast %get3A_502 : vector<1x16xf32> to vector<16xf32>
        %mul3A_504 = arith.constant 11.3137083 : f32
        %mul3A_505 = vector.broadcast %mul3A_504 : f32 to vector<16xf32>
        %mul3A_506 = arith.mulf %get3A_503, %mul3A_505 : vector<16xf32>
        %swap3A_507 = arith.constant 0 : i32
        %swap3A_508 = arith.constant 0 : i32
        %swap3A_509 = tpu.memref_slice %arg6[%scan3A_373, %swap3A_507, %swap3A_508] : memref<4x128x128xf32, #tpu.memory_space<vmem>> -> memref<1x128x128xf32, #tpu.memory_space<vmem>>
        %swap3A_510 = tpu.memref_squeeze %swap3A_509 : memref<1x128x128xf32, #tpu.memory_space<vmem>> -> memref<128x128xf32, #tpu.memory_space<vmem>>
        %swap3A_511 = arith.index_cast %scan3A_437 : i32 to index
        %swap3A_512 = arith.constant 48 : index
        %swap3A_513 = tpu.vector_load %swap3A_510[%swap3A_511, %swap3A_512] {strides = array<i32>} : memref<128x128xf32, #tpu.memory_space<vmem>>, vector<1x16xf32>,
        %swap3A_514 = vector.shape_cast %swap3A_513 : vector<1x16xf32> to vector<16xf32>
        %swap3A_515 = vector.shape_cast %mul3A_506 : vector<16xf32> to vector<1x16xf32>
        tpu.vector_store %swap3A_510[%swap3A_511, %swap3A_512], %swap3A_515 {strides = array<i32>} : memref<128x128xf32, #tpu.memory_space<vmem>>, vector<1x16xf32>,
        %get3A_516 = arith.constant 0 : i32
        %get3A_517 = arith.constant 0 : i32
        %get3A_518 = tpu.memref_slice %arg6[%scan3A_373, %get3A_516, %get3A_517] : memref<4x128x128xf32, #tpu.memory_space<vmem>> -> memref<1x128x128xf32, #tpu.memory_space<vmem>>
        %get3A_519 = tpu.memref_squeeze %get3A_518 : memref<1x128x128xf32, #tpu.memory_space<vmem>> -> memref<128x128xf32, #tpu.memory_space<vmem>>
        %get3A_520 = arith.index_cast %scan3A_437 : i32 to index
        %get3A_521 = arith.constant 64 : index
        %get3A_522 = tpu.vector_load %get3A_519[%get3A_520, %get3A_521] {strides = array<i32>} : memref<128x128xf32, #tpu.memory_space<vmem>>, vector<1x16xf32>,
        %get3A_523 = vector.shape_cast %get3A_522 : vector<1x16xf32> to vector<16xf32>
        %mul3A_524 = arith.constant 11.3137083 : f32
        %mul3A_525 = vector.broadcast %mul3A_524 : f32 to vector<16xf32>
        %mul3A_526 = arith.mulf %get3A_523, %mul3A_525 : vector<16xf32>
        %swap3A_527 = arith.constant 0 : i32
        %swap3A_528 = arith.constant 0 : i32
        %swap3A_529 = tpu.memref_slice %arg6[%scan3A_373, %swap3A_527, %swap3A_528] : memref<4x128x128xf32, #tpu.memory_space<vmem>> -> memref<1x128x128xf32, #tpu.memory_space<vmem>>
        %swap3A_530 = tpu.memref_squeeze %swap3A_529 : memref<1x128x128xf32, #tpu.memory_space<vmem>> -> memref<128x128xf32, #tpu.memory_space<vmem>>
        %swap3A_531 = arith.index_cast %scan3A_437 : i32 to index
        %swap3A_532 = arith.constant 64 : index
        %swap3A_533 = tpu.vector_load %swap3A_530[%swap3A_531, %swap3A_532] {strides = array<i32>} : memref<128x128xf32, #tpu.memory_space<vmem>>, vector<1x16xf32>,
        %swap3A_534 = vector.shape_cast %swap3A_533 : vector<1x16xf32> to vector<16xf32>
        %swap3A_535 = vector.shape_cast %mul3A_526 : vector<16xf32> to vector<1x16xf32>
        tpu.vector_store %swap3A_530[%swap3A_531, %swap3A_532], %swap3A_535 {strides = array<i32>} : memref<128x128xf32, #tpu.memory_space<vmem>>, vector<1x16xf32>,
        %get3A_536 = arith.constant 0 : i32
        %get3A_537 = arith.constant 0 : i32
        %get3A_538 = tpu.memref_slice %arg6[%scan3A_373, %get3A_536, %get3A_537] : memref<4x128x128xf32, #tpu.memory_space<vmem>> -> memref<1x128x128xf32, #tpu.memory_space<vmem>>
        %get3A_539 = tpu.memref_squeeze %get3A_538 : memref<1x128x128xf32, #tpu.memory_space<vmem>> -> memref<128x128xf32, #tpu.memory_space<vmem>>
        %get3A_540 = arith.index_cast %scan3A_437 : i32 to index
        %get3A_541 = arith.constant 80 : index
        %get3A_542 = tpu.vector_load %get3A_539[%get3A_540, %get3A_541] {strides = array<i32>} : memref<128x128xf32, #tpu.memory_space<vmem>>, vector<1x16xf32>,
        %get3A_543 = vector.shape_cast %get3A_542 : vector<1x16xf32> to vector<16xf32>
        %mul3A_544 = arith.constant 11.3137083 : f32
        %mul3A_545 = vector.broadcast %mul3A_544 : f32 to vector<16xf32>
        %mul3A_546 = arith.mulf %get3A_543, %mul3A_545 : vector<16xf32>
        %swap3A_547 = arith.constant 0 : i32
        %swap3A_548 = arith.constant 0 : i32
        %swap3A_549 = tpu.memref_slice %arg6[%scan3A_373, %swap3A_547, %swap3A_548] : memref<4x128x128xf32, #tpu.memory_space<vmem>> -> memref<1x128x128xf32, #tpu.memory_space<vmem>>
        %swap3A_550 = tpu.memref_squeeze %swap3A_549 : memref<1x128x128xf32, #tpu.memory_space<vmem>> -> memref<128x128xf32, #tpu.memory_space<vmem>>
        %swap3A_551 = arith.index_cast %scan3A_437 : i32 to index
        %swap3A_552 = arith.constant 80 : index
        %swap3A_553 = tpu.vector_load %swap3A_550[%swap3A_551, %swap3A_552] {strides = array<i32>} : memref<128x128xf32, #tpu.memory_space<vmem>>, vector<1x16xf32>,
        %swap3A_554 = vector.shape_cast %swap3A_553 : vector<1x16xf32> to vector<16xf32>
        %swap3A_555 = vector.shape_cast %mul3A_546 : vector<16xf32> to vector<1x16xf32>
        tpu.vector_store %swap3A_550[%swap3A_551, %swap3A_552], %swap3A_555 {strides = array<i32>} : memref<128x128xf32, #tpu.memory_space<vmem>>, vector<1x16xf32>,
        %get3A_556 = arith.constant 0 : i32
        %get3A_557 = arith.constant 0 : i32
        %get3A_558 = tpu.memref_slice %arg6[%scan3A_373, %get3A_556, %get3A_557] : memref<4x128x128xf32, #tpu.memory_space<vmem>> -> memref<1x128x128xf32, #tpu.memory_space<vmem>>
        %get3A_559 = tpu.memref_squeeze %get3A_558 : memref<1x128x128xf32, #tpu.memory_space<vmem>> -> memref<128x128xf32, #tpu.memory_space<vmem>>
        %get3A_560 = arith.index_cast %scan3A_437 : i32 to index
        %get3A_561 = arith.constant 96 : index
        %get3A_562 = tpu.vector_load %get3A_559[%get3A_560, %get3A_561] {strides = array<i32>} : memref<128x128xf32, #tpu.memory_space<vmem>>, vector<1x16xf32>,
        %get3A_563 = vector.shape_cast %get3A_562 : vector<1x16xf32> to vector<16xf32>
        %mul3A_564 = arith.constant 11.3137083 : f32
        %mul3A_565 = vector.broadcast %mul3A_564 : f32 to vector<16xf32>
        %mul3A_566 = arith.mulf %get3A_563, %mul3A_565 : vector<16xf32>
        %swap3A_567 = arith.constant 0 : i32
        %swap3A_568 = arith.constant 0 : i32
        %swap3A_569 = tpu.memref_slice %arg6[%scan3A_373, %swap3A_567, %swap3A_568] : memref<4x128x128xf32, #tpu.memory_space<vmem>> -> memref<1x128x128xf32, #tpu.memory_space<vmem>>
        %swap3A_570 = tpu.memref_squeeze %swap3A_569 : memref<1x128x128xf32, #tpu.memory_space<vmem>> -> memref<128x128xf32, #tpu.memory_space<vmem>>
        %swap3A_571 = arith.index_cast %scan3A_437 : i32 to index
        %swap3A_572 = arith.constant 96 : index
        %swap3A_573 = tpu.vector_load %swap3A_570[%swap3A_571, %swap3A_572] {strides = array<i32>} : memref<128x128xf32, #tpu.memory_space<vmem>>, vector<1x16xf32>,
        %swap3A_574 = vector.shape_cast %swap3A_573 : vector<1x16xf32> to vector<16xf32>
        %swap3A_575 = vector.shape_cast %mul3A_566 : vector<16xf32> to vector<1x16xf32>
        tpu.vector_store %swap3A_570[%swap3A_571, %swap3A_572], %swap3A_575 {strides = array<i32>} : memref<128x128xf32, #tpu.memory_space<vmem>>, vector<1x16xf32>,
        %get3A_576 = arith.constant 0 : i32
        %get3A_577 = arith.constant 0 : i32
        %get3A_578 = tpu.memref_slice %arg6[%scan3A_373, %get3A_576, %get3A_577] : memref<4x128x128xf32, #tpu.memory_space<vmem>> -> memref<1x128x128xf32, #tpu.memory_space<vmem>>
        %get3A_579 = tpu.memref_squeeze %get3A_578 : memref<1x128x128xf32, #tpu.memory_space<vmem>> -> memref<128x128xf32, #tpu.memory_space<vmem>>
        %get3A_580 = arith.index_cast %scan3A_437 : i32 to index
        %get3A_581 = arith.constant 112 : index
        %get3A_582 = tpu.vector_load %get3A_579[%get3A_580, %get3A_581] {strides = array<i32>} : memref<128x128xf32, #tpu.memory_space<vmem>>, vector<1x16xf32>,
        %get3A_583 = vector.shape_cast %get3A_582 : vector<1x16xf32> to vector<16xf32>
        %mul3A_584 = arith.constant 11.3137083 : f32
        %mul3A_585 = vector.broadcast %mul3A_584 : f32 to vector<16xf32>
        %mul3A_586 = arith.mulf %get3A_583, %mul3A_585 : vector<16xf32>
        %swap3A_587 = arith.constant 0 : i32
        %swap3A_588 = arith.constant 0 : i32
        %swap3A_589 = tpu.memref_slice %arg6[%scan3A_373, %swap3A_587, %swap3A_588] : memref<4x128x128xf32, #tpu.memory_space<vmem>> -> memref<1x128x128xf32, #tpu.memory_space<vmem>>
        %swap3A_590 = tpu.memref_squeeze %swap3A_589 : memref<1x128x128xf32, #tpu.memory_space<vmem>> -> memref<128x128xf32, #tpu.memory_space<vmem>>
        %swap3A_591 = arith.index_cast %scan3A_437 : i32 to index
        %swap3A_592 = arith.constant 112 : index
        %swap3A_593 = tpu.vector_load %swap3A_590[%swap3A_591, %swap3A_592] {strides = array<i32>} : memref<128x128xf32, #tpu.memory_space<vmem>>, vector<1x16xf32>,
        %swap3A_594 = vector.shape_cast %swap3A_593 : vector<1x16xf32> to vector<16xf32>
        %swap3A_595 = vector.shape_cast %mul3A_586 : vector<16xf32> to vector<1x16xf32>
        tpu.vector_store %swap3A_590[%swap3A_591, %swap3A_592], %swap3A_595 {strides = array<i32>} : memref<128x128xf32, #tpu.memory_space<vmem>>, vector<1x16xf32>,
      }
      %scan3A_378 = arith.constant 64 : i32
      %dma_start3A_379 = arith.constant 3 : i32
      %dma_start3A_380 = arith.constant 3 : i32
      %dma_start3A_381 = arith.constant 0 : i32
      %dma_start3A_382 = arith.constant 0 : i32
      %dma_start3A_383 = tpu.memref_slice %arg6[%dma_start3A_379, %dma_start3A_381, %dma_start3A_382] : memref<4x128x128xf32, #tpu.memory_space<vmem>> -> memref<1x128x128xf32, #tpu.memory_space<vmem>>
      %dma_start3A_384 = tpu.memref_squeeze %dma_start3A_383 : memref<1x128x128xf32, #tpu.memory_space<vmem>> -> memref<128x128xf32, #tpu.memory_space<vmem>>
      %dma_start3A_385 = arith.constant 0 : i32
      %dma_start3A_386 = arith.constant 0 : i32
      %dma_start3A_387 = tpu.memref_slice %dma_start3A_384[%dma_start3A_385, %dma_start3A_386] : memref<128x128xf32, #tpu.memory_space<vmem>> -> memref<64x128xf32, #tpu.memory_space<vmem>>
      %dma_start3A_388 = arith.constant 0 : i32
      %dma_start3A_389 = tpu.memref_slice %arg4[%add3A_357, %dma_start3A_388] : memref<819200x128xf32, #tpu.memory_space<hbm>> -> memref<64x128xf32, #tpu.memory_space<hbm>>
      %dma_start3A_390 = tpu.memref_slice %arg8[%dma_start3A_380] : memref<4x!tpu.dma_semaphore, #tpu.memory_space<semaphore_mem>> -> memref<1x!tpu.dma_semaphore, #tpu.memory_space<semaphore_mem>>
      %dma_start3A_391 = tpu.memref_squeeze %dma_start3A_390 : memref<1x!tpu.dma_semaphore, #tpu.memory_space<semaphore_mem>> -> memref<!tpu.dma_semaphore, #tpu.memory_space<semaphore_mem>>
      %dma_start3A_392 = arith.constant 0 : i32
      %dma_start3A_393 = tpu.memref_slice %arg4[%add3A_357, %dma_start3A_392] : memref<819200x128xf32, #tpu.memory_space<hbm>> -> memref<64x128xf32, #tpu.memory_space<hbm>>
      %dma_start3A_394 = arith.constant 0 : i32
      %dma_start3A_395 = arith.constant 0 : i32
      %dma_start3A_396 = tpu.memref_slice %arg6[%dma_start3A_379, %dma_start3A_394, %dma_start3A_395] : memref<4x128x128xf32, #tpu.memory_space<vmem>> -> memref<1x128x128xf32, #tpu.memory_space<vmem>>
      %dma_start3A_397 = tpu.memref_squeeze %dma_start3A_396 : memref<1x128x128xf32, #tpu.memory_space<vmem>> -> memref<128x128xf32, #tpu.memory_space<vmem>>
      %dma_start3A_398 = arith.constant 0 : i32
      %dma_start3A_399 = arith.constant 0 : i32
      %dma_start3A_400 = tpu.memref_slice %dma_start3A_397[%dma_start3A_398, %dma_start3A_399] : memref<128x128xf32, #tpu.memory_space<vmem>> -> memref<64x128xf32, #tpu.memory_space<vmem>>
      tpu.enqueue_dma source(%dma_start3A_400 : memref<64x128xf32, #tpu.memory_space<vmem>>) target(%dma_start3A_393 : memref<64x128xf32, #tpu.memory_space<hbm>>) target_semaphore(%dma_start3A_391 : memref<!tpu.dma_semaphore, #tpu.memory_space<semaphore_mem>>)
      %scan3A_401 = arith.constant 0 : i32
      %scan3A_402 = arith.constant 3 : i32
      %scan3A_403 = arith.constant 64 : i32
      %scan3A_404 = arith.constant 64 : i32
      %scan3A_405 = arith.addi %scan3A_403, %scan3A_404 : i32
      %scan3A_406 = arith.constant 1 : i32
      scf.for %scan3A_437 = %scan3A_403 to %scan3A_405 step %scan3A_406  : i32 {
        %get3A = arith.constant 0 : i32
        %get3A_438 = arith.constant 0 : i32
        %get3A_439 = tpu.memref_slice %arg6[%scan3A_402, %get3A, %get3A_438] : memref<4x128x128xf32, #tpu.memory_space<vmem>> -> memref<1x128x128xf32, #tpu.memory_space<vmem>>
        %get3A_440 = tpu.memref_squeeze %get3A_439 : memref<1x128x128xf32, #tpu.memory_space<vmem>> -> memref<128x128xf32, #tpu.memory_space<vmem>>
        %get3A_441 = arith.index_cast %scan3A_437 : i32 to index
        %get3A_442 = arith.constant 0 : index
        %get3A_443 = tpu.vector_load %get3A_440[%get3A_441, %get3A_442] {strides = array<i32>} : memref<128x128xf32, #tpu.memory_space<vmem>>, vector<1x16xf32>,
        %get3A_444 = vector.shape_cast %get3A_443 : vector<1x16xf32> to vector<16xf32>
        %mul3A_445 = arith.constant 11.3137083 : f32
        %mul3A_446 = vector.broadcast %mul3A_445 : f32 to vector<16xf32>
        %mul3A_447 = arith.mulf %get3A_444, %mul3A_446 : vector<16xf32>
        %swap3A = arith.constant 0 : i32
        %swap3A_448 = arith.constant 0 : i32
        %swap3A_449 = tpu.memref_slice %arg6[%scan3A_402, %swap3A, %swap3A_448] : memref<4x128x128xf32, #tpu.memory_space<vmem>> -> memref<1x128x128xf32, #tpu.memory_space<vmem>>
        %swap3A_450 = tpu.memref_squeeze %swap3A_449 : memref<1x128x128xf32, #tpu.memory_space<vmem>> -> memref<128x128xf32, #tpu.memory_space<vmem>>
        %swap3A_451 = arith.index_cast %scan3A_437 : i32 to index
        %swap3A_452 = arith.constant 0 : index
        %swap3A_453 = tpu.vector_load %swap3A_450[%swap3A_451, %swap3A_452] {strides = array<i32>} : memref<128x128xf32, #tpu.memory_space<vmem>>, vector<1x16xf32>,
        %swap3A_454 = vector.shape_cast %swap3A_453 : vector<1x16xf32> to vector<16xf32>
        %swap3A_455 = vector.shape_cast %mul3A_447 : vector<16xf32> to vector<1x16xf32>
        tpu.vector_store %swap3A_450[%swap3A_451, %swap3A_452], %swap3A_455 {strides = array<i32>} : memref<128x128xf32, #tpu.memory_space<vmem>>, vector<1x16xf32>,
        %get3A_456 = arith.constant 0 : i32
        %get3A_457 = arith.constant 0 : i32
        %get3A_458 = tpu.memref_slice %arg6[%scan3A_402, %get3A_456, %get3A_457] : memref<4x128x128xf32, #tpu.memory_space<vmem>> -> memref<1x128x128xf32, #tpu.memory_space<vmem>>
        %get3A_459 = tpu.memref_squeeze %get3A_458 : memref<1x128x128xf32, #tpu.memory_space<vmem>> -> memref<128x128xf32, #tpu.memory_space<vmem>>
        %get3A_460 = arith.index_cast %scan3A_437 : i32 to index
        %get3A_461 = arith.constant 16 : index
        %get3A_462 = tpu.vector_load %get3A_459[%get3A_460, %get3A_461] {strides = array<i32>} : memref<128x128xf32, #tpu.memory_space<vmem>>, vector<1x16xf32>,
        %get3A_463 = vector.shape_cast %get3A_462 : vector<1x16xf32> to vector<16xf32>
        %mul3A_464 = arith.constant 11.3137083 : f32
        %mul3A_465 = vector.broadcast %mul3A_464 : f32 to vector<16xf32>
        %mul3A_466 = arith.mulf %get3A_463, %mul3A_465 : vector<16xf32>
        %swap3A_467 = arith.constant 0 : i32
        %swap3A_468 = arith.constant 0 : i32
        %swap3A_469 = tpu.memref_slice %arg6[%scan3A_402, %swap3A_467, %swap3A_468] : memref<4x128x128xf32, #tpu.memory_space<vmem>> -> memref<1x128x128xf32, #tpu.memory_space<vmem>>
        %swap3A_470 = tpu.memref_squeeze %swap3A_469 : memref<1x128x128xf32, #tpu.memory_space<vmem>> -> memref<128x128xf32, #tpu.memory_space<vmem>>
        %swap3A_471 = arith.index_cast %scan3A_437 : i32 to index
        %swap3A_472 = arith.constant 16 : index
        %swap3A_473 = tpu.vector_load %swap3A_470[%swap3A_471, %swap3A_472] {strides = array<i32>} : memref<128x128xf32, #tpu.memory_space<vmem>>, vector<1x16xf32>,
        %swap3A_474 = vector.shape_cast %swap3A_473 : vector<1x16xf32> to vector<16xf32>
        %swap3A_475 = vector.shape_cast %mul3A_466 : vector<16xf32> to vector<1x16xf32>
        tpu.vector_store %swap3A_470[%swap3A_471, %swap3A_472], %swap3A_475 {strides = array<i32>} : memref<128x128xf32, #tpu.memory_space<vmem>>, vector<1x16xf32>,
        %get3A_476 = arith.constant 0 : i32
        %get3A_477 = arith.constant 0 : i32
        %get3A_478 = tpu.memref_slice %arg6[%scan3A_402, %get3A_476, %get3A_477] : memref<4x128x128xf32, #tpu.memory_space<vmem>> -> memref<1x128x128xf32, #tpu.memory_space<vmem>>
        %get3A_479 = tpu.memref_squeeze %get3A_478 : memref<1x128x128xf32, #tpu.memory_space<vmem>> -> memref<128x128xf32, #tpu.memory_space<vmem>>
        %get3A_480 = arith.index_cast %scan3A_437 : i32 to index
        %get3A_481 = arith.constant 32 : index
        %get3A_482 = tpu.vector_load %get3A_479[%get3A_480, %get3A_481] {strides = array<i32>} : memref<128x128xf32, #tpu.memory_space<vmem>>, vector<1x16xf32>,
        %get3A_483 = vector.shape_cast %get3A_482 : vector<1x16xf32> to vector<16xf32>
        %mul3A_484 = arith.constant 11.3137083 : f32
        %mul3A_485 = vector.broadcast %mul3A_484 : f32 to vector<16xf32>
        %mul3A_486 = arith.mulf %get3A_483, %mul3A_485 : vector<16xf32>
        %swap3A_487 = arith.constant 0 : i32
        %swap3A_488 = arith.constant 0 : i32
        %swap3A_489 = tpu.memref_slice %arg6[%scan3A_402, %swap3A_487, %swap3A_488] : memref<4x128x128xf32, #tpu.memory_space<vmem>> -> memref<1x128x128xf32, #tpu.memory_space<vmem>>
        %swap3A_490 = tpu.memref_squeeze %swap3A_489 : memref<1x128x128xf32, #tpu.memory_space<vmem>> -> memref<128x128xf32, #tpu.memory_space<vmem>>
        %swap3A_491 = arith.index_cast %scan3A_437 : i32 to index
        %swap3A_492 = arith.constant 32 : index
        %swap3A_493 = tpu.vector_load %swap3A_490[%swap3A_491, %swap3A_492] {strides = array<i32>} : memref<128x128xf32, #tpu.memory_space<vmem>>, vector<1x16xf32>,
        %swap3A_494 = vector.shape_cast %swap3A_493 : vector<1x16xf32> to vector<16xf32>
        %swap3A_495 = vector.shape_cast %mul3A_486 : vector<16xf32> to vector<1x16xf32>
        tpu.vector_store %swap3A_490[%swap3A_491, %swap3A_492], %swap3A_495 {strides = array<i32>} : memref<128x128xf32, #tpu.memory_space<vmem>>, vector<1x16xf32>,
        %get3A_496 = arith.constant 0 : i32
        %get3A_497 = arith.constant 0 : i32
        %get3A_498 = tpu.memref_slice %arg6[%scan3A_402, %get3A_496, %get3A_497] : memref<4x128x128xf32, #tpu.memory_space<vmem>> -> memref<1x128x128xf32, #tpu.memory_space<vmem>>
        %get3A_499 = tpu.memref_squeeze %get3A_498 : memref<1x128x128xf32, #tpu.memory_space<vmem>> -> memref<128x128xf32, #tpu.memory_space<vmem>>
        %get3A_500 = arith.index_cast %scan3A_437 : i32 to index
        %get3A_501 = arith.constant 48 : index
        %get3A_502 = tpu.vector_load %get3A_499[%get3A_500, %get3A_501] {strides = array<i32>} : memref<128x128xf32, #tpu.memory_space<vmem>>, vector<1x16xf32>,
        %get3A_503 = vector.shape_cast %get3A_502 : vector<1x16xf32> to vector<16xf32>
        %mul3A_504 = arith.constant 11.3137083 : f32
        %mul3A_505 = vector.broadcast %mul3A_504 : f32 to vector<16xf32>
        %mul3A_506 = arith.mulf %get3A_503, %mul3A_505 : vector<16xf32>
        %swap3A_507 = arith.constant 0 : i32
        %swap3A_508 = arith.constant 0 : i32
        %swap3A_509 = tpu.memref_slice %arg6[%scan3A_402, %swap3A_507, %swap3A_508] : memref<4x128x128xf32, #tpu.memory_space<vmem>> -> memref<1x128x128xf32, #tpu.memory_space<vmem>>
        %swap3A_510 = tpu.memref_squeeze %swap3A_509 : memref<1x128x128xf32, #tpu.memory_space<vmem>> -> memref<128x128xf32, #tpu.memory_space<vmem>>
        %swap3A_511 = arith.index_cast %scan3A_437 : i32 to index
        %swap3A_512 = arith.constant 48 : index
        %swap3A_513 = tpu.vector_load %swap3A_510[%swap3A_511, %swap3A_512] {strides = array<i32>} : memref<128x128xf32, #tpu.memory_space<vmem>>, vector<1x16xf32>,
        %swap3A_514 = vector.shape_cast %swap3A_513 : vector<1x16xf32> to vector<16xf32>
        %swap3A_515 = vector.shape_cast %mul3A_506 : vector<16xf32> to vector<1x16xf32>
        tpu.vector_store %swap3A_510[%swap3A_511, %swap3A_512], %swap3A_515 {strides = array<i32>} : memref<128x128xf32, #tpu.memory_space<vmem>>, vector<1x16xf32>,
        %get3A_516 = arith.constant 0 : i32
        %get3A_517 = arith.constant 0 : i32
        %get3A_518 = tpu.memref_slice %arg6[%scan3A_402, %get3A_516, %get3A_517] : memref<4x128x128xf32, #tpu.memory_space<vmem>> -> memref<1x128x128xf32, #tpu.memory_space<vmem>>
        %get3A_519 = tpu.memref_squeeze %get3A_518 : memref<1x128x128xf32, #tpu.memory_space<vmem>> -> memref<128x128xf32, #tpu.memory_space<vmem>>
        %get3A_520 = arith.index_cast %scan3A_437 : i32 to index
        %get3A_521 = arith.constant 64 : index
        %get3A_522 = tpu.vector_load %get3A_519[%get3A_520, %get3A_521] {strides = array<i32>} : memref<128x128xf32, #tpu.memory_space<vmem>>, vector<1x16xf32>,
        %get3A_523 = vector.shape_cast %get3A_522 : vector<1x16xf32> to vector<16xf32>
        %mul3A_524 = arith.constant 11.3137083 : f32
        %mul3A_525 = vector.broadcast %mul3A_524 : f32 to vector<16xf32>
        %mul3A_526 = arith.mulf %get3A_523, %mul3A_525 : vector<16xf32>
        %swap3A_527 = arith.constant 0 : i32
        %swap3A_528 = arith.constant 0 : i32
        %swap3A_529 = tpu.memref_slice %arg6[%scan3A_402, %swap3A_527, %swap3A_528] : memref<4x128x128xf32, #tpu.memory_space<vmem>> -> memref<1x128x128xf32, #tpu.memory_space<vmem>>
        %swap3A_530 = tpu.memref_squeeze %swap3A_529 : memref<1x128x128xf32, #tpu.memory_space<vmem>> -> memref<128x128xf32, #tpu.memory_space<vmem>>
        %swap3A_531 = arith.index_cast %scan3A_437 : i32 to index
        %swap3A_532 = arith.constant 64 : index
        %swap3A_533 = tpu.vector_load %swap3A_530[%swap3A_531, %swap3A_532] {strides = array<i32>} : memref<128x128xf32, #tpu.memory_space<vmem>>, vector<1x16xf32>,
        %swap3A_534 = vector.shape_cast %swap3A_533 : vector<1x16xf32> to vector<16xf32>
        %swap3A_535 = vector.shape_cast %mul3A_526 : vector<16xf32> to vector<1x16xf32>
        tpu.vector_store %swap3A_530[%swap3A_531, %swap3A_532], %swap3A_535 {strides = array<i32>} : memref<128x128xf32, #tpu.memory_space<vmem>>, vector<1x16xf32>,
        %get3A_536 = arith.constant 0 : i32
        %get3A_537 = arith.constant 0 : i32
        %get3A_538 = tpu.memref_slice %arg6[%scan3A_402, %get3A_536, %get3A_537] : memref<4x128x128xf32, #tpu.memory_space<vmem>> -> memref<1x128x128xf32, #tpu.memory_space<vmem>>
        %get3A_539 = tpu.memref_squeeze %get3A_538 : memref<1x128x128xf32, #tpu.memory_space<vmem>> -> memref<128x128xf32, #tpu.memory_space<vmem>>
        %get3A_540 = arith.index_cast %scan3A_437 : i32 to index
        %get3A_541 = arith.constant 80 : index
        %get3A_542 = tpu.vector_load %get3A_539[%get3A_540, %get3A_541] {strides = array<i32>} : memref<128x128xf32, #tpu.memory_space<vmem>>, vector<1x16xf32>,
        %get3A_543 = vector.shape_cast %get3A_542 : vector<1x16xf32> to vector<16xf32>
        %mul3A_544 = arith.constant 11.3137083 : f32
        %mul3A_545 = vector.broadcast %mul3A_544 : f32 to vector<16xf32>
        %mul3A_546 = arith.mulf %get3A_543, %mul3A_545 : vector<16xf32>
        %swap3A_547 = arith.constant 0 : i32
        %swap3A_548 = arith.constant 0 : i32
        %swap3A_549 = tpu.memref_slice %arg6[%scan3A_402, %swap3A_547, %swap3A_548] : memref<4x128x128xf32, #tpu.memory_space<vmem>> -> memref<1x128x128xf32, #tpu.memory_space<vmem>>
        %swap3A_550 = tpu.memref_squeeze %swap3A_549 : memref<1x128x128xf32, #tpu.memory_space<vmem>> -> memref<128x128xf32, #tpu.memory_space<vmem>>
        %swap3A_551 = arith.index_cast %scan3A_437 : i32 to index
        %swap3A_552 = arith.constant 80 : index
        %swap3A_553 = tpu.vector_load %swap3A_550[%swap3A_551, %swap3A_552] {strides = array<i32>} : memref<128x128xf32, #tpu.memory_space<vmem>>, vector<1x16xf32>,
        %swap3A_554 = vector.shape_cast %swap3A_553 : vector<1x16xf32> to vector<16xf32>
        %swap3A_555 = vector.shape_cast %mul3A_546 : vector<16xf32> to vector<1x16xf32>
        tpu.vector_store %swap3A_550[%swap3A_551, %swap3A_552], %swap3A_555 {strides = array<i32>} : memref<128x128xf32, #tpu.memory_space<vmem>>, vector<1x16xf32>,
        %get3A_556 = arith.constant 0 : i32
        %get3A_557 = arith.constant 0 : i32
        %get3A_558 = tpu.memref_slice %arg6[%scan3A_402, %get3A_556, %get3A_557] : memref<4x128x128xf32, #tpu.memory_space<vmem>> -> memref<1x128x128xf32, #tpu.memory_space<vmem>>
        %get3A_559 = tpu.memref_squeeze %get3A_558 : memref<1x128x128xf32, #tpu.memory_space<vmem>> -> memref<128x128xf32, #tpu.memory_space<vmem>>
        %get3A_560 = arith.index_cast %scan3A_437 : i32 to index
        %get3A_561 = arith.constant 96 : index
        %get3A_562 = tpu.vector_load %get3A_559[%get3A_560, %get3A_561] {strides = array<i32>} : memref<128x128xf32, #tpu.memory_space<vmem>>, vector<1x16xf32>,
        %get3A_563 = vector.shape_cast %get3A_562 : vector<1x16xf32> to vector<16xf32>
        %mul3A_564 = arith.constant 11.3137083 : f32
        %mul3A_565 = vector.broadcast %mul3A_564 : f32 to vector<16xf32>
        %mul3A_566 = arith.mulf %get3A_563, %mul3A_565 : vector<16xf32>
        %swap3A_567 = arith.constant 0 : i32
        %swap3A_568 = arith.constant 0 : i32
        %swap3A_569 = tpu.memref_slice %arg6[%scan3A_402, %swap3A_567, %swap3A_568] : memref<4x128x128xf32, #tpu.memory_space<vmem>> -> memref<1x128x128xf32, #tpu.memory_space<vmem>>
        %swap3A_570 = tpu.memref_squeeze %swap3A_569 : memref<1x128x128xf32, #tpu.memory_space<vmem>> -> memref<128x128xf32, #tpu.memory_space<vmem>>
        %swap3A_571 = arith.index_cast %scan3A_437 : i32 to index
        %swap3A_572 = arith.constant 96 : index
        %swap3A_573 = tpu.vector_load %swap3A_570[%swap3A_571, %swap3A_572] {strides = array<i32>} : memref<128x128xf32, #tpu.memory_space<vmem>>, vector<1x16xf32>,
        %swap3A_574 = vector.shape_cast %swap3A_573 : vector<1x16xf32> to vector<16xf32>
        %swap3A_575 = vector.shape_cast %mul3A_566 : vector<16xf32> to vector<1x16xf32>
        tpu.vector_store %swap3A_570[%swap3A_571, %swap3A_572], %swap3A_575 {strides = array<i32>} : memref<128x128xf32, #tpu.memory_space<vmem>>, vector<1x16xf32>,
        %get3A_576 = arith.constant 0 : i32
        %get3A_577 = arith.constant 0 : i32
        %get3A_578 = tpu.memref_slice %arg6[%scan3A_402, %get3A_576, %get3A_577] : memref<4x128x128xf32, #tpu.memory_space<vmem>> -> memref<1x128x128xf32, #tpu.memory_space<vmem>>
        %get3A_579 = tpu.memref_squeeze %get3A_578 : memref<1x128x128xf32, #tpu.memory_space<vmem>> -> memref<128x128xf32, #tpu.memory_space<vmem>>
        %get3A_580 = arith.index_cast %scan3A_437 : i32 to index
        %get3A_581 = arith.constant 112 : index
        %get3A_582 = tpu.vector_load %get3A_579[%get3A_580, %get3A_581] {strides = array<i32>} : memref<128x128xf32, #tpu.memory_space<vmem>>, vector<1x16xf32>,
        %get3A_583 = vector.shape_cast %get3A_582 : vector<1x16xf32> to vector<16xf32>
        %mul3A_584 = arith.constant 11.3137083 : f32
        %mul3A_585 = vector.broadcast %mul3A_584 : f32 to vector<16xf32>
        %mul3A_586 = arith.mulf %get3A_583, %mul3A_585 : vector<16xf32>
        %swap3A_587 = arith.constant 0 : i32
        %swap3A_588 = arith.constant 0 : i32
        %swap3A_589 = tpu.memref_slice %arg6[%scan3A_402, %swap3A_587, %swap3A_588] : memref<4x128x128xf32, #tpu.memory_space<vmem>> -> memref<1x128x128xf32, #tpu.memory_space<vmem>>
        %swap3A_590 = tpu.memref_squeeze %swap3A_589 : memref<1x128x128xf32, #tpu.memory_space<vmem>> -> memref<128x128xf32, #tpu.memory_space<vmem>>
        %swap3A_591 = arith.index_cast %scan3A_437 : i32 to index
        %swap3A_592 = arith.constant 112 : index
        %swap3A_593 = tpu.vector_load %swap3A_590[%swap3A_591, %swap3A_592] {strides = array<i32>} : memref<128x128xf32, #tpu.memory_space<vmem>>, vector<1x16xf32>,
        %swap3A_594 = vector.shape_cast %swap3A_593 : vector<1x16xf32> to vector<16xf32>
        %swap3A_595 = vector.shape_cast %mul3A_586 : vector<16xf32> to vector<1x16xf32>
        tpu.vector_store %swap3A_590[%swap3A_591, %swap3A_592], %swap3A_595 {strides = array<i32>} : memref<128x128xf32, #tpu.memory_space<vmem>>, vector<1x16xf32>,
      }
      %scan3A_407 = arith.constant 64 : i32
      %add3A_408 = arith.constant 64 : i32
      %add3A_409 = arith.addi %add3A_357, %add3A_408 : i32
      %dma_start3A_410 = arith.constant 3 : i32
      %dma_start3A_411 = arith.constant 3 : i32
      %dma_start3A_412 = arith.constant 0 : i32
      %dma_start3A_413 = arith.constant 0 : i32
      %dma_start3A_414 = tpu.memref_slice %arg6[%dma_start3A_410, %dma_start3A_412, %dma_start3A_413] : memref<4x128x128xf32, #tpu.memory_space<vmem>> -> memref<1x128x128xf32, #tpu.memory_space<vmem>>
      %dma_start3A_415 = tpu.memref_squeeze %dma_start3A_414 : memref<1x128x128xf32, #tpu.memory_space<vmem>> -> memref<128x128xf32, #tpu.memory_space<vmem>>
      %dma_start3A_416 = arith.constant 64 : i32
      %dma_start3A_417 = arith.constant 0 : i32
      %dma_start3A_418 = tpu.memref_slice %dma_start3A_415[%dma_start3A_416, %dma_start3A_417] : memref<128x128xf32, #tpu.memory_space<vmem>> -> memref<64x128xf32, #tpu.memory_space<vmem>>
      %dma_start3A_419 = arith.constant 0 : i32
      %dma_start3A_420 = tpu.memref_slice %arg4[%add3A_409, %dma_start3A_419] : memref<819200x128xf32, #tpu.memory_space<hbm>> -> memref<64x128xf32, #tpu.memory_space<hbm>>
      %dma_start3A_421 = tpu.memref_slice %arg8[%dma_start3A_411] : memref<4x!tpu.dma_semaphore, #tpu.memory_space<semaphore_mem>> -> memref<1x!tpu.dma_semaphore, #tpu.memory_space<semaphore_mem>>
      %dma_start3A_422 = tpu.memref_squeeze %dma_start3A_421 : memref<1x!tpu.dma_semaphore, #tpu.memory_space<semaphore_mem>> -> memref<!tpu.dma_semaphore, #tpu.memory_space<semaphore_mem>>
      %dma_start3A_423 = arith.constant 0 : i32
      %dma_start3A_424 = tpu.memref_slice %arg4[%add3A_409, %dma_start3A_423] : memref<819200x128xf32, #tpu.memory_space<hbm>> -> memref<64x128xf32, #tpu.memory_space<hbm>>
      %dma_start3A_425 = arith.constant 0 : i32
      %dma_start3A_426 = arith.constant 0 : i32
      %dma_start3A_427 = tpu.memref_slice %arg6[%dma_start3A_410, %dma_start3A_425, %dma_start3A_426] : memref<4x128x128xf32, #tpu.memory_space<vmem>> -> memref<1x128x128xf32, #tpu.memory_space<vmem>>
      %dma_start3A_428 = tpu.memref_squeeze %dma_start3A_427 : memref<1x128x128xf32, #tpu.memory_space<vmem>> -> memref<128x128xf32, #tpu.memory_space<vmem>>
      %dma_start3A_429 = arith.constant 64 : i32
      %dma_start3A_430 = arith.constant 0 : i32
      %dma_start3A_431 = tpu.memref_slice %dma_start3A_428[%dma_start3A_429, %dma_start3A_430] : memref<128x128xf32, #tpu.memory_space<vmem>> -> memref<64x128xf32, #tpu.memory_space<vmem>>
      tpu.enqueue_dma source(%dma_start3A_431 : memref<64x128xf32, #tpu.memory_space<vmem>>) target(%dma_start3A_424 : memref<64x128xf32, #tpu.memory_space<hbm>>) target_semaphore(%dma_start3A_422 : memref<!tpu.dma_semaphore, #tpu.memory_space<semaphore_mem>>)
      %lt3A_432 = arith.constant 49 : i32
      %lt3A_433 = arith.cmpi slt, %scan3A_64, %lt3A_432 : i32
      %convert_element_type3A_434 = arith.extui %lt3A_433 : i1 to i32
      %cond3A_435 = arith.constant 0 : i32
      %cond3A_436 = arith.cmpi ne, %convert_element_type3A_434, %cond3A_435 : i32
      scf.if %cond3A_436 {
        %dma_wait3A_437 = arith.constant 1 : i32
        %dma_wait3A_438 = arith.constant 1 : i32
        %dma_wait3A_439 = arith.constant 0 : i32
        %dma_wait3A_440 = arith.constant 0 : i32
        %dma_wait3A_441 = tpu.memref_slice %arg6[%dma_wait3A_437, %dma_wait3A_439, %dma_wait3A_440] : memref<4x128x128xf32, #tpu.memory_space<vmem>> -> memref<1x128x128xf32, #tpu.memory_space<vmem>>
        %dma_wait3A_442 = tpu.memref_squeeze %dma_wait3A_441 : memref<1x128x128xf32, #tpu.memory_space<vmem>> -> memref<128x128xf32, #tpu.memory_space<vmem>>
        %dma_wait3A_443 = arith.constant 0 : i32
        %dma_wait3A_444 = tpu.memref_slice %arg4[%mul3A_2, %dma_wait3A_443] : memref<819200x128xf32, #tpu.memory_space<hbm>> -> memref<128x128xf32, #tpu.memory_space<hbm>>
        %dma_wait3A_445 = tpu.memref_slice %arg8[%dma_wait3A_438] : memref<4x!tpu.dma_semaphore, #tpu.memory_space<semaphore_mem>> -> memref<1x!tpu.dma_semaphore, #tpu.memory_space<semaphore_mem>>
        %dma_wait3A_446 = tpu.memref_squeeze %dma_wait3A_445 : memref<1x!tpu.dma_semaphore, #tpu.memory_space<semaphore_mem>> -> memref<!tpu.dma_semaphore, #tpu.memory_space<semaphore_mem>>
        %dma_wait3A_447 = arith.constant 0 : i32
        %dma_wait3A_448 = tpu.memref_slice %arg4[%mul3A_2, %dma_wait3A_447] : memref<819200x128xf32, #tpu.memory_space<hbm>> -> memref<128x128xf32, #tpu.memory_space<hbm>>
        %dma_wait3A_449 = arith.constant 0 : i32
        %dma_wait3A_450 = arith.constant 0 : i32
        %dma_wait3A_451 = tpu.memref_slice %arg6[%dma_wait3A_437, %dma_wait3A_449, %dma_wait3A_450] : memref<4x128x128xf32, #tpu.memory_space<vmem>> -> memref<1x128x128xf32, #tpu.memory_space<vmem>>
        %dma_wait3A_452 = tpu.memref_squeeze %dma_wait3A_451 : memref<1x128x128xf32, #tpu.memory_space<vmem>> -> memref<128x128xf32, #tpu.memory_space<vmem>>
        tpu.wait_dma2 semaphore(%dma_wait3A_446 : memref<!tpu.dma_semaphore, #tpu.memory_space<semaphore_mem>>) src(%dma_wait3A_452 : memref<128x128xf32, #tpu.memory_space<vmem>>) dst(%dma_wait3A_448 : memref<128x128xf32, #tpu.memory_space<hbm>>)
        %add3A_453 = arith.constant 2 : i32
        %add3A_454 = arith.addi %add3A_354, %add3A_453 : i32
        %mul3A_455 = arith.constant 128 : i32
        %mul3A_456 = arith.muli %add3A_454, %mul3A_455 : i32
        %dma_start3A_457 = arith.constant 1 : i32
        %dma_start3A_458 = arith.constant 1 : i32
        %dma_start3A_459 = arith.constant 0 : i32
        %dma_start3A_460 = arith.constant 0 : i32
        %dma_start3A_461 = tpu.memref_slice %arg6[%dma_start3A_457, %dma_start3A_459, %dma_start3A_460] : memref<4x128x128xf32, #tpu.memory_space<vmem>> -> memref<1x128x128xf32, #tpu.memory_space<vmem>>
        %dma_start3A_462 = tpu.memref_squeeze %dma_start3A_461 : memref<1x128x128xf32, #tpu.memory_space<vmem>> -> memref<128x128xf32, #tpu.memory_space<vmem>>
        %dma_start3A_463 = tpu.memref_slice %arg5[%mul3A_456] : memref<25600xi32, #tpu.memory_space<vmem>> -> memref<128xi32, #tpu.memory_space<vmem>>
        %dma_start3A_464 = arith.constant 0 : i32
        %dma_start3A_465 = arith.constant 0 : i32
        %dma_start3A_466 = tpu.memref_slice %arg3[%dma_start3A_464, %dma_start3A_465] : memref<100000x128xf32, #tpu.memory_space<hbm>> -> memref<100000x128xf32, #tpu.memory_space<hbm>>
        %dma_start3A_467 = tpu.memref_slice %arg7[%dma_start3A_458] : memref<4x!tpu.dma_semaphore, #tpu.memory_space<semaphore_mem>> -> memref<1x!tpu.dma_semaphore, #tpu.memory_space<semaphore_mem>>
        %dma_start3A_468 = tpu.memref_squeeze %dma_start3A_467 : memref<1x!tpu.dma_semaphore, #tpu.memory_space<semaphore_mem>> -> memref<!tpu.dma_semaphore, #tpu.memory_space<semaphore_mem>>
        tpu.enqueue_indirect_dma source(%dma_start3A_466 : memref<100000x128xf32, #tpu.memory_space<hbm>>) target(%dma_start3A_462 : memref<128x128xf32, #tpu.memory_space<vmem>>) offsets(%dma_start3A_463 : memref<128xi32, #tpu.memory_space<vmem>>) semaphore(%dma_start3A_468 : memref<!tpu.dma_semaphore, #tpu.memory_space<semaphore_mem>>)
      } else {
      }
    }
    %scan3A_32 = arith.constant 50 : i32
    %dma_wait3A = arith.constant 2 : i32
    %dma_wait3A_33 = arith.constant 2 : i32
    %dma_wait3A_34 = arith.constant 0 : i32
    %dma_wait3A_35 = arith.constant 0 : i32
    %dma_wait3A_36 = tpu.memref_slice %arg6[%dma_wait3A, %dma_wait3A_34, %dma_wait3A_35] : memref<4x128x128xf32, #tpu.memory_space<vmem>> -> memref<1x128x128xf32, #tpu.memory_space<vmem>>
    %dma_wait3A_37 = tpu.memref_squeeze %dma_wait3A_36 : memref<1x128x128xf32, #tpu.memory_space<vmem>> -> memref<128x128xf32, #tpu.memory_space<vmem>>
    %dma_wait3A_38 = arith.constant 0 : i32
    %dma_wait3A_39 = tpu.memref_slice %arg4[%mul3A_2, %dma_wait3A_38] : memref<819200x128xf32, #tpu.memory_space<hbm>> -> memref<128x128xf32, #tpu.memory_space<hbm>>
    %dma_wait3A_40 = tpu.memref_slice %arg8[%dma_wait3A_33] : memref<4x!tpu.dma_semaphore, #tpu.memory_space<semaphore_mem>> -> memref<1x!tpu.dma_semaphore, #tpu.memory_space<semaphore_mem>>
    %dma_wait3A_41 = tpu.memref_squeeze %dma_wait3A_40 : memref<1x!tpu.dma_semaphore, #tpu.memory_space<semaphore_mem>> -> memref<!tpu.dma_semaphore, #tpu.memory_space<semaphore_mem>>
    %dma_wait3A_42 = arith.constant 0 : i32
    %dma_wait3A_43 = tpu.memref_slice %arg4[%mul3A_2, %dma_wait3A_42] : memref<819200x128xf32, #tpu.memory_space<hbm>> -> memref<128x128xf32, #tpu.memory_space<hbm>>
    %dma_wait3A_44 = arith.constant 0 : i32
    %dma_wait3A_45 = arith.constant 0 : i32
    %dma_wait3A_46 = tpu.memref_slice %arg6[%dma_wait3A, %dma_wait3A_44, %dma_wait3A_45] : memref<4x128x128xf32, #tpu.memory_space<vmem>> -> memref<1x128x128xf32, #tpu.memory_space<vmem>>
    %dma_wait3A_47 = tpu.memref_squeeze %dma_wait3A_46 : memref<1x128x128xf32, #tpu.memory_space<vmem>> -> memref<128x128xf32, #tpu.memory_space<vmem>>
    tpu.wait_dma2 semaphore(%dma_wait3A_41 : memref<!tpu.dma_semaphore, #tpu.memory_space<semaphore_mem>>) src(%dma_wait3A_47 : memref<128x128xf32, #tpu.memory_space<vmem>>) dst(%dma_wait3A_43 : memref<128x128xf32, #tpu.memory_space<hbm>>)
    %dma_wait3A_48 = arith.constant 3 : i32
    %dma_wait3A_49 = arith.constant 3 : i32
    %dma_wait3A_50 = arith.constant 0 : i32
    %dma_wait3A_51 = arith.constant 0 : i32
    %dma_wait3A_52 = tpu.memref_slice %arg6[%dma_wait3A_48, %dma_wait3A_50, %dma_wait3A_51] : memref<4x128x128xf32, #tpu.memory_space<vmem>> -> memref<1x128x128xf32, #tpu.memory_space<vmem>>
    %dma_wait3A_53 = tpu.memref_squeeze %dma_wait3A_52 : memref<1x128x128xf32, #tpu.memory_space<vmem>> -> memref<128x128xf32, #tpu.memory_space<vmem>>
    %dma_wait3A_54 = arith.constant 0 : i32
    %dma_wait3A_55 = tpu.memref_slice %arg4[%mul3A_2, %dma_wait3A_54] : memref<819200x128xf32, #tpu.memory_space<hbm>> -> memref<128x128xf32, #tpu.memory_space<hbm>>
    %dma_wait3A_56 = tpu.memref_slice %arg8[%dma_wait3A_49] : memref<4x!tpu.dma_semaphore, #tpu.memory_space<semaphore_mem>> -> memref<1x!tpu.dma_semaphore, #tpu.memory_space<semaphore_mem>>
    %dma_wait3A_57 = tpu.memref_squeeze %dma_wait3A_56 : memref<1x!tpu.dma_semaphore, #tpu.memory_space<semaphore_mem>> -> memref<!tpu.dma_semaphore, #tpu.memory_space<semaphore_mem>>
    %dma_wait3A_58 = arith.constant 0 : i32
    %dma_wait3A_59 = tpu.memref_slice %arg4[%mul3A_2, %dma_wait3A_58] : memref<819200x128xf32, #tpu.memory_space<hbm>> -> memref<128x128xf32, #tpu.memory_space<hbm>>
    %dma_wait3A_60 = arith.constant 0 : i32
    %dma_wait3A_61 = arith.constant 0 : i32
    %dma_wait3A_62 = tpu.memref_slice %arg6[%dma_wait3A_48, %dma_wait3A_60, %dma_wait3A_61] : memref<4x128x128xf32, #tpu.memory_space<vmem>> -> memref<1x128x128xf32, #tpu.memory_space<vmem>>
    %dma_wait3A_63 = tpu.memref_squeeze %dma_wait3A_62 : memref<1x128x128xf32, #tpu.memory_space<vmem>> -> memref<128x128xf32, #tpu.memory_space<vmem>>
    tpu.wait_dma2 semaphore(%dma_wait3A_57 : memref<!tpu.dma_semaphore, #tpu.memory_space<semaphore_mem>>) src(%dma_wait3A_63 : memref<128x128xf32, #tpu.memory_space<vmem>>) dst(%dma_wait3A_59 : memref<128x128xf32, #tpu.memory_space<hbm>>)
    return
  }
}

</mosaic_0001>

<sc_bundles>
// kernel: kernel.3.cloned.1.call-start
scs
__scs_entry_jumppad:
0x0: {  	(pc) =	sbr.rel $0x88, $3  }
0x1: {  	(tag) =	ssettag $0x0;
	lr =	simm.s32 $0x1  }
0x2: {  	[smem:$0x3F9F] =	sst lr;
	_ =	strace $0xD0000000  }
0x3: {  	_ = 	snop  }
0x4: {  	_ = 	snop  }
0x5: {  	_ = 	snop  }
0x6: {  	_ = 	snop  }
0x7: {  	_ = 	snop  }
__scs_overlays_trampoline_lowered:
0x8: {  	[smem:$0x3FAE] =	sst s0  }
0x9: {  	[smem:$0x3FAF] =	sst s1  }
0xa: {  	[smem:$0x3FB0] =	sst s2  }
0xb: {  	[smem:$0x3FB1] =	sst s3  }
0xc: {  	[smem:$0x3FB2] =	sst s4  }
0xd: {  	[smem:$0x3FB3] =	sst s5  }
0xe: {  	[smem:$0x3FB4] =	sst s6  }
0xf: {  	[smem:$0x3FB5] =	sst s7  }
0x10: {  	[smem:$0x3FB6] =	sst s8  }
0x11: {  	[smem:$0x3FB7] =	sst s9;
	s0 =	simm.s32 @!p0 $0x0  }
0x12: {  	s1 =	sld [smem:$0x3F9D];
	s0 =	simm.s32 @p0 $0x1  }
0x13: {  	[smem:$0x3FB8] =	sst s0;
	s0 =	simm.s32 @!p1 $0x0  }
0x14: {  	s2 =	sld [smem:$0x3F9C];
	s0 =	simm.s32 @p1 $0x1  }
0x15: {  	[smem:$0x3FB9] =	sst s0;
	s0 =	simm.s32 @!p2 $0x0  }
0x16: {  	s3 =	sld [smem:$0x3FDB];
	s0 =	simm.s32 @p2 $0x1  }
0x17: {  	s4 =	simm.s32 $0x1BF5;
	[smem:$0x3FBB] =	sst s0  }
0x18: {  	s0 =	sld [smem:$0x3F9E];
	_ =	swait.ge [sflag:s4], $0x0  }
0x19: {  	s7 =	sld [smem:$0x3F9F]  }
0x1a: {  	s8 =	sadd.s32 $0xFFFFE003, lr  }
0x1b: {  	s9 =	sadd.s32 $0xFFFFFEF7, lr;
	s5 =	simm.s32 $0xFFFFFFFF;
	p2 =	slt.u32 s8, $0xFFFFF086  }
0x1c: {  	p1 =	slt.u32 s9, $0xF7A;
	s5 =	simm.s32 @!p2 $0x0  }
0x1d: {  	s5 =	simm.s32 @p1 $0x1;
	p0 =	seq.s32 s7, s2  }
0x1e: {  	s7 =	smul.u32 @!p0 $0xF7A, s2;
	p2 =	seq.s32 @!p0 s5, $0x0  }
0x1f: {  	s9 =	smul.u32 $0xF7A, s1;
	s8 =	simm.s32 @!p0 $0x1BF5;
	p2 =	por !p2, p0  }
0x20: {  	[sflag:s8] =	ssyncset.s32 @!p0 $0xFFFFF086;
	s6 =	sadd.s32 @!p0 s3, s7;
	s7 =	simm.s32 @!p0 $0x108  }
0x21: {  	s3 =	sadd.s32 s3, s9;
	s6 =	sadd.s32 @!p0 $0x88, s6;
	s7 =	simm.s32 @p2 $0x1082  }
0x22: {  	[simem:s7], [sflag:s8] =	dma.local @!p0 [hbm:s6], $0xF7A  }
0x23: {  	s9 =	sor.u32 $0xD0000000, s2;
	s6 =	simm.s32 $0x108;
	_ =	swait.ge @!p0 [sflag:s8], $0x0  }
0x24: {  	s3 =	sadd.s32 $0x88, s3;
	s6 =	simm.s32 @!p1 $0x1082;
	[sflag:s4] =	ssyncset.s32 $0xFFFFF086  }
0x25: {  	[simem:s6], [sflag:s4] =	dma.local [hbm:s3], $0xF7A  }
0x26: {  	[smem:$0x3F9F] =	sst s1;
	(tag) =	ssettag s2;
	_ =	strace s9  }
0x27: {  	s1 =	sld [smem:$0x3FAF]  }
0x28: {  	s2 =	sld [smem:$0x3FB0]  }
0x29: {  	s4 =	sld [smem:$0x3FB2]  }
0x2a: {  	p0 =	seq.s32 s5, $0x0;
	s5 =	sld [smem:$0x3FB3]  }
0x2b: {  	s6 =	sld [smem:$0x3FB4]  }
0x2c: {  	s7 =	sld [smem:$0x3FB5]  }
0x2d: {  	s3 =	simm.s32 $0x108;
	s8 =	sld [smem:$0x3FB6]  }
0x2e: {  	s3 =	simm.s32 @!p0 $0x1082;
	s9 =	sld [smem:$0x3FB7]  }
0x2f: {  	lr =	sadd.s32 s0, s3;
	s0 =	sld [smem:$0x3FAE]  }
0x30: {  	s3 =	sld [smem:$0x3FB1]  }
0x31: {  	[smem:$0x3FBA] =	sst s10  }
0x32: {  	s10 =	sld [smem:$0x3FB8];
	_ =	sdelay $0x3  }
0x33: {  	p0 =	seq.s32 s10, $0x1;
	s10 =	sld [smem:$0x3FBA];
	_ =	sdelay $0x3  }
0x34: {  	[smem:$0x3FBA] =	sst s10  }
0x35: {  	s10 =	sld [smem:$0x3FB9];
	_ =	sdelay $0x3  }
0x36: {  	p1 =	seq.s32 s10, $0x1;
	s10 =	sld [smem:$0x3FBA];
	_ =	sdelay $0x3  }
0x37: {  	[smem:$0x3FBA] =	sst s10  }
0x38: {  	s10 =	sld [smem:$0x3FBB]  }
0x39: {  	_ = 	snop;
	(pc) =	sbr.ind lr, $3  }
0x3a: {  	_ = 	snop  }
0x3b: {  	_ = 	snop  }
0x3c: {  	p2 =	seq.s32 s10, $0x1;
	s10 =	sld [smem:$0x3FBA]  }
0x3d: {  	_ =	shalt  }
0x3e: {  	_ =	shalt  }
0x3f: {  	_ =	shalt  }
0x40: {  	_ =	shalt  }
0x41: {  	_ =	shalt  }
0x42: {  	_ =	shalt  }
0x43: {  	_ =	shalt  }
0x44: {  	_ =	shalt  }
0x45: {  	_ =	shalt  }
0x46: {  	_ =	shalt  }
0x47: {  	_ =	shalt  }
0x48: {  	_ =	shalt  }
0x49: {  	_ =	shalt  }
0x4a: {  	_ =	shalt  }
0x4b: {  	_ =	shalt  }
0x4c: {  	_ =	shalt  }
0x4d: {  	_ =	shalt  }
0x4e: {  	_ =	shalt  }
0x4f: {  	_ =	shalt  }
0x50: {  	_ =	shalt  }
0x51: {  	_ =	shalt  }
0x52: {  	_ =	shalt  }
0x53: {  	_ =	shalt  }
0x54: {  	_ =	shalt  }
0x55: {  	_ =	shalt  }
0x56: {  	_ =	shalt  }
0x57: {  	_ =	shalt  }
0x58: {  	_ =	shalt  }
0x59: {  	_ =	shalt  }
0x5a: {  	_ =	shalt  }
0x5b: {  	_ =	shalt  }
0x5c: {  	_ =	shalt  }
0x5d: {  	_ =	shalt  }
0x5e: {  	_ =	shalt  }
0x5f: {  	_ =	shalt  }
0x60: {  	_ =	shalt  }
0x61: {  	_ =	shalt  }
0x62: {  	_ =	shalt  }
0x63: {  	_ =	shalt  }
0x64: {  	_ =	shalt  }
0x65: {  	_ =	shalt  }
0x66: {  	_ =	shalt  }
0x67: {  	_ =	shalt  }
0x68: {  	_ =	shalt  }
0x69: {  	_ =	shalt  }
0x6a: {  	_ =	shalt  }
0x6b: {  	_ =	shalt  }
0x6c: {  	_ =	shalt  }
0x6d: {  	_ =	shalt  }
0x6e: {  	_ =	shalt  }
0x6f: {  	_ =	shalt  }
0x70: {  	_ =	shalt  }
0x71: {  	_ =	shalt  }
0x72: {  	_ =	shalt  }
0x73: {  	_ =	shalt  }
0x74: {  	_ =	shalt  }
0x75: {  	_ =	shalt  }
0x76: {  	_ =	shalt  }
0x77: {  	_ =	shalt  }
0x78: {  	_ =	shalt  }
0x79: {  	_ =	shalt  }
0x7a: {  	_ =	shalt  }
0x7b: {  	_ =	shalt  }
0x7c: {  	_ =	shalt  }
0x7d: {  	_ =	shalt  }
0x7e: {  	_ =	shalt  }
0x7f: {  	_ =	shalt  }
0x80: {  	_ =	shalt  }
0x81: {  	_ =	shalt  }
0x82: {  	_ =	shalt  }
0x83: {  	_ =	shalt  }
0x84: {  	_ =	shalt  }
0x85: {  	_ =	shalt  }
0x86: {  	_ =	shalt  }
0x87: {  	_ =	shalt  }
.Lfunc_end0:
.L_simem_size_0:
called_computation_lowered:
.L_overlay_start_0:
0x88: {  	s2 =	sld [smem:$0x3FD9]  }
0x89: {  	s3 =	sld [smem:$0x3FFE];
	_ =	sdelay $0x1  }
0x8a: {  	s1 =	srdreg.scid  }
0x8b: {  	s0 =	sand.u32 $0x1, s1  }
0x8c: {  	s17 =	sshll.u32 s0, $0xA;
	s2 =	sadd.s32 s3, s2  }
0x8d: {  	s2 =	sadd.s32 s2, s17  }
0x8e: {  	[smem:$0x3FC6] =	sst s2  }
0x8f: {  	_ = 	snop  }
0x90: {  	s2 =	sld [smem:$0x3FC8]  }
0x91: {  	s18 =	sld [smem:$0x3FD0];
	(tm) =	ssettm $0x1  }
0x92: {  	s4 =	sld [smem:$0x3FFB];
	_ =	sdelay $0x3  }
0x93: {  	_ =	strace s4  }
0x94: {  	s4 =	sld [smem:$0x3FFC];
	_ =	sdelay $0x3  }
0x95: {  	_ =	strace s4  }
0x96: {  	s4 =	sld [smem:$0x3FFD];
	_ =	sdelay $0x3  }
0x97: {  	_ =	strace s4  }
0x98: {  	_ =	strace $0x8FFFFFFF  }
0x99: {  	s19 =	sld [smem:$0x3FDB];
	_ =	sdelay $0x1  }
0x9a: {  	s5 =	simm.s32 $_scs_section_size  }
0x9b: {  	s6 =	simm.s32 $_size__tile_overlayer_lowered;
	s7 =	simm.s32 $_tile_overlayer_lowered  }
0x9c: {  	s22 =	simm.s32 $0x1BFF;
	s21 =	sshll.u32 s7, $0x1;
	s4 =	sadd.s32 s5, s19  }
0x9d: {  	s8 =	simm.s32 $0x0;
	s20 =	sshll.u32 s6, $0x1;
	s6 =	sadd.s32 s21, s4  }
0x9e: {  	[timem:s8], [sflag:s22] =	dma.local [hbm:s6], s20  }
0x9f: {  	_ =	swait.ge [sflag:s22], s20  }
0xa0: {  	s5 =	ssub.s32 $0x0, s20;
	[sflag:s22] =	ssyncset.done $0x0  }
0xa1: {  	[sflag:s22] =	ssyncadd.s32 s5;
	_ =	sdelay $0x1  }
0xa2: {  	s23 =	simm.s32 $0x1B8B  }
0xa3: {  	_ =	swait.ge [sflag:s23], $0x1  }
0xa4: {  	[sflag:s23] =	ssyncset.done $0x0  }
0xa5: {  	s25 =	simm.s32 $0x1B8E;
	s24 =	sld [smem:$0x3FFE];
	[sflag:s23] =	ssyncadd.s32 $0xFFFFFFFF  }
0xa6: {  	s26 =	simm.s32 $execute0_lowered;
	[smem:$0x3FD2] =	sst s25  }
0xa7: {  	s6 =	sshll.u32 s26, $0x1;
	_ =	strace $0x80000046;
	[dreg:$0x1] =	wrdreg $0xFFFFFFFF  }
0xa8: {  	s28 =	simm.s32 $_size_execute0_lowered;
	s4 =	sadd.s32 s4, s6;
	[dreg:$0x0] =	wrdreg $0x0  }
0xa9: {  	s6 =	sshll.u32 s28, $0x1;
	[dreg:$0x2] =	wrdreg s4  }
0xaa: {  	[dreg:$0x3] =	wrdreg s6  }
0xab: {  	[dreg:$0x4] =	wrdreg $0xC0  }
0xac: {  	_ =	task [dreg:s8], $0x5FFFF  }
0xad: {  	[dreg:$0x1] =	wrdreg $0xFFFFFFFF  }
0xae: {  	[dreg:$0x0] =	wrdreg $0x60  }
0xaf: {  	[dreg:$0x2] =	wrdreg s24  }
0xb0: {  	[dreg:$0x3] =	wrdreg s2  }
0xb1: {  	[dreg:$0x4] =	wrdreg s18  }
0xb2: {  	[dreg:$0x5] =	wrdreg $0x9  }
0xb3: {  	_ =	task.clear_ibuf [dreg:s8], $0x6FFFF;
	_ =	strace $0x90000046  }
0xb4: {  	s29 =	simm.s32 $0x9;
	_ =	strace $0x80000048  }
0xb5: {  	_ =	swait.ge [sflag:s29], $0x1  }
0xb6: {  	[sflag:s29] =	ssyncadd.s32 $0xFFFFFFFF  }
0xb7: {  	_ =	strace $0x90000048  }
0xb8: {  	_ =	sfence  }
0xb9: {  	s30 =	sld [smem:$0x0];
	_ =	sdelay $0x2  }
0xba: {  	s31 =	sshll.u32 s1, $0xD;
	s1 =	sshrl.u32 s1, $0x2  }
0xbb: {  	s3 =	sand.u32 $0x4000, s31;
	s1 =	sadd.s32 s1, s30  }
0xbc: {  	s0 =	sor.u32 s3, s0;
	s1 =	sshll.u32 s1, $0x11  }
0xbd: {  	s0 =	sor.u32 s1, s0  }
0xbe: {  	s0 =	sadd.s32 $0x8F2B, s0  }
0xbf: {  	[sflag:s0] =	ssyncadd.remote.s32 $0x1  }
0xc0: {  	_ =	sfence.sel $0xFFFF  }
0xc1: {  	[dreg:$0x0] =	wrdreg $0xFFFFFFFF;
	(pc) =	sbr.abs _section_cstart, $3  }
0xc2: {  	[dreg:$0x1] =	wrdreg $0xFFFFFFFF  }
0xc3: {  	_ =	task.clear_ibuf [dreg:s8], $0x2FFFF;
	_ =	strace $0x9FFFFFFF  }
0xc4: {  	(tm) =	ssettm $0x7FFFFFFF  }
0xc5: {  	_ =	shalt  }
tec
execute0_lowered:
.L_overlay_start_1:
0x0: {  	(tag) =	ssettag $0x1  }
0x1: {  	s0 =	srdreg.scid  }
0x2: {  	s2 =	stileid.u32;
	s1 =	rddreg [dreg:$0x0]  }
0x3: {  	s5 =	simm.s32 $0x0;
	s10 =	simm.s32 $0x9;
	s11 =	simm.s32 $0x80  }
0x4: {  	s12 =	simm.s32 $0x6400;
	s13 =	simm.s32 $0xA400;
	s14 =	simm.s32 $0x1  }
0x5: {  	s15 =	simm.s32 $0x8400;
	s16 =	simm.s32 $0xE400;
	s17 =	simm.s32 $0x2  }
0x6: {  	s18 =	simm.s32 $0xC400;
	s19 =	simm.s32 $0x12400;
	s20 =	simm.s32 $0x3  }
0x7: {  	s21 =	simm.s32 $0x10400;
	s22 =	simm.s32 $0x4;
	s23 =	simm.s32 $0x14400  }
0x8: {  	s24 =	simm.s32 $0x7;
	s0 =	sand.u32 $0x1, s0;
	s3 =	sshll.u32 s2, $0x1  }
0x9: {  	s25 =	simm.s32 $0x8;
	s26 =	simm.s32 $0x6;
	s4 =	sor.u32 s0, s3  }
0xa: {  	s28 =	simm.s32 $0x0;
	s0 =	ssub.s32 $0x2, s0;
	s4 =	smul.u32 $0x6400, s4  }
.Ltmp0:
0xb: {  	s2 =	rddreg [dreg:$0x1];
	s31 =	sshrl.u32 s0, $0x1;
	(pc) =	sbr.rel .LBB2_1-.Ltmp0, $4  }
0xc: {  	[smem:$0x7FF] =	sst s5;
	s0 =	ssub.s32 s0, s31;
	s6 =	sshrl.u32 s4, $0x3  }
0xd: {  	s3 =	rddreg [dreg:$0x2];
	s0 =	smax.u32 s0, $0x1;
	s1 =	sadd.s32 s6, s1  }
0xe: {  	_ =	strace $0x80000047;
	[dreg:$0x5] =	wrdreg s0;
	s1 =	sadd.s32 $0x400, s1  }
0xf: {  	s7 =	sadd.s32 $0x400, s3;
	s8 =	sor.u32 $0x80, s4;
	[dreg:$0x4] =	wrdreg s1  }
.LBB2_20:
0x10: {  	_ =	swait.ge [sflag:s24], $0x4000  }
0x11: {  	[sflag:s24] =	ssyncset.done $0x0  }
0x12: {  	[sflag:s24] =	ssyncadd.s32 $0xFFFFC000  }
0x13: {  	_ =	swait.ge [sflag:s25], $0x4000  }
0x14: {  	s28 =	sadd.s32 $0x1, s28;
	s0 =	rddreg [dreg:$0x5]  }
0x15: {  	p0 =	sne.s32 s28, s0  }
.Ltmp1:
0x16: {  	_ = 	snop;
	(pc) =	sbr.rel @!p0 .LBB2_21-.Ltmp1, $3  }
0x17: {  	_ =	sdelay $0x1  }
0x18: {  	[sflag:s25] =	ssyncset.done $0x0  }
0x19: {  	[sflag:s25] =	ssyncadd.s32 $0xFFFFC000  }
.LBB2_1:
0x1a: {  	s0 =	rddreg [dreg:$0x4]  }
0x1b: {  	[tilespmem:s5], [sflag:$0x9] =	stream.linear.gather [hbm4b:s0+s5], $0x6400, $0x38;
	[tilespmem:$0x16400] =	vst v63  }
0x1c: {  	_ =	swait.ge [sflag:s10], $0x6400  }
0x1d: {  	[sflag:s10] =	ssyncset.done $0x0  }
0x1e: {  	[sflag:s10] =	ssyncadd.s32 $0xFFFF9C00  }
0x1f: {  	[tilespmem:s12], [sflag:$0x1] =	stream.indirect.gather [hbm4b:s2+s11], $0x80, s5, s11, $0xb8;
	[tilespmem:$0x16400] =	vst v63  }
0x20: {  	s29 =	simm.s32 $0x0  }
0x21: {  	[tilespmem:s13], [sflag:$0x2] =	stream.indirect.gather [hbm4b:s2+s11], $0x80, s11, s11, $0xb8;
	[tilespmem:$0x16400] =	vst v63  }
.LBB2_2:
0x22: {  	_ =	swait.ge [sflag:s14], $0x4000  }
0x23: {  	[sflag:s14] =	ssyncset.done $0x0  }
0x24: {  	s31 =	simm.s32 $0x0;
	[sflag:s14] =	ssyncadd.s32 $0xFFFFC000  }
0x25: {  	v3 =	vld [tilespmem:s31+$0x6400]  }
0x26: {  	v5 =	vld [tilespmem:s31+$0x6410]  }
0x27: {  	v4 =	vld [tilespmem:s31+$0x6420]  }
0x28: {  	v2 =	vld [tilespmem:s31+$0x6430]  }
0x29: {  	v0 =	vld [tilespmem:s31+$0x6440]  }
0x2a: {  	v1 =	vld [tilespmem:s31+$0x6450];
	v6 =	vmul.f32 $1.131370830e+01, v3  }
0x2b: {  	s0 =	simm.s32 $0x200;
	v5 =	vmul.f32 $1.131370830e+01, v5;
	v3 =	vld [tilespmem:s31+$0x6460]  }
.LBB2_3:
0x2c: {  	s1 =	sshra.s32 s0, $0x2;
	p0 =	sne.s32 s0, $0x7E00;
	[tilespmem:s31+$0x6400] =	vst v6;
	v4 =	vmul.f32 $1.131370830e+01, v4;
	v6 =	vld [tilespmem:s31+$0x6470]  }
0x2d: {  	v7 =	vld [tilespmem:s1+$0x6400];
	[tilespmem:s31+$0x6410] =	vst v5;
	v2 =	vmul.f32 $1.131370830e+01, v2  }
0x2e: {  	v5 =	vld [tilespmem:s1+$0x6410];
	[tilespmem:s31+$0x6420] =	vst v4;
	v0 =	vmul.f32 $1.131370830e+01, v0  }
.Ltmp2:
0x2f: {  	v4 =	vld [tilespmem:s1+$0x6420];
	[tilespmem:s31+$0x6430] =	vst v2;
	v1 =	vmul.f32 $1.131370830e+01, v1;
	(pc) =	sbr.rel @p0 .LBB2_3-.Ltmp2, $4  }
0x30: {  	v2 =	vld [tilespmem:s1+$0x6430];
	[tilespmem:s31+$0x6440] =	vst v0;
	v3 =	vmul.f32 $1.131370830e+01, v3  }
0x31: {  	v0 =	vld [tilespmem:s1+$0x6440];
	[tilespmem:s31+$0x6450] =	vst v1;
	v8 =	vmul.f32 $1.131370830e+01, v6  }
0x32: {  	v6 =	vmul.f32 $1.131370830e+01, v7;
	v1 =	vld [tilespmem:s1+$0x6450];
	[tilespmem:s31+$0x6460] =	vst v3  }
0x33: {  	s0 =	sadd.s32 $0x200, s0;
	v5 =	vmul.f32 $1.131370830e+01, v5;
	v3 =	vld [tilespmem:s1+$0x6460];
	[tilespmem:s31+$0x6470] =	vst v8;
	s31 =	smov.u32 s1  }
0x34: {  	[tilespmem:s31+$0x6400] =	vst v6;
	v4 =	vmul.f32 $1.131370830e+01, v4;
	v6 =	vld [tilespmem:s31+$0x6470]  }
0x35: {  	[tilespmem:s31+$0x6410] =	vst v5;
	v2 =	vmul.f32 $1.131370830e+01, v2  }
0x36: {  	[tilespmem:s31+$0x6420] =	vst v4;
	v0 =	vmul.f32 $1.131370830e+01, v0  }
0x37: {  	[tilespmem:s31+$0x6430] =	vst v2;
	v1 =	vmul.f32 $1.131370830e+01, v1  }
0x38: {  	s30 =	sshll.u32 s29, $0x9;
	[tilespmem:s31+$0x6440] =	vst v0;
	v0 =	vmul.f32 $1.131370830e+01, v3  }
0x39: {  	s0 =	sadd.s32 s4, s30;
	[tilespmem:s31+$0x6450] =	vst v1;
	v1 =	vmul.f32 $1.131370830e+01, v6  }
0x3a: {  	s1 =	sshll.u32 s0, $0x4;
	[tilespmem:s31+$0x6460] =	vst v0  }
0x3b: {  	s6 =	simm.s32 $0x0;
	s0 =	sadd.s32 s3, s1;
	[tilespmem:s31+$0x6470] =	vst v1  }
0x3c: {  	[hbm4b:s0+s6] =	stream.linear.scatter [tilespmem:s12], [sflag:$0x5], $0x2000, $0x38;
	[tilespmem:$0x16400] =	vst v63  }
0x3d: {  	s0 =	simm.s32 $0x0  }
0x3e: {  	v3 =	vld [tilespmem:s0+$0x8400]  }
0x3f: {  	v5 =	vld [tilespmem:s0+$0x8410]  }
0x40: {  	v4 =	vld [tilespmem:s0+$0x8420]  }
0x41: {  	v2 =	vld [tilespmem:s0+$0x8430]  }
0x42: {  	v0 =	vld [tilespmem:s0+$0x8440]  }
0x43: {  	v1 =	vld [tilespmem:s0+$0x8450];
	v6 =	vmul.f32 $1.131370830e+01, v3  }
0x44: {  	s31 =	simm.s32 $0x200;
	v5 =	vmul.f32 $1.131370830e+01, v5;
	v3 =	vld [tilespmem:s0+$0x8460]  }
.LBB2_5:
0x45: {  	s6 =	sshra.s32 s31, $0x2;
	p0 =	sne.s32 s31, $0x7E00;
	[tilespmem:s0+$0x8400] =	vst v6;
	v4 =	vmul.f32 $1.131370830e+01, v4;
	v6 =	vld [tilespmem:s0+$0x8470]  }
0x46: {  	v7 =	vld [tilespmem:s6+$0x8400];
	[tilespmem:s0+$0x8410] =	vst v5;
	v2 =	vmul.f32 $1.131370830e+01, v2  }
0x47: {  	v5 =	vld [tilespmem:s6+$0x8410];
	[tilespmem:s0+$0x8420] =	vst v4;
	v0 =	vmul.f32 $1.131370830e+01, v0  }
.Ltmp3:
0x48: {  	v4 =	vld [tilespmem:s6+$0x8420];
	[tilespmem:s0+$0x8430] =	vst v2;
	v1 =	vmul.f32 $1.131370830e+01, v1;
	(pc) =	sbr.rel @p0 .LBB2_5-.Ltmp3, $4  }
0x49: {  	v2 =	vld [tilespmem:s6+$0x8430];
	[tilespmem:s0+$0x8440] =	vst v0;
	v3 =	vmul.f32 $1.131370830e+01, v3  }
0x4a: {  	v0 =	vld [tilespmem:s6+$0x8440];
	[tilespmem:s0+$0x8450] =	vst v1;
	v8 =	vmul.f32 $1.131370830e+01, v6  }
0x4b: {  	v6 =	vmul.f32 $1.131370830e+01, v7;
	v1 =	vld [tilespmem:s6+$0x8450];
	[tilespmem:s0+$0x8460] =	vst v3  }
0x4c: {  	s31 =	sadd.s32 $0x200, s31;
	v5 =	vmul.f32 $1.131370830e+01, v5;
	v3 =	vld [tilespmem:s6+$0x8460];
	[tilespmem:s0+$0x8470] =	vst v8;
	s0 =	smov.u32 s6  }
0x4d: {  	[tilespmem:s0+$0x8400] =	vst v6;
	v4 =	vmul.f32 $1.131370830e+01, v4;
	v6 =	vld [tilespmem:s0+$0x8470]  }
0x4e: {  	[tilespmem:s0+$0x8410] =	vst v5;
	v2 =	vmul.f32 $1.131370830e+01, v2  }
0x4f: {  	[tilespmem:s0+$0x8420] =	vst v4;
	v0 =	vmul.f32 $1.131370830e+01, v0  }
0x50: {  	[tilespmem:s0+$0x8430] =	vst v2;
	v1 =	vmul.f32 $1.131370830e+01, v1  }
0x51: {  	[tilespmem:s0+$0x8440] =	vst v0;
	v0 =	vmul.f32 $1.131370830e+01, v3  }
0x52: {  	[tilespmem:s0+$0x8450] =	vst v1;
	v1 =	vmul.f32 $1.131370830e+01, v6  }
0x53: {  	p0 =	seq.s32 s29, $0x0;
	[tilespmem:s0+$0x8460] =	vst v0  }
0x54: {  	s9 =	sadd.s32 s1, s7;
	[tilespmem:s0+$0x8470] =	vst v1;
	s0 =	simm.s32 @!p0 $0x7  }
0x55: {  	[hbm4b:s9+s5] =	stream.linear.scatter [tilespmem:s15], [sflag:$0x5], $0x2000, $0x38;
	[tilespmem:$0x16400] =	vst v63  }
0x56: {  	_ =	swait.ge @!p0 [sflag:s0], $0x4000  }
0x57: {  	[sflag:s0] =	ssyncset.done @!p0 $0x0  }
0x58: {  	s1 =	sor.u32 $0x100, s30;
	[sflag:s0] =	ssyncadd.s32 @!p0 $0xFFFFC000  }
0x59: {  	[tilespmem:s16], [sflag:$0x3] =	stream.indirect.gather [hbm4b:s2+s11], $0x80, s1, s11, $0xb8;
	[tilespmem:$0x16400] =	vst v63  }
0x5a: {  	_ =	swait.ge [sflag:s17], $0x4000  }
0x5b: {  	[sflag:s17] =	ssyncset.done $0x0  }
0x5c: {  	s0 =	simm.s32 $0x0;
	[sflag:s17] =	ssyncadd.s32 $0xFFFFC000  }
0x5d: {  	v3 =	vld [tilespmem:s0+$0xA400]  }
0x5e: {  	v5 =	vld [tilespmem:s0+$0xA410]  }
0x5f: {  	v4 =	vld [tilespmem:s0+$0xA420]  }
0x60: {  	v2 =	vld [tilespmem:s0+$0xA430]  }
0x61: {  	v0 =	vld [tilespmem:s0+$0xA440]  }
0x62: {  	v1 =	vld [tilespmem:s0+$0xA450];
	v6 =	vmul.f32 $1.131370830e+01, v3  }
0x63: {  	s31 =	simm.s32 $0x200;
	v5 =	vmul.f32 $1.131370830e+01, v5;
	v3 =	vld [tilespmem:s0+$0xA460]  }
.LBB2_7:
0x64: {  	s6 =	sshra.s32 s31, $0x2;
	p1 =	sne.s32 s31, $0x7E00;
	[tilespmem:s0+$0xA400] =	vst v6;
	v4 =	vmul.f32 $1.131370830e+01, v4;
	v6 =	vld [tilespmem:s0+$0xA470]  }
0x65: {  	v7 =	vld [tilespmem:s6+$0xA400];
	[tilespmem:s0+$0xA410] =	vst v5;
	v2 =	vmul.f32 $1.131370830e+01, v2  }
0x66: {  	v5 =	vld [tilespmem:s6+$0xA410];
	[tilespmem:s0+$0xA420] =	vst v4;
	v0 =	vmul.f32 $1.131370830e+01, v0  }
.Ltmp4:
0x67: {  	v4 =	vld [tilespmem:s6+$0xA420];
	[tilespmem:s0+$0xA430] =	vst v2;
	v1 =	vmul.f32 $1.131370830e+01, v1;
	(pc) =	sbr.rel @p1 .LBB2_7-.Ltmp4, $4  }
0x68: {  	v2 =	vld [tilespmem:s6+$0xA430];
	[tilespmem:s0+$0xA440] =	vst v0;
	v3 =	vmul.f32 $1.131370830e+01, v3  }
0x69: {  	v0 =	vld [tilespmem:s6+$0xA440];
	[tilespmem:s0+$0xA450] =	vst v1;
	v8 =	vmul.f32 $1.131370830e+01, v6  }
0x6a: {  	v6 =	vmul.f32 $1.131370830e+01, v7;
	v1 =	vld [tilespmem:s6+$0xA450];
	[tilespmem:s0+$0xA460] =	vst v3  }
0x6b: {  	s31 =	sadd.s32 $0x200, s31;
	v5 =	vmul.f32 $1.131370830e+01, v5;
	v3 =	vld [tilespmem:s6+$0xA460];
	[tilespmem:s0+$0xA470] =	vst v8;
	s0 =	smov.u32 s6  }
0x6c: {  	[tilespmem:s0+$0xA400] =	vst v6;
	v4 =	vmul.f32 $1.131370830e+01, v4;
	v6 =	vld [tilespmem:s0+$0xA470]  }
0x6d: {  	[tilespmem:s0+$0xA410] =	vst v5;
	v2 =	vmul.f32 $1.131370830e+01, v2  }
0x6e: {  	[tilespmem:s0+$0xA420] =	vst v4;
	v0 =	vmul.f32 $1.131370830e+01, v0  }
0x6f: {  	[tilespmem:s0+$0xA430] =	vst v2;
	v1 =	vmul.f32 $1.131370830e+01, v1  }
0x70: {  	[tilespmem:s0+$0xA440] =	vst v0;
	v0 =	vmul.f32 $1.131370830e+01, v3  }
0x71: {  	s6 =	sadd.s32 s30, s8;
	[tilespmem:s0+$0xA450] =	vst v1;
	v1 =	vmul.f32 $1.131370830e+01, v6  }
0x72: {  	s31 =	sshll.u32 s6, $0x4;
	[tilespmem:s0+$0xA460] =	vst v0  }
0x73: {  	s9 =	simm.s32 $0x0;
	s6 =	sadd.s32 s3, s31;
	[tilespmem:s0+$0xA470] =	vst v1;
	s0 =	simm.s32 $0x0  }
0x74: {  	[hbm4b:s6+s9] =	stream.linear.scatter [tilespmem:s13], [sflag:$0x6], $0x2000, $0x38;
	[tilespmem:$0x16400] =	vst v63  }
0x75: {  	v3 =	vld [tilespmem:s0+$0xC400]  }
0x76: {  	v5 =	vld [tilespmem:s0+$0xC410]  }
0x77: {  	v4 =	vld [tilespmem:s0+$0xC420]  }
0x78: {  	v2 =	vld [tilespmem:s0+$0xC430]  }
0x79: {  	v0 =	vld [tilespmem:s0+$0xC440]  }
0x7a: {  	v1 =	vld [tilespmem:s0+$0xC450];
	v6 =	vmul.f32 $1.131370830e+01, v3  }
0x7b: {  	s6 =	simm.s32 $0x200;
	v5 =	vmul.f32 $1.131370830e+01, v5;
	v3 =	vld [tilespmem:s0+$0xC460]  }
.LBB2_9:
0x7c: {  	s9 =	sshra.s32 s6, $0x2;
	p1 =	sne.s32 s6, $0x7E00;
	[tilespmem:s0+$0xC400] =	vst v6;
	v4 =	vmul.f32 $1.131370830e+01, v4;
	v6 =	vld [tilespmem:s0+$0xC470]  }
0x7d: {  	v7 =	vld [tilespmem:s9+$0xC400];
	[tilespmem:s0+$0xC410] =	vst v5;
	v2 =	vmul.f32 $1.131370830e+01, v2  }
0x7e: {  	v5 =	vld [tilespmem:s9+$0xC410];
	[tilespmem:s0+$0xC420] =	vst v4;
	v0 =	vmul.f32 $1.131370830e+01, v0  }
.Ltmp5:
0x7f: {  	v4 =	vld [tilespmem:s9+$0xC420];
	[tilespmem:s0+$0xC430] =	vst v2;
	v1 =	vmul.f32 $1.131370830e+01, v1;
	(pc) =	sbr.rel @p1 .LBB2_9-.Ltmp5, $4  }
0x80: {  	v2 =	vld [tilespmem:s9+$0xC430];
	[tilespmem:s0+$0xC440] =	vst v0;
	v3 =	vmul.f32 $1.131370830e+01, v3  }
0x81: {  	v0 =	vld [tilespmem:s9+$0xC440];
	[tilespmem:s0+$0xC450] =	vst v1;
	v8 =	vmul.f32 $1.131370830e+01, v6  }
0x82: {  	v6 =	vmul.f32 $1.131370830e+01, v7;
	v1 =	vld [tilespmem:s9+$0xC450];
	[tilespmem:s0+$0xC460] =	vst v3  }
0x83: {  	s6 =	sadd.s32 $0x200, s6;
	v5 =	vmul.f32 $1.131370830e+01, v5;
	v3 =	vld [tilespmem:s9+$0xC460];
	[tilespmem:s0+$0xC470] =	vst v8;
	s0 =	smov.u32 s9  }
0x84: {  	[tilespmem:s0+$0xC400] =	vst v6;
	v4 =	vmul.f32 $1.131370830e+01, v4;
	v6 =	vld [tilespmem:s0+$0xC470]  }
0x85: {  	[tilespmem:s0+$0xC410] =	vst v5;
	v2 =	vmul.f32 $1.131370830e+01, v2  }
0x86: {  	[tilespmem:s0+$0xC420] =	vst v4;
	v0 =	vmul.f32 $1.131370830e+01, v0  }
0x87: {  	[tilespmem:s0+$0xC430] =	vst v2;
	v1 =	vmul.f32 $1.131370830e+01, v1  }
0x88: {  	[tilespmem:s0+$0xC440] =	vst v0;
	v0 =	vmul.f32 $1.131370830e+01, v3  }
0x89: {  	[tilespmem:s0+$0xC450] =	vst v1;
	v1 =	vmul.f32 $1.131370830e+01, v6  }
0x8a: {  	s6 =	sand.u32 $0x1FFFE800, s31;
	[tilespmem:s0+$0xC460] =	vst v0  }
0x8b: {  	s9 =	sadd.s32 s6, s7;
	[tilespmem:s0+$0xC470] =	vst v1;
	s0 =	simm.s32 @!p0 $0x8  }
0x8c: {  	[hbm4b:s9+s5] =	stream.linear.scatter [tilespmem:s18], [sflag:$0x6], $0x2000, $0x38;
	[tilespmem:$0x16400] =	vst v63  }
0x8d: {  	_ =	swait.ge @!p0 [sflag:s0], $0x4000  }
0x8e: {  	[sflag:s0] =	ssyncset.done @!p0 $0x0  }
0x8f: {  	s31 =	sor.u32 $0x180, s30;
	[sflag:s0] =	ssyncadd.s32 @!p0 $0xFFFFC000  }
0x90: {  	[tilespmem:s19], [sflag:$0x4] =	stream.indirect.gather [hbm4b:s2+s11], $0x80, s31, s11, $0xb8;
	[tilespmem:$0x16400] =	vst v63  }
0x91: {  	_ =	swait.ge [sflag:s20], $0x4000  }
0x92: {  	[sflag:s20] =	ssyncset.done $0x0  }
0x93: {  	s0 =	simm.s32 $0x0;
	[sflag:s20] =	ssyncadd.s32 $0xFFFFC000  }
0x94: {  	v3 =	vld [tilespmem:s0+$0xE400]  }
0x95: {  	v5 =	vld [tilespmem:s0+$0xE410]  }
0x96: {  	v4 =	vld [tilespmem:s0+$0xE420]  }
0x97: {  	v2 =	vld [tilespmem:s0+$0xE430]  }
0x98: {  	v0 =	vld [tilespmem:s0+$0xE440]  }
0x99: {  	v1 =	vld [tilespmem:s0+$0xE450];
	v6 =	vmul.f32 $1.131370830e+01, v3  }
0x9a: {  	s6 =	simm.s32 $0x200;
	v5 =	vmul.f32 $1.131370830e+01, v5;
	v3 =	vld [tilespmem:s0+$0xE460]  }
.LBB2_11:
0x9b: {  	s9 =	sshra.s32 s6, $0x2;
	p0 =	sne.s32 s6, $0x7E00;
	[tilespmem:s0+$0xE400] =	vst v6;
	v4 =	vmul.f32 $1.131370830e+01, v4;
	v6 =	vld [tilespmem:s0+$0xE470]  }
0x9c: {  	v7 =	vld [tilespmem:s9+$0xE400];
	[tilespmem:s0+$0xE410] =	vst v5;
	v2 =	vmul.f32 $1.131370830e+01, v2  }
0x9d: {  	v5 =	vld [tilespmem:s9+$0xE410];
	[tilespmem:s0+$0xE420] =	vst v4;
	v0 =	vmul.f32 $1.131370830e+01, v0  }
.Ltmp6:
0x9e: {  	v4 =	vld [tilespmem:s9+$0xE420];
	[tilespmem:s0+$0xE430] =	vst v2;
	v1 =	vmul.f32 $1.131370830e+01, v1;
	(pc) =	sbr.rel @p0 .LBB2_11-.Ltmp6, $4  }
0x9f: {  	v2 =	vld [tilespmem:s9+$0xE430];
	[tilespmem:s0+$0xE440] =	vst v0;
	v3 =	vmul.f32 $1.131370830e+01, v3  }
0xa0: {  	v0 =	vld [tilespmem:s9+$0xE440];
	[tilespmem:s0+$0xE450] =	vst v1;
	v8 =	vmul.f32 $1.131370830e+01, v6  }
0xa1: {  	v6 =	vmul.f32 $1.131370830e+01, v7;
	v1 =	vld [tilespmem:s9+$0xE450];
	[tilespmem:s0+$0xE460] =	vst v3  }
0xa2: {  	s6 =	sadd.s32 $0x200, s6;
	v5 =	vmul.f32 $1.131370830e+01, v5;
	v3 =	vld [tilespmem:s9+$0xE460];
	[tilespmem:s0+$0xE470] =	vst v8;
	s0 =	smov.u32 s9  }
0xa3: {  	[tilespmem:s0+$0xE400] =	vst v6;
	v4 =	vmul.f32 $1.131370830e+01, v4;
	v6 =	vld [tilespmem:s0+$0xE470]  }
0xa4: {  	[tilespmem:s0+$0xE410] =	vst v5;
	v2 =	vmul.f32 $1.131370830e+01, v2  }
0xa5: {  	[tilespmem:s0+$0xE420] =	vst v4;
	v0 =	vmul.f32 $1.131370830e+01, v0  }
0xa6: {  	[tilespmem:s0+$0xE430] =	vst v2;
	v1 =	vmul.f32 $1.131370830e+01, v1  }
0xa7: {  	[tilespmem:s0+$0xE440] =	vst v0;
	v0 =	vmul.f32 $1.131370830e+01, v3  }
0xa8: {  	s1 =	sadd.s32 s4, s1;
	[tilespmem:s0+$0xE450] =	vst v1;
	v1 =	vmul.f32 $1.131370830e+01, v6  }
0xa9: {  	s1 =	sshll.u32 s1, $0x4;
	[tilespmem:s0+$0xE460] =	vst v0  }
0xaa: {  	s6 =	simm.s32 $0x0;
	s9 =	sadd.s32 s3, s1;
	[tilespmem:s0+$0xE470] =	vst v1;
	s0 =	simm.s32 $0x0  }
0xab: {  	[hbm4b:s9+s6] =	stream.linear.scatter [tilespmem:s16], [sflag:$0x7], $0x2000, $0x38;
	[tilespmem:$0x16400] =	vst v63  }
0xac: {  	v3 =	vld [tilespmem:s0+$0x10400]  }
0xad: {  	v5 =	vld [tilespmem:s0+$0x10410]  }
0xae: {  	v4 =	vld [tilespmem:s0+$0x10420]  }
0xaf: {  	v2 =	vld [tilespmem:s0+$0x10430]  }
0xb0: {  	v0 =	vld [tilespmem:s0+$0x10440]  }
0xb1: {  	v1 =	vld [tilespmem:s0+$0x10450];
	v6 =	vmul.f32 $1.131370830e+01, v3  }
0xb2: {  	s6 =	simm.s32 $0x200;
	v5 =	vmul.f32 $1.131370830e+01, v5;
	v3 =	vld [tilespmem:s0+$0x10460]  }
.LBB2_13:
0xb3: {  	s9 =	sshra.s32 s6, $0x2;
	p0 =	sne.s32 s6, $0x7E00;
	[tilespmem:s0+$0x10400] =	vst v6;
	v4 =	vmul.f32 $1.131370830e+01, v4;
	v6 =	vld [tilespmem:s0+$0x10470]  }
0xb4: {  	v7 =	vld [tilespmem:s9+$0x10400];
	[tilespmem:s0+$0x10410] =	vst v5;
	v2 =	vmul.f32 $1.131370830e+01, v2  }
0xb5: {  	v5 =	vld [tilespmem:s9+$0x10410];
	[tilespmem:s0+$0x10420] =	vst v4;
	v0 =	vmul.f32 $1.131370830e+01, v0  }
.Ltmp7:
0xb6: {  	v4 =	vld [tilespmem:s9+$0x10420];
	[tilespmem:s0+$0x10430] =	vst v2;
	v1 =	vmul.f32 $1.131370830e+01, v1;
	(pc) =	sbr.rel @p0 .LBB2_13-.Ltmp7, $4  }
0xb7: {  	v2 =	vld [tilespmem:s9+$0x10430];
	[tilespmem:s0+$0x10440] =	vst v0;
	v3 =	vmul.f32 $1.131370830e+01, v3  }
0xb8: {  	v0 =	vld [tilespmem:s9+$0x10440];
	[tilespmem:s0+$0x10450] =	vst v1;
	v8 =	vmul.f32 $1.131370830e+01, v6  }
0xb9: {  	v6 =	vmul.f32 $1.131370830e+01, v7;
	v1 =	vld [tilespmem:s9+$0x10450];
	[tilespmem:s0+$0x10460] =	vst v3  }
0xba: {  	s6 =	sadd.s32 $0x200, s6;
	v5 =	vmul.f32 $1.131370830e+01, v5;
	v3 =	vld [tilespmem:s9+$0x10460];
	[tilespmem:s0+$0x10470] =	vst v8;
	s0 =	smov.u32 s9  }
0xbb: {  	[tilespmem:s0+$0x10400] =	vst v6;
	v4 =	vmul.f32 $1.131370830e+01, v4;
	v6 =	vld [tilespmem:s0+$0x10470]  }
0xbc: {  	[tilespmem:s0+$0x10410] =	vst v5;
	v2 =	vmul.f32 $1.131370830e+01, v2  }
0xbd: {  	[tilespmem:s0+$0x10420] =	vst v4;
	v0 =	vmul.f32 $1.131370830e+01, v0  }
0xbe: {  	[tilespmem:s0+$0x10430] =	vst v2;
	v1 =	vmul.f32 $1.131370830e+01, v1  }
0xbf: {  	[tilespmem:s0+$0x10440] =	vst v0;
	v0 =	vmul.f32 $1.131370830e+01, v3  }
0xc0: {  	[tilespmem:s0+$0x10450] =	vst v1;
	v1 =	vmul.f32 $1.131370830e+01, v6  }
0xc1: {  	s1 =	sand.u32 $0x1FFFF000, s1;
	p0 =	seq.s32 s29, $0x31;
	[tilespmem:s0+$0x10460] =	vst v0  }
0xc2: {  	s9 =	sadd.s32 s1, s7;
	[tilespmem:s0+$0x10470] =	vst v1;
	s0 =	simm.s32 @!p0 $0x5  }
0xc3: {  	[hbm4b:s9+s5] =	stream.linear.scatter [tilespmem:s21], [sflag:$0x7], $0x2000, $0x38;
	[tilespmem:$0x16400] =	vst v63  }
0xc4: {  	_ =	swait.ge @!p0 [sflag:s0], $0x4000  }
0xc5: {  	s1 =	sshll.u32 @!p0 s29, $0x9;
	[sflag:s0] =	ssyncset.done @!p0 $0x0  }
0xc6: {  	[sflag:s0] =	ssyncadd.s32 @!p0 $0xFFFFC000;
	s0 =	sand.u32 @!p0 $0x3FFFFE00, s1  }
0xc7: {  	s6 =	simm.s32 @!p0 $0x6400;
	s1 =	simm.s32 @!p0 $0x80;
	s0 =	sadd.s32 @!p0 $0x200, s0  }
0xc8: {  	[tilespmem:s6], [sflag:$0x1] =	stream.indirect.gather @!p0 [hbm4b:s2+s1], $0x80, s0, s1, $0xb8;
	[tilespmem:$0x16400] =	vst v63  }
0xc9: {  	_ =	swait.ge [sflag:s22], $0x4000  }
0xca: {  	[sflag:s22] =	ssyncset.done $0x0  }
0xcb: {  	s0 =	simm.s32 $0x0;
	[sflag:s22] =	ssyncadd.s32 $0xFFFFC000  }
0xcc: {  	v3 =	vld [tilespmem:s0+$0x12400]  }
0xcd: {  	v5 =	vld [tilespmem:s0+$0x12410]  }
0xce: {  	v4 =	vld [tilespmem:s0+$0x12420]  }
0xcf: {  	v2 =	vld [tilespmem:s0+$0x12430]  }
0xd0: {  	v0 =	vld [tilespmem:s0+$0x12440]  }
0xd1: {  	v1 =	vld [tilespmem:s0+$0x12450];
	v6 =	vmul.f32 $1.131370830e+01, v3  }
0xd2: {  	s1 =	simm.s32 $0x200;
	v5 =	vmul.f32 $1.131370830e+01, v5;
	v3 =	vld [tilespmem:s0+$0x12460]  }
.LBB2_15:
0xd3: {  	s6 =	sshra.s32 s1, $0x2;
	p1 =	sne.s32 s1, $0x7E00;
	[tilespmem:s0+$0x12400] =	vst v6;
	v4 =	vmul.f32 $1.131370830e+01, v4;
	v6 =	vld [tilespmem:s0+$0x12470]  }
0xd4: {  	v7 =	vld [tilespmem:s6+$0x12400];
	[tilespmem:s0+$0x12410] =	vst v5;
	v2 =	vmul.f32 $1.131370830e+01, v2  }
0xd5: {  	v5 =	vld [tilespmem:s6+$0x12410];
	[tilespmem:s0+$0x12420] =	vst v4;
	v0 =	vmul.f32 $1.131370830e+01, v0  }
.Ltmp8:
0xd6: {  	v4 =	vld [tilespmem:s6+$0x12420];
	[tilespmem:s0+$0x12430] =	vst v2;
	v1 =	vmul.f32 $1.131370830e+01, v1;
	(pc) =	sbr.rel @p1 .LBB2_15-.Ltmp8, $4  }
0xd7: {  	v2 =	vld [tilespmem:s6+$0x12430];
	[tilespmem:s0+$0x12440] =	vst v0;
	v3 =	vmul.f32 $1.131370830e+01, v3  }
0xd8: {  	v0 =	vld [tilespmem:s6+$0x12440];
	[tilespmem:s0+$0x12450] =	vst v1;
	v8 =	vmul.f32 $1.131370830e+01, v6  }
0xd9: {  	v6 =	vmul.f32 $1.131370830e+01, v7;
	v1 =	vld [tilespmem:s6+$0x12450];
	[tilespmem:s0+$0x12460] =	vst v3  }
0xda: {  	s1 =	sadd.s32 $0x200, s1;
	v5 =	vmul.f32 $1.131370830e+01, v5;
	v3 =	vld [tilespmem:s6+$0x12460];
	[tilespmem:s0+$0x12470] =	vst v8;
	s0 =	smov.u32 s6  }
0xdb: {  	[tilespmem:s0+$0x12400] =	vst v6;
	v4 =	vmul.f32 $1.131370830e+01, v4;
	v6 =	vld [tilespmem:s0+$0x12470]  }
0xdc: {  	[tilespmem:s0+$0x12410] =	vst v5;
	v2 =	vmul.f32 $1.131370830e+01, v2  }
0xdd: {  	[tilespmem:s0+$0x12420] =	vst v4;
	v0 =	vmul.f32 $1.131370830e+01, v0  }
0xde: {  	[tilespmem:s0+$0x12430] =	vst v2;
	v1 =	vmul.f32 $1.131370830e+01, v1  }
0xdf: {  	[tilespmem:s0+$0x12440] =	vst v0;
	v0 =	vmul.f32 $1.131370830e+01, v3  }
0xe0: {  	s1 =	sadd.s32 s4, s31;
	[tilespmem:s0+$0x12450] =	vst v1;
	v1 =	vmul.f32 $1.131370830e+01, v6  }
0xe1: {  	s1 =	sshll.u32 s1, $0x4;
	[tilespmem:s0+$0x12460] =	vst v0  }
0xe2: {  	s6 =	simm.s32 $0x0;
	s31 =	sadd.s32 s3, s1;
	[tilespmem:s0+$0x12470] =	vst v1;
	s0 =	simm.s32 $0x0  }
0xe3: {  	[hbm4b:s31+s6] =	stream.linear.scatter [tilespmem:s19], [sflag:$0x8], $0x2000, $0x38;
	[tilespmem:$0x16400] =	vst v63  }
0xe4: {  	v3 =	vld [tilespmem:s0+$0x14400]  }
0xe5: {  	v5 =	vld [tilespmem:s0+$0x14410]  }
0xe6: {  	v4 =	vld [tilespmem:s0+$0x14420]  }
0xe7: {  	v2 =	vld [tilespmem:s0+$0x14430]  }
0xe8: {  	v0 =	vld [tilespmem:s0+$0x14440]  }
0xe9: {  	v1 =	vld [tilespmem:s0+$0x14450];
	v6 =	vmul.f32 $1.131370830e+01, v3  }
0xea: {  	s6 =	simm.s32 $0x200;
	v5 =	vmul.f32 $1.131370830e+01, v5;
	v3 =	vld [tilespmem:s0+$0x14460]  }
.LBB2_17:
0xeb: {  	s9 =	sshra.s32 s6, $0x2;
	p1 =	sne.s32 s6, $0x7E00;
	[tilespmem:s0+$0x14400] =	vst v6;
	v4 =	vmul.f32 $1.131370830e+01, v4;
	v6 =	vld [tilespmem:s0+$0x14470]  }
0xec: {  	v7 =	vld [tilespmem:s9+$0x14400];
	[tilespmem:s0+$0x14410] =	vst v5;
	v2 =	vmul.f32 $1.131370830e+01, v2  }
0xed: {  	v5 =	vld [tilespmem:s9+$0x14410];
	[tilespmem:s0+$0x14420] =	vst v4;
	v0 =	vmul.f32 $1.131370830e+01, v0  }
.Ltmp9:
0xee: {  	v4 =	vld [tilespmem:s9+$0x14420];
	[tilespmem:s0+$0x14430] =	vst v2;
	v1 =	vmul.f32 $1.131370830e+01, v1;
	(pc) =	sbr.rel @p1 .LBB2_17-.Ltmp9, $4  }
0xef: {  	v2 =	vld [tilespmem:s9+$0x14430];
	[tilespmem:s0+$0x14440] =	vst v0;
	v3 =	vmul.f32 $1.131370830e+01, v3  }
0xf0: {  	v0 =	vld [tilespmem:s9+$0x14440];
	[tilespmem:s0+$0x14450] =	vst v1;
	v8 =	vmul.f32 $1.131370830e+01, v6  }
0xf1: {  	v6 =	vmul.f32 $1.131370830e+01, v7;
	v1 =	vld [tilespmem:s9+$0x14450];
	[tilespmem:s0+$0x14460] =	vst v3  }
0xf2: {  	s6 =	sadd.s32 $0x200, s6;
	v5 =	vmul.f32 $1.131370830e+01, v5;
	v3 =	vld [tilespmem:s9+$0x14460];
	[tilespmem:s0+$0x14470] =	vst v8;
	s0 =	smov.u32 s9  }
0xf3: {  	[tilespmem:s0+$0x14400] =	vst v6;
	v4 =	vmul.f32 $1.131370830e+01, v4;
	v61 =	vld [tilespmem:s0+$0x14470]  }
0xf4: {  	[tilespmem:s0+$0x14410] =	vst v5;
	v2 =	vmul.f32 $1.131370830e+01, v2  }
0xf5: {  	[tilespmem:s0+$0x14420] =	vst v4;
	v0 =	vmul.f32 $1.131370830e+01, v0  }
0xf6: {  	[tilespmem:s0+$0x14430] =	vst v2;
	v1 =	vmul.f32 $1.131370830e+01, v1  }
.Ltmp10:
0xf7: {  	[tilespmem:s0+$0x14440] =	vst v0;
	v62 =	vmul.f32 $1.131370830e+01, v3;
	(pc) =	sbr.rel @p0 .LBB2_20-.Ltmp10, $4  }
0xf8: {  	[tilespmem:s0+$0x14450] =	vst v1;
	v63 =	vmul.f32 $1.131370830e+01, v61  }
0xf9: {  	s1 =	sand.u32 $0x1FFFF800, s1;
	[tilespmem:s0+$0x14460] =	vst v62  }
0xfa: {  	s31 =	sadd.s32 s1, s7;
	[tilespmem:s0+$0x14470] =	vst v63  }
0xfb: {  	[hbm4b:s31+s5] =	stream.linear.scatter [tilespmem:s23], [sflag:$0x8], $0x2000, $0x38;
	[tilespmem:$0x16400] =	vst v63  }
.Ltmp11:
0xfc: {  	(pc) =	sbr.rel .LBB2_2-.Ltmp11, $4  }
0xfd: {  	_ =	swait.ge [sflag:s26], $0x4000  }
0xfe: {  	s0 =	sand.u32 $0x3FFFFE00, s30;
	[sflag:s26] =	ssyncset.done $0x0  }
0xff: {  	s29 =	sadd.s32 $0x1, s29;
	s0 =	sadd.s32 $0x280, s0;
	[sflag:s26] =	ssyncadd.s32 $0xFFFFC000  }
0x100: {  	[tilespmem:s13], [sflag:$0x2] =	stream.indirect.gather [hbm4b:s2+s11], $0x80, s0, s11, $0xb8;
	[tilespmem:$0x16400] =	vst v63  }
.LBB2_21:
0x101: {  	_ =	sfence.sel $0x180000  }
0x102: {  	[bflag:$0x0] =	sbarrier.arrive $0xFFFF  }
0x103: {  	_ =	strace $0x90000047  }
0x104: {  	s0 =	stileid.u32;
	[bflag:$0x2] =	sbarrier.arrive $0xFFFF  }
0x105: {  	p0 =	sne.s32 s0, $0x0;
	s0 =	rddreg [dreg:$0x3]  }
0x106: {  	s0 =	sadd.s32 @!p0 $0x100000, s0  }
0x107: {  	[sflag:s0] =	ssyncadd.tile.s32 @!p0 $0x1;
	_ =	shalt  }
.Lfunc_end2:
_tile_overlayer_lowered:
.L_overlay_start_2:
0x108: {  	(tag) =	ssettag $0x2  }
0x109: {  	s0 =	rddreg [dreg:$0x0];
	s2 =	stileid.u32  }
0x10a: {  	s1 =	rddreg [dreg:$0x1];
	p0 =	sne.s32 s2, $0x0  }
0x10b: {  	s3 =	rddreg [dreg:$0x2];
	[bflag:$0x3] =	sbarrier.arrive $0xFFFF;
	s2 =	simm.s32 @!p0 $0x1C09  }
0x10c: {  	[timem:s3], [sflag:s2] =	dma.local @!p0 [hbm:s0], s1  }
0x10d: {  	s0 =	simm.s32 @!p0 $0x9  }
0x10e: {  	_ =	swait.ge @!p0 [sflag:s0], s1  }
0x10f: {  	s1 =	ssub.s32 @!p0 $0x0, s1;
	[sflag:s0] =	ssyncset.done @!p0 $0x0  }
0x110: {  	[sflag:s0] =	ssyncadd.s32 @!p0 s1  }
0x111: {  	[bflag:$0x3] =	sbarrier.arrive $0xFFFF  }
0x112: {  	_ =	shalt  }

</sc_bundles>
